<compile_context>
chip_gen: v7x
topology: tpu7x:2x2x1
jax: 0.10.2.dev20260603
libtpu: 0.0.44.dev20260713+nightly
codegen_flags: <defaults>
</compile_context>

<pallas_src>
import functools

import jax
import jax.numpy as jnp
from jax import lax
from jax.experimental import pallas as pl
from jax.experimental.pallas import tpu as pltpu
from jax.experimental.pallas import tpu_sc as plsc

NUM_CORES = 2
NUM_SUBCORES = 16
NUM_WORKERS = NUM_CORES * NUM_SUBCORES
LANES = 16
CHUNK = 512


def _make_deg_kernel(np_, e, epw):
    rows_per_tile = np_ // NUM_SUBCORES
    vregs_per_tile = rows_per_tile // LANES
    fc = epw // CHUNK
    tail = epw - fc * CHUNK

    mesh = plsc.VectorSubcoreMesh(
        core_axis_name="c", subcore_axis_name="s",
        num_cores=NUM_CORES, num_subcores=NUM_SUBCORES)

    def body(ei_hbm, cnt_hbm, deg_sh, idx_v, ones_v, deg_v, cnt_v, tidx_v,
             isem, ssem):
        c = lax.axis_index("c")
        s = lax.axis_index("s")
        w = s * NUM_CORES + c
        ebase = w * epw

        def zb(i, carry):
            deg_v[pl.ds(i * LANES, LANES)] = jnp.zeros((LANES,), jnp.float32)
            return carry
        lax.fori_loop(0, vregs_per_tile, zb, None)
        pltpu.sync_copy(deg_v, deg_sh.at[pl.ds(s * rows_per_tile, rows_per_tile)])

        def ob(i, carry):
            ones_v[pl.ds(i * LANES, LANES)] = jnp.ones((LANES,), jnp.float32)
            return carry
        lax.fori_loop(0, CHUNK // LANES, ob, None)
        pltpu.sync_copy(ei_hbm.at[1].at[pl.ds(ebase, epw)], idx_v)

        plsc.subcore_barrier()

        def fire(j, carry):
            pltpu.async_copy(ones_v, deg_sh.at[idx_v.at[pl.ds(j * CHUNK, CHUNK)]],
                             ssem, add=True)
            return carry
        lax.fori_loop(0, fc, fire, None)

        def drain(j, carry):
            pltpu.make_async_copy(ones_v, deg_sh.at[idx_v.at[pl.ds(0, CHUNK)]],
                                  ssem).wait()
            return carry
        lax.fori_loop(0, fc, drain, None)

        if tail:
            pltpu.sync_copy(ei_hbm.at[1].at[pl.ds(ebase + fc * CHUNK, tail)],
                            tidx_v)
            pltpu.sync_copy(ones_v.at[pl.ds(0, tail)], deg_sh.at[tidx_v],
                            add=True)

        plsc.subcore_barrier()

        base = s * rows_per_tile
        pltpu.sync_copy(deg_sh.at[pl.ds(base, rows_per_tile)], deg_v)

        def bc(i, carry):
            v = deg_v[pl.ds(i * LANES, LANES)]
            for l in range(LANES):
                cnt_v[i * LANES + l, :] = jnp.full((LANES,), v[l], jnp.float32)
            return carry
        lax.fori_loop(0, vregs_per_tile, bc, None)
        pltpu.sync_copy(cnt_v, cnt_hbm.at[c].at[pl.ds(base, rows_per_tile)])

    return pl.kernel(
        body,
        out_type=jax.ShapeDtypeStruct((NUM_CORES, np_, LANES), jnp.float32),
        mesh=mesh,
        compiler_params=pltpu.CompilerParams(use_tc_tiling_on_sc=False),
        scratch_types=[
            pltpu.VMEM_SHARED((np_,), jnp.float32),
            pltpu.VMEM((epw,), jnp.int32),
            pltpu.VMEM((CHUNK,), jnp.float32),
            pltpu.VMEM((rows_per_tile,), jnp.float32),
            pltpu.VMEM((rows_per_tile, LANES), jnp.float32),
            pltpu.VMEM((tail if tail else LANES,), jnp.int32),
            pltpu.SemaphoreType.DMA,
            pltpu.SemaphoreType.DMA,
        ],
    )


def _make_agg_kernel(np_, e, epw, n):
    rows_per_tile = np_ // NUM_SUBCORES
    fc = epw // CHUNK
    tail = epw - fc * CHUNK
    lt = n // NUM_SUBCORES
    lt = -(-lt // 8) * 8
    nload = -(-n // lt)

    mesh = plsc.VectorSubcoreMesh(
        core_axis_name="c", subcore_axis_name="s",
        num_cores=NUM_CORES, num_subcores=NUM_SUBCORES)

    def body(g_hbm, ei_hbm, out_hbm, acc_sh, g_sh, srcb, dstb,
             rows0, rows1, rows2, rows3, zt, tidx_v, trows, gsem, ssem):
        c = lax.axis_index("c")
        s = lax.axis_index("s")
        w = s * NUM_CORES + c
        ebase = w * epw

        @pl.when(s < nload)
        def _():
            rows_here = min(lt, n - (nload - 1) * lt)
            lbase = s * lt

            @pl.when(s < nload - 1)
            def _():
                pltpu.sync_copy(g_hbm.at[pl.ds(lbase, lt)],
                                g_sh.at[pl.ds(lbase, lt)])

            @pl.when(s == nload - 1)
            def _():
                pltpu.sync_copy(g_hbm.at[pl.ds((nload - 1) * lt, rows_here)],
                                g_sh.at[pl.ds((nload - 1) * lt, rows_here)])

        def zb(i, carry):
            zt[i, :] = jnp.zeros((LANES,), jnp.float32)
            return carry
        lax.fori_loop(0, rows_per_tile, zb, None)
        pltpu.sync_copy(zt, acc_sh.at[pl.ds(s * rows_per_tile, rows_per_tile)])
        pltpu.sync_copy(ei_hbm.at[0].at[pl.ds(ebase, epw)], srcb)
        pltpu.sync_copy(ei_hbm.at[1].at[pl.ds(ebase, epw)], dstb)
        plsc.subcore_barrier()
        g_hbm = g_sh

        rows = (rows0, rows1, rows2, rows3)
        nbuf = len(rows)
        depth = nbuf - 1

        def sidx(j):
            return srcb.at[pl.ds(j * CHUNK, CHUNK)]

        def didx(j):
            return dstb.at[pl.ds(j * CHUNK, CHUNK)]

        for k in range(depth):
            pltpu.async_copy(g_hbm.at[sidx(k)], rows[k], gsem)

        def group(jg, carry):
            for b in range(nbuf):
                j = jg * nbuf + b
                buf = rows[b]
                pltpu.make_async_copy(g_hbm.at[sidx(j)], buf, gsem).wait()
                pltpu.async_copy(buf, acc_sh.at[didx(j)], ssem, add=True)
                prv = rows[(b - 1) % nbuf]

                @pl.when(j >= 1)
                def _():
                    pltpu.make_async_copy(prv, acc_sh.at[didx(j - 1)],
                                          ssem).wait()

                @pl.when(j + depth < fc)
                def _():
                    pltpu.async_copy(g_hbm.at[sidx(j + depth)], prv, gsem)
            return carry
        lax.fori_loop(0, fc // nbuf, group, None)
        for j in range(fc - fc % nbuf, fc):
            b = j % nbuf
            pltpu.make_async_copy(g_hbm.at[sidx(j)], rows[b], gsem).wait()
            pltpu.async_copy(rows[b], acc_sh.at[didx(j)], ssem, add=True)
            pltpu.make_async_copy(rows[(b - 1) % nbuf],
                                  acc_sh.at[didx(j - 1)], ssem).wait()
        pltpu.make_async_copy(rows[(fc - 1) % nbuf],
                              acc_sh.at[didx(fc - 1)], ssem).wait()

        if tail:
            pltpu.sync_copy(ei_hbm.at[0].at[pl.ds(ebase + fc * CHUNK, tail)],
                            tidx_v)
            pltpu.async_copy(g_hbm.at[tidx_v], trows, gsem).wait()
            pltpu.sync_copy(ei_hbm.at[1].at[pl.ds(ebase + fc * CHUNK, tail)],
                            tidx_v)
            pltpu.sync_copy(trows, acc_sh.at[tidx_v], add=True)

        plsc.subcore_barrier()
        base = s * rows_per_tile
        pltpu.sync_copy(acc_sh.at[pl.ds(base, rows_per_tile)],
                        out_hbm.at[c].at[pl.ds(base, rows_per_tile)])

    return pl.kernel(
        body,
        out_type=jax.ShapeDtypeStruct((NUM_CORES, np_, LANES), jnp.float32),
        mesh=mesh,
        compiler_params=pltpu.CompilerParams(use_tc_tiling_on_sc=False),
        scratch_types=[
            pltpu.VMEM_SHARED((np_, LANES), jnp.float32),
            pltpu.VMEM_SHARED((n, LANES), jnp.float32),
            pltpu.VMEM((epw,), jnp.int32),
            pltpu.VMEM((epw,), jnp.int32),
            pltpu.VMEM((CHUNK, LANES), jnp.float32),
            pltpu.VMEM((CHUNK, LANES), jnp.float32),
            pltpu.VMEM((CHUNK, LANES), jnp.float32),
            pltpu.VMEM((CHUNK, LANES), jnp.float32),
            pltpu.VMEM((rows_per_tile, LANES), jnp.float32),
            pltpu.VMEM((tail if tail else LANES,), jnp.int32),
            pltpu.VMEM((tail if tail else LANES, LANES), jnp.float32),
            pltpu.SemaphoreType.DMA,
            pltpu.SemaphoreType.DMA,
        ],
    )


_FW = 128
_GRP = _FW // LANES


def _tc_scale_matmul(x8, w1b, cnt_f, nf, npf):
    def body(x_ref, w_ref, c_ref, o_ref, d_ref):
        dis = jax.lax.rsqrt(c_ref[0, :nf] + c_ref[1, :nf] + 1.0)
        d_ref[...] = dis
        h = jnp.dot(x_ref[...], w_ref[...], preferred_element_type=jnp.float32)
        o_ref[...] = dis * h

    return pl.pallas_call(
        body,
        out_shape=[jax.ShapeDtypeStruct((nf, _FW), jnp.float32),
                   jax.ShapeDtypeStruct((nf, _FW), jnp.float32)],
    )(x8, w1b, cnt_f)


def _tc_mid_layer(p_f, g1_f, dis_f, b1, w2b, nf):
    def body(p_ref, g_ref, d_ref, b_ref, w_ref, o_ref):
        agg = p_ref[0, :nf] + p_ref[1, :nf] + g_ref[...]
        h = jnp.maximum(d_ref[...] * agg + b_ref[...], 0.0)
        o_ref[...] = d_ref[...] * jnp.dot(
            h, w_ref[...], preferred_element_type=jnp.float32)

    return pl.pallas_call(
        body,
        out_shape=jax.ShapeDtypeStruct((nf, _FW), jnp.float32),
    )(p_f, g1_f, dis_f, b1, w2b)


def _tc_final_layer(q_f, g2_f, dis_f, b2, nf):
    def body(q_ref, g_ref, d_ref, b_ref, o_ref):
        agg = q_ref[0, :nf] + q_ref[1, :nf] + g_ref[...]
        o_ref[...] = jax.nn.sigmoid(d_ref[...] * agg + b_ref[...])

    return pl.pallas_call(
        body,
        out_shape=jax.ShapeDtypeStruct((nf, _FW), jnp.float32),
    )(q_f, g2_f, dis_f, b2)


def kernel(x, edge_index, W1, b1, W2, b2):
    n, f0 = x.shape
    e = edge_index.shape[1]
    f1 = W1.shape[1]
    f2 = W2.shape[1]

    np_ = -(-(n + LANES) // 256) * 256
    if e % (NUM_WORKERS * LANES):
        e_pad = -(-e // (NUM_WORKERS * LANES)) * NUM_WORKERS * LANES
        padi = jnp.arange(e_pad - e, dtype=edge_index.dtype)
        ei = jnp.concatenate(
            [edge_index, jnp.stack([padi % LANES, n + (padi % LANES)])], axis=1)
    else:
        e_pad = e
        ei = edge_index
    epw = e_pad // NUM_WORKERS
    nf = n * LANES // _FW
    npf = np_ * LANES // _FW

    b1row = jnp.tile(b1, _GRP).reshape(1, _FW)
    w1b = jnp.kron(jnp.eye(_GRP, dtype=jnp.float32), W1)
    w2pad = jnp.zeros((f1, LANES), jnp.float32).at[:, :f2].set(W2)
    w2b = jnp.kron(jnp.eye(_GRP, dtype=jnp.float32), w2pad)
    b2row = jnp.tile(jnp.zeros((LANES,), jnp.float32).at[:f2].set(b2),
                     _GRP).reshape(1, _FW)

    cnt = _make_deg_kernel(np_, e_pad, epw)(ei)
    agg = _make_agg_kernel(np_, e_pad, epw, n)

    g1_f, dis_f = _tc_scale_matmul(x.reshape(nf, f0 * _GRP), w1b,
                                   cnt.reshape(2, npf, _FW), nf, npf)
    p = agg(g1_f.reshape(n, LANES), ei)
    g2_f = _tc_mid_layer(p.reshape(2, npf, _FW), g1_f, dis_f, b1row, w2b, nf)
    q = agg(g2_f.reshape(n, LANES), ei)
    out_f = _tc_final_layer(q.reshape(2, npf, _FW), g2_f, dis_f, b2row, nf)
    return out_f.reshape(n, LANES)[:, :f2]

# --- scband reference (transcript-rebuilt; emitter-appended) ---
"""Pipeline reference for scband-gcn-51007031608003 (READ-ONLY COPY).

The authoritative reference and input builder live on the scoring server;
editing this copy changes nothing except your own understanding.
"""

import jax, jax.numpy as jnp
import numpy as np

N_NODES = 10000


def _gcn_conv(x, src, dst, W, b):
    n = x.shape[0]
    # add self loops (symmetric-normalized GCN, matching torch_geometric GCNConv)
    loop = jnp.arange(n, dtype=src.dtype)
    s = jnp.concatenate([src, loop])
    d = jnp.concatenate([dst, loop])
    ones = jnp.ones(s.shape[0], dtype=x.dtype)
    deg = jax.ops.segment_sum(ones, d, num_segments=n)
    deg_inv_sqrt = jnp.where(deg > 0, deg ** -0.5, 0.0)
    norm = deg_inv_sqrt[s] * deg_inv_sqrt[d]
    h = x @ W
    msgs = h[s] * norm[:, None]
    out = jax.ops.segment_sum(msgs, d, num_segments=n)
    return out + b


def setup_inputs(seed: int = 0) -> dict:
    key = jax.random.key(seed)
    k1, k2, k3, k4 = jax.random.split(key, 4)
    x = jax.random.normal(k1, (N_NODES, 128), dtype=jnp.float32)
    edge_index = jax.random.randint(k2, (2, 320000), 0, N_NODES, dtype=jnp.int32)
    W1 = jax.random.normal(k3, (128, 16), dtype=jnp.float32) * 0.1
    b1 = jnp.zeros((16,), dtype=jnp.float32)
    W2 = jax.random.normal(k4, (16, 8), dtype=jnp.float32) * 0.1
    b2 = jnp.zeros((8,), dtype=jnp.float32)
    return {"x": x, "edge_index": edge_index, "W1": W1, "b1": b1, "W2": W2, "b2": b2}


def reference(x, edge_index, W1, b1, W2, b2):
    src = edge_index[0]
    dst = edge_index[1]
    h = _gcn_conv(x, src, dst, W1, b1)
    h = jax.nn.relu(h)
    h = _gcn_conv(h, src, dst, W2, b2)
    return jax.nn.sigmoid(h)

if __name__ == "__main__":
    import jax
    _d = setup_inputs()
    print(jax.jit(kernel)(*tuple(_d.values())))

</pallas_src>

<mosaic_0001>
#map = affine_map<(d0, d1) -> (0, 0)>
#map1 = affine_map<(d0, d1) -> (0, 0, 0)>
module attributes {stable_mosaic.version = 14 : i64} {
  func.func @body(%arg0: i32, %arg1: i32, %arg2: memref<2x320000xi32, #tpu.memory_space<hbm>>, %arg3: memref<2x10240x16xf32, #tpu.memory_space<hbm>>, %arg4: memref<10240xf32, #tpu.memory_space<vmem_shared>>, %arg5: memref<10000xi32, #tpu.memory_space<vmem>>, %arg6: memref<512xf32, #tpu.memory_space<vmem>>, %arg7: memref<640xf32, #tpu.memory_space<vmem>>, %arg8: memref<640x16xf32, #tpu.memory_space<vmem>>, %arg9: memref<272xi32, #tpu.memory_space<vmem>>, %arg10: memref<!tpu.dma_semaphore, #tpu.memory_space<semaphore_mem>>, %arg11: memref<!tpu.dma_semaphore, #tpu.memory_space<semaphore_mem>>) attributes {dimension_semantics = [#tpu.dimension_semantics<core_parallel>, #tpu.dimension_semantics<subcore_parallel>], iteration_bounds = array<i64: 2, 16>, scalar_prefetch = 0 : i64, scratch_operands = 8 : i64, tpu.core_type = #tpu.core_type<sc_vector_subcore>, window_params = [{transform_indices = #map}, {transform_indices = #map1}]} {
    %mul3A = arith.constant 2 : i32
    %mul3A_0 = arith.muli %arg1, %mul3A : i32
    %add3A = arith.addi %mul3A_0, %arg0 : i32
    %mul3A_1 = arith.constant 10000 : i32
    %mul3A_2 = arith.muli %add3A, %mul3A_1 : i32
    %scan3A = arith.constant 0 : i32
    %scan3A_3 = arith.constant 40 : i32
    %scan3A_4 = arith.addi %scan3A, %scan3A_3 : i32
    %scan3A_5 = arith.constant 1 : i32
    scf.for %scan3A_35 = %scan3A to %scan3A_4 step %scan3A_5  : i32 {
      %broadcast_in_dim3A = arith.constant 0.000000e+00 : f32
      %broadcast_in_dim3A_36 = vector.broadcast %broadcast_in_dim3A : f32 to vector<16xf32>
      %mul3A_37 = arith.constant 16 : i32
      %mul3A_38 = arith.muli %scan3A_35, %mul3A_37 : i32
      %swap3A = arith.index_cast %mul3A_38 : i32 to index
      %swap3A_39 = tpu.vector_load %arg7[%swap3A] {strides = array<i32>} : memref<640xf32, #tpu.memory_space<vmem>>, vector<16xf32>,
      %swap3A_40 = vector.shape_cast %swap3A_39 : vector<16xf32> to vector<16xf32>
      %swap3A_41 = vector.shape_cast %broadcast_in_dim3A_36 : vector<16xf32> to vector<16xf32>
      tpu.vector_store %arg7[%swap3A], %swap3A_41 {strides = array<i32>} : memref<640xf32, #tpu.memory_space<vmem>>, vector<16xf32>,
    }
    %scan3A_6 = arith.constant 40 : i32
    %mul3A_7 = arith.constant 640 : i32
    %mul3A_8 = arith.muli %arg1, %mul3A_7 : i32
    "tpu.region"() ({
      %run_scoped3A_35 = tpu.sem_alloc : memref<!tpu.dma_semaphore, #tpu.memory_space<semaphore_mem>>
      %dma_start3A = tpu.memref_slice %arg4[%mul3A_8] : memref<10240xf32, #tpu.memory_space<vmem_shared>> -> memref<640xf32, #tpu.memory_space<vmem_shared>>
      %dma_start3A_36 = tpu.memref_slice %arg4[%mul3A_8] : memref<10240xf32, #tpu.memory_space<vmem_shared>> -> memref<640xf32, #tpu.memory_space<vmem_shared>>
      tpu.enqueue_dma source(%arg7 : memref<640xf32, #tpu.memory_space<vmem>>) target(%dma_start3A_36 : memref<640xf32, #tpu.memory_space<vmem_shared>>) target_semaphore(%run_scoped3A_35 : memref<!tpu.dma_semaphore, #tpu.memory_space<semaphore_mem>>)
      %dma_wait3A = tpu.memref_slice %arg4[%mul3A_8] : memref<10240xf32, #tpu.memory_space<vmem_shared>> -> memref<640xf32, #tpu.memory_space<vmem_shared>>
      %dma_wait3A_37 = tpu.memref_slice %arg4[%mul3A_8] : memref<10240xf32, #tpu.memory_space<vmem_shared>> -> memref<640xf32, #tpu.memory_space<vmem_shared>>
      tpu.wait_dma2 semaphore(%run_scoped3A_35 : memref<!tpu.dma_semaphore, #tpu.memory_space<semaphore_mem>>) src(%arg7 : memref<640xf32, #tpu.memory_space<vmem>>) dst(%dma_wait3A_37 : memref<640xf32, #tpu.memory_space<vmem_shared>>)
      tpu.yield
    }) : () -> ()
    %scan3A_9 = arith.constant 0 : i32
    %scan3A_10 = arith.constant 32 : i32
    %scan3A_11 = arith.addi %scan3A_9, %scan3A_10 : i32
    %scan3A_12 = arith.constant 1 : i32
    scf.for %scan3A_35 = %scan3A_9 to %scan3A_11 step %scan3A_12  : i32 {
      %broadcast_in_dim3A = arith.constant 1.000000e+00 : f32
      %broadcast_in_dim3A_36 = vector.broadcast %broadcast_in_dim3A : f32 to vector<16xf32>
      %mul3A_37 = arith.constant 16 : i32
      %mul3A_38 = arith.muli %scan3A_35, %mul3A_37 : i32
      %swap3A = arith.index_cast %mul3A_38 : i32 to index
      %swap3A_39 = tpu.vector_load %arg6[%swap3A] {strides = array<i32>} : memref<512xf32, #tpu.memory_space<vmem>>, vector<16xf32>,
      %swap3A_40 = vector.shape_cast %swap3A_39 : vector<16xf32> to vector<16xf32>
      %swap3A_41 = vector.shape_cast %broadcast_in_dim3A_36 : vector<16xf32> to vector<16xf32>
      tpu.vector_store %arg6[%swap3A], %swap3A_41 {strides = array<i32>} : memref<512xf32, #tpu.memory_space<vmem>>, vector<16xf32>,
    }
    %scan3A_13 = arith.constant 32 : i32
    %run_scoped3A = arith.constant 1 : i32
    "tpu.region"() ({
      %run_scoped3A_35 = tpu.sem_alloc : memref<!tpu.dma_semaphore, #tpu.memory_space<semaphore_mem>>
      %dma_start3A = arith.constant 0 : i32
      %dma_start3A_36 = tpu.memref_slice %arg2[%run_scoped3A, %dma_start3A] : memref<2x320000xi32, #tpu.memory_space<hbm>> -> memref<1x320000xi32, #tpu.memory_space<hbm>>
      %dma_start3A_37 = tpu.memref_squeeze %dma_start3A_36 : memref<1x320000xi32, #tpu.memory_space<hbm>> -> memref<320000xi32, #tpu.memory_space<hbm>>
      %dma_start3A_38 = tpu.memref_slice %dma_start3A_37[%mul3A_2] : memref<320000xi32, #tpu.memory_space<hbm>> -> memref<10000xi32, #tpu.memory_space<hbm>>
      %dma_start3A_39 = arith.constant 0 : i32
      %dma_start3A_40 = tpu.memref_slice %arg2[%run_scoped3A, %dma_start3A_39] : memref<2x320000xi32, #tpu.memory_space<hbm>> -> memref<1x320000xi32, #tpu.memory_space<hbm>>
      %dma_start3A_41 = tpu.memref_squeeze %dma_start3A_40 : memref<1x320000xi32, #tpu.memory_space<hbm>> -> memref<320000xi32, #tpu.memory_space<hbm>>
      %dma_start3A_42 = tpu.memref_slice %dma_start3A_41[%mul3A_2] : memref<320000xi32, #tpu.memory_space<hbm>> -> memref<10000xi32, #tpu.memory_space<hbm>>
      tpu.enqueue_dma source(%dma_start3A_42 : memref<10000xi32, #tpu.memory_space<hbm>>) target(%arg5 : memref<10000xi32, #tpu.memory_space<vmem>>) target_semaphore(%run_scoped3A_35 : memref<!tpu.dma_semaphore, #tpu.memory_space<semaphore_mem>>)
      %dma_wait3A = arith.constant 0 : i32
      %dma_wait3A_43 = tpu.memref_slice %arg2[%run_scoped3A, %dma_wait3A] : memref<2x320000xi32, #tpu.memory_space<hbm>> -> memref<1x320000xi32, #tpu.memory_space<hbm>>
      %dma_wait3A_44 = tpu.memref_squeeze %dma_wait3A_43 : memref<1x320000xi32, #tpu.memory_space<hbm>> -> memref<320000xi32, #tpu.memory_space<hbm>>
      %dma_wait3A_45 = tpu.memref_slice %dma_wait3A_44[%mul3A_2] : memref<320000xi32, #tpu.memory_space<hbm>> -> memref<10000xi32, #tpu.memory_space<hbm>>
      %dma_wait3A_46 = arith.constant 0 : i32
      %dma_wait3A_47 = tpu.memref_slice %arg2[%run_scoped3A, %dma_wait3A_46] : memref<2x320000xi32, #tpu.memory_space<hbm>> -> memref<1x320000xi32, #tpu.memory_space<hbm>>
      %dma_wait3A_48 = tpu.memref_squeeze %dma_wait3A_47 : memref<1x320000xi32, #tpu.memory_space<hbm>> -> memref<320000xi32, #tpu.memory_space<hbm>>
      %dma_wait3A_49 = tpu.memref_slice %dma_wait3A_48[%mul3A_2] : memref<320000xi32, #tpu.memory_space<hbm>> -> memref<10000xi32, #tpu.memory_space<hbm>>
      tpu.wait_dma2 semaphore(%run_scoped3A_35 : memref<!tpu.dma_semaphore, #tpu.memory_space<semaphore_mem>>) src(%dma_wait3A_49 : memref<10000xi32, #tpu.memory_space<hbm>>) dst(%arg5 : memref<10000xi32, #tpu.memory_space<vmem>>)
      tpu.yield
    }) : () -> ()
    %barrier3A = arith.constant 0 : index
    tpu.barrier barrier_id(%barrier3A)
    %scan3A_14 = arith.constant 0 : i32
    %scan3A_15 = arith.constant 19 : i32
    %scan3A_16 = arith.addi %scan3A_14, %scan3A_15 : i32
    %scan3A_17 = arith.constant 1 : i32
    scf.for %scan3A_35 = %scan3A_14 to %scan3A_16 step %scan3A_17  : i32 {
      %mul3A_36 = arith.constant 512 : i32
      %mul3A_37 = arith.muli %scan3A_35, %mul3A_36 : i32
      %dma_start3A = tpu.memref_slice %arg5[%mul3A_37] : memref<10000xi32, #tpu.memory_space<vmem>> -> memref<512xi32, #tpu.memory_space<vmem>>
      %dma_start3A_38 = arith.constant 0 : i32
      %dma_start3A_39 = tpu.memref_slice %arg4[%dma_start3A_38] : memref<10240xf32, #tpu.memory_space<vmem_shared>> -> memref<10240xf32, #tpu.memory_space<vmem_shared>>
      tpu.enqueue_indirect_dma source(%arg6 : memref<512xf32, #tpu.memory_space<vmem>>) target(%dma_start3A_39 : memref<10240xf32, #tpu.memory_space<vmem_shared>>) offsets(%dma_start3A : memref<512xi32, #tpu.memory_space<vmem>>) semaphore(%arg11 : memref<!tpu.dma_semaphore, #tpu.memory_space<semaphore_mem>>) {add = true}
    }
    %scan3A_18 = arith.constant 19 : i32
    %scan3A_19 = arith.constant 0 : i32
    %scan3A_20 = arith.constant 19 : i32
    %scan3A_21 = arith.addi %scan3A_19, %scan3A_20 : i32
    %scan3A_22 = arith.constant 1 : i32
    scf.for %scan3A_35 = %scan3A_19 to %scan3A_21 step %scan3A_22  : i32 {
      %dma_wait3A = arith.constant 0 : i32
      %dma_wait3A_36 = tpu.memref_slice %arg5[%dma_wait3A] : memref<10000xi32, #tpu.memory_space<vmem>> -> memref<512xi32, #tpu.memory_space<vmem>>
      %dma_wait3A_37 = arith.constant 0 : i32
      %dma_wait3A_38 = tpu.memref_slice %arg4[%dma_wait3A_37] : memref<10240xf32, #tpu.memory_space<vmem_shared>> -> memref<10240xf32, #tpu.memory_space<vmem_shared>>
      tpu.wait_indirect_dma semaphore(%arg11 : memref<!tpu.dma_semaphore, #tpu.memory_space<semaphore_mem>>) src(%arg6 : memref<512xf32, #tpu.memory_space<vmem>>) dst(%dma_wait3A_38 : memref<10240xf32, #tpu.memory_space<vmem_shared>>)
    }
    %scan3A_23 = arith.constant 19 : i32
    %add3A_24 = arith.constant 9728 : i32
    %add3A_25 = arith.addi %mul3A_2, %add3A_24 : i32
    %run_scoped3A_26 = arith.constant 1 : i32
    "tpu.region"() ({
      %run_scoped3A_35 = tpu.sem_alloc : memref<!tpu.dma_semaphore, #tpu.memory_space<semaphore_mem>>
      %dma_start3A = arith.constant 0 : i32
      %dma_start3A_36 = tpu.memref_slice %arg2[%run_scoped3A_26, %dma_start3A] : memref<2x320000xi32, #tpu.memory_space<hbm>> -> memref<1x320000xi32, #tpu.memory_space<hbm>>
      %dma_start3A_37 = tpu.memref_squeeze %dma_start3A_36 : memref<1x320000xi32, #tpu.memory_space<hbm>> -> memref<320000xi32, #tpu.memory_space<hbm>>
      %dma_start3A_38 = tpu.memref_slice %dma_start3A_37[%add3A_25] : memref<320000xi32, #tpu.memory_space<hbm>> -> memref<272xi32, #tpu.memory_space<hbm>>
      %dma_start3A_39 = arith.constant 0 : i32
      %dma_start3A_40 = tpu.memref_slice %arg2[%run_scoped3A_26, %dma_start3A_39] : memref<2x320000xi32, #tpu.memory_space<hbm>> -> memref<1x320000xi32, #tpu.memory_space<hbm>>
      %dma_start3A_41 = tpu.memref_squeeze %dma_start3A_40 : memref<1x320000xi32, #tpu.memory_space<hbm>> -> memref<320000xi32, #tpu.memory_space<hbm>>
      %dma_start3A_42 = tpu.memref_slice %dma_start3A_41[%add3A_25] : memref<320000xi32, #tpu.memory_space<hbm>> -> memref<272xi32, #tpu.memory_space<hbm>>
      tpu.enqueue_dma source(%dma_start3A_42 : memref<272xi32, #tpu.memory_space<hbm>>) target(%arg9 : memref<272xi32, #tpu.memory_space<vmem>>) target_semaphore(%run_scoped3A_35 : memref<!tpu.dma_semaphore, #tpu.memory_space<semaphore_mem>>)
      %dma_wait3A = arith.constant 0 : i32
      %dma_wait3A_43 = tpu.memref_slice %arg2[%run_scoped3A_26, %dma_wait3A] : memref<2x320000xi32, #tpu.memory_space<hbm>> -> memref<1x320000xi32, #tpu.memory_space<hbm>>
      %dma_wait3A_44 = tpu.memref_squeeze %dma_wait3A_43 : memref<1x320000xi32, #tpu.memory_space<hbm>> -> memref<320000xi32, #tpu.memory_space<hbm>>
      %dma_wait3A_45 = tpu.memref_slice %dma_wait3A_44[%add3A_25] : memref<320000xi32, #tpu.memory_space<hbm>> -> memref<272xi32, #tpu.memory_space<hbm>>
      %dma_wait3A_46 = arith.constant 0 : i32
      %dma_wait3A_47 = tpu.memref_slice %arg2[%run_scoped3A_26, %dma_wait3A_46] : memref<2x320000xi32, #tpu.memory_space<hbm>> -> memref<1x320000xi32, #tpu.memory_space<hbm>>
      %dma_wait3A_48 = tpu.memref_squeeze %dma_wait3A_47 : memref<1x320000xi32, #tpu.memory_space<hbm>> -> memref<320000xi32, #tpu.memory_space<hbm>>
      %dma_wait3A_49 = tpu.memref_slice %dma_wait3A_48[%add3A_25] : memref<320000xi32, #tpu.memory_space<hbm>> -> memref<272xi32, #tpu.memory_space<hbm>>
      tpu.wait_dma2 semaphore(%run_scoped3A_35 : memref<!tpu.dma_semaphore, #tpu.memory_space<semaphore_mem>>) src(%dma_wait3A_49 : memref<272xi32, #tpu.memory_space<hbm>>) dst(%arg9 : memref<272xi32, #tpu.memory_space<vmem>>)
      tpu.yield
    }) : () -> ()
    "tpu.region"() ({
      %run_scoped3A_35 = tpu.sem_alloc : memref<!tpu.dma_semaphore, #tpu.memory_space<semaphore_mem>>
      %dma_start3A = arith.constant 0 : i32
      %dma_start3A_36 = tpu.memref_slice %arg6[%dma_start3A] : memref<512xf32, #tpu.memory_space<vmem>> -> memref<272xf32, #tpu.memory_space<vmem>>
      %dma_start3A_37 = arith.constant 0 : i32
      %dma_start3A_38 = tpu.memref_slice %arg4[%dma_start3A_37] : memref<10240xf32, #tpu.memory_space<vmem_shared>> -> memref<10240xf32, #tpu.memory_space<vmem_shared>>
      tpu.enqueue_indirect_dma source(%dma_start3A_36 : memref<272xf32, #tpu.memory_space<vmem>>) target(%dma_start3A_38 : memref<10240xf32, #tpu.memory_space<vmem_shared>>) offsets(%arg9 : memref<272xi32, #tpu.memory_space<vmem>>) semaphore(%run_scoped3A_35 : memref<!tpu.dma_semaphore, #tpu.memory_space<semaphore_mem>>) {add = true}
      %dma_wait3A = arith.constant 0 : i32
      %dma_wait3A_39 = tpu.memref_slice %arg6[%dma_wait3A] : memref<512xf32, #tpu.memory_space<vmem>> -> memref<272xf32, #tpu.memory_space<vmem>>
      %dma_wait3A_40 = arith.constant 0 : i32
      %dma_wait3A_41 = tpu.memref_slice %arg4[%dma_wait3A_40] : memref<10240xf32, #tpu.memory_space<vmem_shared>> -> memref<10240xf32, #tpu.memory_space<vmem_shared>>
      tpu.wait_indirect_dma semaphore(%run_scoped3A_35 : memref<!tpu.dma_semaphore, #tpu.memory_space<semaphore_mem>>) src(%dma_wait3A_39 : memref<272xf32, #tpu.memory_space<vmem>>) dst(%dma_wait3A_41 : memref<10240xf32, #tpu.memory_space<vmem_shared>>)
      tpu.yield
    }) : () -> ()
    %barrier3A_27 = arith.constant 0 : index
    tpu.barrier barrier_id(%barrier3A_27)
    %mul3A_28 = arith.constant 640 : i32
    %mul3A_29 = arith.muli %arg1, %mul3A_28 : i32
    "tpu.region"() ({
      %run_scoped3A_35 = tpu.sem_alloc : memref<!tpu.dma_semaphore, #tpu.memory_space<semaphore_mem>>
      %dma_start3A = tpu.memref_slice %arg4[%mul3A_29] : memref<10240xf32, #tpu.memory_space<vmem_shared>> -> memref<640xf32, #tpu.memory_space<vmem_shared>>
      %dma_start3A_36 = tpu.memref_slice %arg4[%mul3A_29] : memref<10240xf32, #tpu.memory_space<vmem_shared>> -> memref<640xf32, #tpu.memory_space<vmem_shared>>
      tpu.enqueue_dma source(%dma_start3A_36 : memref<640xf32, #tpu.memory_space<vmem_shared>>) target(%arg7 : memref<640xf32, #tpu.memory_space<vmem>>) target_semaphore(%run_scoped3A_35 : memref<!tpu.dma_semaphore, #tpu.memory_space<semaphore_mem>>)
      %dma_wait3A = tpu.memref_slice %arg4[%mul3A_29] : memref<10240xf32, #tpu.memory_space<vmem_shared>> -> memref<640xf32, #tpu.memory_space<vmem_shared>>
      %dma_wait3A_37 = tpu.memref_slice %arg4[%mul3A_29] : memref<10240xf32, #tpu.memory_space<vmem_shared>> -> memref<640xf32, #tpu.memory_space<vmem_shared>>
      tpu.wait_dma2 semaphore(%run_scoped3A_35 : memref<!tpu.dma_semaphore, #tpu.memory_space<semaphore_mem>>) src(%dma_wait3A_37 : memref<640xf32, #tpu.memory_space<vmem_shared>>) dst(%arg7 : memref<640xf32, #tpu.memory_space<vmem>>)
      tpu.yield
    }) : () -> ()
    %scan3A_30 = arith.constant 0 : i32
    %scan3A_31 = arith.constant 40 : i32
    %scan3A_32 = arith.addi %scan3A_30, %scan3A_31 : i32
    %scan3A_33 = arith.constant 1 : i32
    scf.for %scan3A_35 = %scan3A_30 to %scan3A_32 step %scan3A_33  : i32 {
      %mul3A_36 = arith.constant 16 : i32
      %mul3A_37 = arith.muli %scan3A_35, %mul3A_36 : i32
      %get3A = arith.index_cast %mul3A_37 : i32 to index
      %get3A_38 = tpu.vector_load %arg7[%get3A] {strides = array<i32>} : memref<640xf32, #tpu.memory_space<vmem>>, vector<16xf32>,
      %get3A_39 = vector.shape_cast %get3A_38 : vector<16xf32> to vector<16xf32>
      %slice3A = vector.extract_strided_slice %get3A_39 {offsets = [0], sizes = [1], strides = [1]} : vector<16xf32> to vector<1xf32>
      %squeeze3A = vector.extract %slice3A[0] : f32 from vector<1xf32>
      %broadcast_in_dim3A = vector.broadcast %squeeze3A : f32 to vector<16xf32>
      %mul3A_40 = arith.constant 16 : i32
      %mul3A_41 = arith.muli %scan3A_35, %mul3A_40 : i32
      %add3A_42 = arith.constant 0 : i32
      %add3A_43 = arith.addi %mul3A_41, %add3A_42 : i32
      %swap3A = arith.index_cast %add3A_43 : i32 to index
      %swap3A_44 = arith.constant 0 : index
      %swap3A_45 = tpu.vector_load %arg8[%swap3A, %swap3A_44] {strides = array<i32>} : memref<640x16xf32, #tpu.memory_space<vmem>>, vector<1x16xf32>,
      %swap3A_46 = vector.shape_cast %swap3A_45 : vector<1x16xf32> to vector<16xf32>
      %swap3A_47 = vector.shape_cast %broadcast_in_dim3A : vector<16xf32> to vector<1x16xf32>
      tpu.vector_store %arg8[%swap3A, %swap3A_44], %swap3A_47 {strides = array<i32>} : memref<640x16xf32, #tpu.memory_space<vmem>>, vector<1x16xf32>,
      %slice3A_48 = vector.extract_strided_slice %get3A_39 {offsets = [1], sizes = [1], strides = [1]} : vector<16xf32> to vector<1xf32>
      %squeeze3A_49 = vector.extract %slice3A_48[0] : f32 from vector<1xf32>
      %broadcast_in_dim3A_50 = vector.broadcast %squeeze3A_49 : f32 to vector<16xf32>
      %mul3A_51 = arith.constant 16 : i32
      %mul3A_52 = arith.muli %scan3A_35, %mul3A_51 : i32
      %add3A_53 = arith.constant 1 : i32
      %add3A_54 = arith.addi %mul3A_52, %add3A_53 : i32
      %swap3A_55 = arith.index_cast %add3A_54 : i32 to index
      %swap3A_56 = arith.constant 0 : index
      %swap3A_57 = tpu.vector_load %arg8[%swap3A_55, %swap3A_56] {strides = array<i32>} : memref<640x16xf32, #tpu.memory_space<vmem>>, vector<1x16xf32>,
      %swap3A_58 = vector.shape_cast %swap3A_57 : vector<1x16xf32> to vector<16xf32>
      %swap3A_59 = vector.shape_cast %broadcast_in_dim3A_50 : vector<16xf32> to vector<1x16xf32>
      tpu.vector_store %arg8[%swap3A_55, %swap3A_56], %swap3A_59 {strides = array<i32>} : memref<640x16xf32, #tpu.memory_space<vmem>>, vector<1x16xf32>,
      %slice3A_60 = vector.extract_strided_slice %get3A_39 {offsets = [2], sizes = [1], strides = [1]} : vector<16xf32> to vector<1xf32>
      %squeeze3A_61 = vector.extract %slice3A_60[0] : f32 from vector<1xf32>
      %broadcast_in_dim3A_62 = vector.broadcast %squeeze3A_61 : f32 to vector<16xf32>
      %mul3A_63 = arith.constant 16 : i32
      %mul3A_64 = arith.muli %scan3A_35, %mul3A_63 : i32
      %add3A_65 = arith.constant 2 : i32
      %add3A_66 = arith.addi %mul3A_64, %add3A_65 : i32
      %swap3A_67 = arith.index_cast %add3A_66 : i32 to index
      %swap3A_68 = arith.constant 0 : index
      %swap3A_69 = tpu.vector_load %arg8[%swap3A_67, %swap3A_68] {strides = array<i32>} : memref<640x16xf32, #tpu.memory_space<vmem>>, vector<1x16xf32>,
      %swap3A_70 = vector.shape_cast %swap3A_69 : vector<1x16xf32> to vector<16xf32>
      %swap3A_71 = vector.shape_cast %broadcast_in_dim3A_62 : vector<16xf32> to vector<1x16xf32>
      tpu.vector_store %arg8[%swap3A_67, %swap3A_68], %swap3A_71 {strides = array<i32>} : memref<640x16xf32, #tpu.memory_space<vmem>>, vector<1x16xf32>,
      %slice3A_72 = vector.extract_strided_slice %get3A_39 {offsets = [3], sizes = [1], strides = [1]} : vector<16xf32> to vector<1xf32>
      %squeeze3A_73 = vector.extract %slice3A_72[0] : f32 from vector<1xf32>
      %broadcast_in_dim3A_74 = vector.broadcast %squeeze3A_73 : f32 to vector<16xf32>
      %mul3A_75 = arith.constant 16 : i32
      %mul3A_76 = arith.muli %scan3A_35, %mul3A_75 : i32
      %add3A_77 = arith.constant 3 : i32
      %add3A_78 = arith.addi %mul3A_76, %add3A_77 : i32
      %swap3A_79 = arith.index_cast %add3A_78 : i32 to index
      %swap3A_80 = arith.constant 0 : index
      %swap3A_81 = tpu.vector_load %arg8[%swap3A_79, %swap3A_80] {strides = array<i32>} : memref<640x16xf32, #tpu.memory_space<vmem>>, vector<1x16xf32>,
      %swap3A_82 = vector.shape_cast %swap3A_81 : vector<1x16xf32> to vector<16xf32>
      %swap3A_83 = vector.shape_cast %broadcast_in_dim3A_74 : vector<16xf32> to vector<1x16xf32>
      tpu.vector_store %arg8[%swap3A_79, %swap3A_80], %swap3A_83 {strides = array<i32>} : memref<640x16xf32, #tpu.memory_space<vmem>>, vector<1x16xf32>,
      %slice3A_84 = vector.extract_strided_slice %get3A_39 {offsets = [4], sizes = [1], strides = [1]} : vector<16xf32> to vector<1xf32>
      %squeeze3A_85 = vector.extract %slice3A_84[0] : f32 from vector<1xf32>
      %broadcast_in_dim3A_86 = vector.broadcast %squeeze3A_85 : f32 to vector<16xf32>
      %mul3A_87 = arith.constant 16 : i32
      %mul3A_88 = arith.muli %scan3A_35, %mul3A_87 : i32
      %add3A_89 = arith.constant 4 : i32
      %add3A_90 = arith.addi %mul3A_88, %add3A_89 : i32
      %swap3A_91 = arith.index_cast %add3A_90 : i32 to index
      %swap3A_92 = arith.constant 0 : index
      %swap3A_93 = tpu.vector_load %arg8[%swap3A_91, %swap3A_92] {strides = array<i32>} : memref<640x16xf32, #tpu.memory_space<vmem>>, vector<1x16xf32>,
      %swap3A_94 = vector.shape_cast %swap3A_93 : vector<1x16xf32> to vector<16xf32>
      %swap3A_95 = vector.shape_cast %broadcast_in_dim3A_86 : vector<16xf32> to vector<1x16xf32>
      tpu.vector_store %arg8[%swap3A_91, %swap3A_92], %swap3A_95 {strides = array<i32>} : memref<640x16xf32, #tpu.memory_space<vmem>>, vector<1x16xf32>,
      %slice3A_96 = vector.extract_strided_slice %get3A_39 {offsets = [5], sizes = [1], strides = [1]} : vector<16xf32> to vector<1xf32>
      %squeeze3A_97 = vector.extract %slice3A_96[0] : f32 from vector<1xf32>
      %broadcast_in_dim3A_98 = vector.broadcast %squeeze3A_97 : f32 to vector<16xf32>
      %mul3A_99 = arith.constant 16 : i32
      %mul3A_100 = arith.muli %scan3A_35, %mul3A_99 : i32
      %add3A_101 = arith.constant 5 : i32
      %add3A_102 = arith.addi %mul3A_100, %add3A_101 : i32
      %swap3A_103 = arith.index_cast %add3A_102 : i32 to index
      %swap3A_104 = arith.constant 0 : index
      %swap3A_105 = tpu.vector_load %arg8[%swap3A_103, %swap3A_104] {strides = array<i32>} : memref<640x16xf32, #tpu.memory_space<vmem>>, vector<1x16xf32>,
      %swap3A_106 = vector.shape_cast %swap3A_105 : vector<1x16xf32> to vector<16xf32>
      %swap3A_107 = vector.shape_cast %broadcast_in_dim3A_98 : vector<16xf32> to vector<1x16xf32>
      tpu.vector_store %arg8[%swap3A_103, %swap3A_104], %swap3A_107 {strides = array<i32>} : memref<640x16xf32, #tpu.memory_space<vmem>>, vector<1x16xf32>,
      %slice3A_108 = vector.extract_strided_slice %get3A_39 {offsets = [6], sizes = [1], strides = [1]} : vector<16xf32> to vector<1xf32>
      %squeeze3A_109 = vector.extract %slice3A_108[0] : f32 from vector<1xf32>
      %broadcast_in_dim3A_110 = vector.broadcast %squeeze3A_109 : f32 to vector<16xf32>
      %mul3A_111 = arith.constant 16 : i32
      %mul3A_112 = arith.muli %scan3A_35, %mul3A_111 : i32
      %add3A_113 = arith.constant 6 : i32
      %add3A_114 = arith.addi %mul3A_112, %add3A_113 : i32
      %swap3A_115 = arith.index_cast %add3A_114 : i32 to index
      %swap3A_116 = arith.constant 0 : index
      %swap3A_117 = tpu.vector_load %arg8[%swap3A_115, %swap3A_116] {strides = array<i32>} : memref<640x16xf32, #tpu.memory_space<vmem>>, vector<1x16xf32>,
      %swap3A_118 = vector.shape_cast %swap3A_117 : vector<1x16xf32> to vector<16xf32>
      %swap3A_119 = vector.shape_cast %broadcast_in_dim3A_110 : vector<16xf32> to vector<1x16xf32>
      tpu.vector_store %arg8[%swap3A_115, %swap3A_116], %swap3A_119 {strides = array<i32>} : memref<640x16xf32, #tpu.memory_space<vmem>>, vector<1x16xf32>,
      %slice3A_120 = vector.extract_strided_slice %get3A_39 {offsets = [7], sizes = [1], strides = [1]} : vector<16xf32> to vector<1xf32>
      %squeeze3A_121 = vector.extract %slice3A_120[0] : f32 from vector<1xf32>
      %broadcast_in_dim3A_122 = vector.broadcast %squeeze3A_121 : f32 to vector<16xf32>
      %mul3A_123 = arith.constant 16 : i32
      %mul3A_124 = arith.muli %scan3A_35, %mul3A_123 : i32
      %add3A_125 = arith.constant 7 : i32
      %add3A_126 = arith.addi %mul3A_124, %add3A_125 : i32
      %swap3A_127 = arith.index_cast %add3A_126 : i32 to index
      %swap3A_128 = arith.constant 0 : index
      %swap3A_129 = tpu.vector_load %arg8[%swap3A_127, %swap3A_128] {strides = array<i32>} : memref<640x16xf32, #tpu.memory_space<vmem>>, vector<1x16xf32>,
      %swap3A_130 = vector.shape_cast %swap3A_129 : vector<1x16xf32> to vector<16xf32>
      %swap3A_131 = vector.shape_cast %broadcast_in_dim3A_122 : vector<16xf32> to vector<1x16xf32>
      tpu.vector_store %arg8[%swap3A_127, %swap3A_128], %swap3A_131 {strides = array<i32>} : memref<640x16xf32, #tpu.memory_space<vmem>>, vector<1x16xf32>,
      %slice3A_132 = vector.extract_strided_slice %get3A_39 {offsets = [8], sizes = [1], strides = [1]} : vector<16xf32> to vector<1xf32>
      %squeeze3A_133 = vector.extract %slice3A_132[0] : f32 from vector<1xf32>
      %broadcast_in_dim3A_134 = vector.broadcast %squeeze3A_133 : f32 to vector<16xf32>
      %mul3A_135 = arith.constant 16 : i32
      %mul3A_136 = arith.muli %scan3A_35, %mul3A_135 : i32
      %add3A_137 = arith.constant 8 : i32
      %add3A_138 = arith.addi %mul3A_136, %add3A_137 : i32
      %swap3A_139 = arith.index_cast %add3A_138 : i32 to index
      %swap3A_140 = arith.constant 0 : index
      %swap3A_141 = tpu.vector_load %arg8[%swap3A_139, %swap3A_140] {strides = array<i32>} : memref<640x16xf32, #tpu.memory_space<vmem>>, vector<1x16xf32>,
      %swap3A_142 = vector.shape_cast %swap3A_141 : vector<1x16xf32> to vector<16xf32>
      %swap3A_143 = vector.shape_cast %broadcast_in_dim3A_134 : vector<16xf32> to vector<1x16xf32>
      tpu.vector_store %arg8[%swap3A_139, %swap3A_140], %swap3A_143 {strides = array<i32>} : memref<640x16xf32, #tpu.memory_space<vmem>>, vector<1x16xf32>,
      %slice3A_144 = vector.extract_strided_slice %get3A_39 {offsets = [9], sizes = [1], strides = [1]} : vector<16xf32> to vector<1xf32>
      %squeeze3A_145 = vector.extract %slice3A_144[0] : f32 from vector<1xf32>
      %broadcast_in_dim3A_146 = vector.broadcast %squeeze3A_145 : f32 to vector<16xf32>
      %mul3A_147 = arith.constant 16 : i32
      %mul3A_148 = arith.muli %scan3A_35, %mul3A_147 : i32
      %add3A_149 = arith.constant 9 : i32
      %add3A_150 = arith.addi %mul3A_148, %add3A_149 : i32
      %swap3A_151 = arith.index_cast %add3A_150 : i32 to index
      %swap3A_152 = arith.constant 0 : index
      %swap3A_153 = tpu.vector_load %arg8[%swap3A_151, %swap3A_152] {strides = array<i32>} : memref<640x16xf32, #tpu.memory_space<vmem>>, vector<1x16xf32>,
      %swap3A_154 = vector.shape_cast %swap3A_153 : vector<1x16xf32> to vector<16xf32>
      %swap3A_155 = vector.shape_cast %broadcast_in_dim3A_146 : vector<16xf32> to vector<1x16xf32>
      tpu.vector_store %arg8[%swap3A_151, %swap3A_152], %swap3A_155 {strides = array<i32>} : memref<640x16xf32, #tpu.memory_space<vmem>>, vector<1x16xf32>,
      %slice3A_156 = vector.extract_strided_slice %get3A_39 {offsets = [10], sizes = [1], strides = [1]} : vector<16xf32> to vector<1xf32>
      %squeeze3A_157 = vector.extract %slice3A_156[0] : f32 from vector<1xf32>
      %broadcast_in_dim3A_158 = vector.broadcast %squeeze3A_157 : f32 to vector<16xf32>
      %mul3A_159 = arith.constant 16 : i32
      %mul3A_160 = arith.muli %scan3A_35, %mul3A_159 : i32
      %add3A_161 = arith.constant 10 : i32
      %add3A_162 = arith.addi %mul3A_160, %add3A_161 : i32
      %swap3A_163 = arith.index_cast %add3A_162 : i32 to index
      %swap3A_164 = arith.constant 0 : index
      %swap3A_165 = tpu.vector_load %arg8[%swap3A_163, %swap3A_164] {strides = array<i32>} : memref<640x16xf32, #tpu.memory_space<vmem>>, vector<1x16xf32>,
      %swap3A_166 = vector.shape_cast %swap3A_165 : vector<1x16xf32> to vector<16xf32>
      %swap3A_167 = vector.shape_cast %broadcast_in_dim3A_158 : vector<16xf32> to vector<1x16xf32>
      tpu.vector_store %arg8[%swap3A_163, %swap3A_164], %swap3A_167 {strides = array<i32>} : memref<640x16xf32, #tpu.memory_space<vmem>>, vector<1x16xf32>,
      %slice3A_168 = vector.extract_strided_slice %get3A_39 {offsets = [11], sizes = [1], strides = [1]} : vector<16xf32> to vector<1xf32>
      %squeeze3A_169 = vector.extract %slice3A_168[0] : f32 from vector<1xf32>
      %broadcast_in_dim3A_170 = vector.broadcast %squeeze3A_169 : f32 to vector<16xf32>
      %mul3A_171 = arith.constant 16 : i32
      %mul3A_172 = arith.muli %scan3A_35, %mul3A_171 : i32
      %add3A_173 = arith.constant 11 : i32
      %add3A_174 = arith.addi %mul3A_172, %add3A_173 : i32
      %swap3A_175 = arith.index_cast %add3A_174 : i32 to index
      %swap3A_176 = arith.constant 0 : index
      %swap3A_177 = tpu.vector_load %arg8[%swap3A_175, %swap3A_176] {strides = array<i32>} : memref<640x16xf32, #tpu.memory_space<vmem>>, vector<1x16xf32>,
      %swap3A_178 = vector.shape_cast %swap3A_177 : vector<1x16xf32> to vector<16xf32>
      %swap3A_179 = vector.shape_cast %broadcast_in_dim3A_170 : vector<16xf32> to vector<1x16xf32>
      tpu.vector_store %arg8[%swap3A_175, %swap3A_176], %swap3A_179 {strides = array<i32>} : memref<640x16xf32, #tpu.memory_space<vmem>>, vector<1x16xf32>,
      %slice3A_180 = vector.extract_strided_slice %get3A_39 {offsets = [12], sizes = [1], strides = [1]} : vector<16xf32> to vector<1xf32>
      %squeeze3A_181 = vector.extract %slice3A_180[0] : f32 from vector<1xf32>
      %broadcast_in_dim3A_182 = vector.broadcast %squeeze3A_181 : f32 to vector<16xf32>
      %mul3A_183 = arith.constant 16 : i32
      %mul3A_184 = arith.muli %scan3A_35, %mul3A_183 : i32
      %add3A_185 = arith.constant 12 : i32
      %add3A_186 = arith.addi %mul3A_184, %add3A_185 : i32
      %swap3A_187 = arith.index_cast %add3A_186 : i32 to index
      %swap3A_188 = arith.constant 0 : index
      %swap3A_189 = tpu.vector_load %arg8[%swap3A_187, %swap3A_188] {strides = array<i32>} : memref<640x16xf32, #tpu.memory_space<vmem>>, vector<1x16xf32>,
      %swap3A_190 = vector.shape_cast %swap3A_189 : vector<1x16xf32> to vector<16xf32>
      %swap3A_191 = vector.shape_cast %broadcast_in_dim3A_182 : vector<16xf32> to vector<1x16xf32>
      tpu.vector_store %arg8[%swap3A_187, %swap3A_188], %swap3A_191 {strides = array<i32>} : memref<640x16xf32, #tpu.memory_space<vmem>>, vector<1x16xf32>,
      %slice3A_192 = vector.extract_strided_slice %get3A_39 {offsets = [13], sizes = [1], strides = [1]} : vector<16xf32> to vector<1xf32>
      %squeeze3A_193 = vector.extract %slice3A_192[0] : f32 from vector<1xf32>
      %broadcast_in_dim3A_194 = vector.broadcast %squeeze3A_193 : f32 to vector<16xf32>
      %mul3A_195 = arith.constant 16 : i32
      %mul3A_196 = arith.muli %scan3A_35, %mul3A_195 : i32
      %add3A_197 = arith.constant 13 : i32
      %add3A_198 = arith.addi %mul3A_196, %add3A_197 : i32
      %swap3A_199 = arith.index_cast %add3A_198 : i32 to index
      %swap3A_200 = arith.constant 0 : index
      %swap3A_201 = tpu.vector_load %arg8[%swap3A_199, %swap3A_200] {strides = array<i32>} : memref<640x16xf32, #tpu.memory_space<vmem>>, vector<1x16xf32>,
      %swap3A_202 = vector.shape_cast %swap3A_201 : vector<1x16xf32> to vector<16xf32>
      %swap3A_203 = vector.shape_cast %broadcast_in_dim3A_194 : vector<16xf32> to vector<1x16xf32>
      tpu.vector_store %arg8[%swap3A_199, %swap3A_200], %swap3A_203 {strides = array<i32>} : memref<640x16xf32, #tpu.memory_space<vmem>>, vector<1x16xf32>,
      %slice3A_204 = vector.extract_strided_slice %get3A_39 {offsets = [14], sizes = [1], strides = [1]} : vector<16xf32> to vector<1xf32>
      %squeeze3A_205 = vector.extract %slice3A_204[0] : f32 from vector<1xf32>
      %broadcast_in_dim3A_206 = vector.broadcast %squeeze3A_205 : f32 to vector<16xf32>
      %mul3A_207 = arith.constant 16 : i32
      %mul3A_208 = arith.muli %scan3A_35, %mul3A_207 : i32
      %add3A_209 = arith.constant 14 : i32
      %add3A_210 = arith.addi %mul3A_208, %add3A_209 : i32
      %swap3A_211 = arith.index_cast %add3A_210 : i32 to index
      %swap3A_212 = arith.constant 0 : index
      %swap3A_213 = tpu.vector_load %arg8[%swap3A_211, %swap3A_212] {strides = array<i32>} : memref<640x16xf32, #tpu.memory_space<vmem>>, vector<1x16xf32>,
      %swap3A_214 = vector.shape_cast %swap3A_213 : vector<1x16xf32> to vector<16xf32>
      %swap3A_215 = vector.shape_cast %broadcast_in_dim3A_206 : vector<16xf32> to vector<1x16xf32>
      tpu.vector_store %arg8[%swap3A_211, %swap3A_212], %swap3A_215 {strides = array<i32>} : memref<640x16xf32, #tpu.memory_space<vmem>>, vector<1x16xf32>,
      %slice3A_216 = vector.extract_strided_slice %get3A_39 {offsets = [15], sizes = [1], strides = [1]} : vector<16xf32> to vector<1xf32>
      %squeeze3A_217 = vector.extract %slice3A_216[0] : f32 from vector<1xf32>
      %broadcast_in_dim3A_218 = vector.broadcast %squeeze3A_217 : f32 to vector<16xf32>
      %mul3A_219 = arith.constant 16 : i32
      %mul3A_220 = arith.muli %scan3A_35, %mul3A_219 : i32
      %add3A_221 = arith.constant 15 : i32
      %add3A_222 = arith.addi %mul3A_220, %add3A_221 : i32
      %swap3A_223 = arith.index_cast %add3A_222 : i32 to index
      %swap3A_224 = arith.constant 0 : index
      %swap3A_225 = tpu.vector_load %arg8[%swap3A_223, %swap3A_224] {strides = array<i32>} : memref<640x16xf32, #tpu.memory_space<vmem>>, vector<1x16xf32>,
      %swap3A_226 = vector.shape_cast %swap3A_225 : vector<1x16xf32> to vector<16xf32>
      %swap3A_227 = vector.shape_cast %broadcast_in_dim3A_218 : vector<16xf32> to vector<1x16xf32>
      tpu.vector_store %arg8[%swap3A_223, %swap3A_224], %swap3A_227 {strides = array<i32>} : memref<640x16xf32, #tpu.memory_space<vmem>>, vector<1x16xf32>,
    }
    %scan3A_34 = arith.constant 40 : i32
    "tpu.region"() ({
      %run_scoped3A_35 = tpu.sem_alloc : memref<!tpu.dma_semaphore, #tpu.memory_space<semaphore_mem>>
      %dma_start3A = arith.constant 0 : i32
      %dma_start3A_36 = arith.constant 0 : i32
      %dma_start3A_37 = tpu.memref_slice %arg3[%arg0, %dma_start3A, %dma_start3A_36] : memref<2x10240x16xf32, #tpu.memory_space<hbm>> -> memref<1x10240x16xf32, #tpu.memory_space<hbm>>
      %dma_start3A_38 = tpu.memref_squeeze %dma_start3A_37 : memref<1x10240x16xf32, #tpu.memory_space<hbm>> -> memref<10240x16xf32, #tpu.memory_space<hbm>>
      %dma_start3A_39 = arith.constant 0 : i32
      %dma_start3A_40 = tpu.memref_slice %dma_start3A_38[%mul3A_29, %dma_start3A_39] : memref<10240x16xf32, #tpu.memory_space<hbm>> -> memref<640x16xf32, #tpu.memory_space<hbm>>
      %dma_start3A_41 = arith.constant 0 : i32
      %dma_start3A_42 = arith.constant 0 : i32
      %dma_start3A_43 = tpu.memref_slice %arg3[%arg0, %dma_start3A_41, %dma_start3A_42] : memref<2x10240x16xf32, #tpu.memory_space<hbm>> -> memref<1x10240x16xf32, #tpu.memory_space<hbm>>
      %dma_start3A_44 = tpu.memref_squeeze %dma_start3A_43 : memref<1x10240x16xf32, #tpu.memory_space<hbm>> -> memref<10240x16xf32, #tpu.memory_space<hbm>>
      %dma_start3A_45 = arith.constant 0 : i32
      %dma_start3A_46 = tpu.memref_slice %dma_start3A_44[%mul3A_29, %dma_start3A_45] : memref<10240x16xf32, #tpu.memory_space<hbm>> -> memref<640x16xf32, #tpu.memory_space<hbm>>
      tpu.enqueue_dma source(%arg8 : memref<640x16xf32, #tpu.memory_space<vmem>>) target(%dma_start3A_46 : memref<640x16xf32, #tpu.memory_space<hbm>>) target_semaphore(%run_scoped3A_35 : memref<!tpu.dma_semaphore, #tpu.memory_space<semaphore_mem>>)
      %dma_wait3A = arith.constant 0 : i32
      %dma_wait3A_47 = arith.constant 0 : i32
      %dma_wait3A_48 = tpu.memref_slice %arg3[%arg0, %dma_wait3A, %dma_wait3A_47] : memref<2x10240x16xf32, #tpu.memory_space<hbm>> -> memref<1x10240x16xf32, #tpu.memory_space<hbm>>
      %dma_wait3A_49 = tpu.memref_squeeze %dma_wait3A_48 : memref<1x10240x16xf32, #tpu.memory_space<hbm>> -> memref<10240x16xf32, #tpu.memory_space<hbm>>
      %dma_wait3A_50 = arith.constant 0 : i32
      %dma_wait3A_51 = tpu.memref_slice %dma_wait3A_49[%mul3A_29, %dma_wait3A_50] : memref<10240x16xf32, #tpu.memory_space<hbm>> -> memref<640x16xf32, #tpu.memory_space<hbm>>
      %dma_wait3A_52 = arith.constant 0 : i32
      %dma_wait3A_53 = arith.constant 0 : i32
      %dma_wait3A_54 = tpu.memref_slice %arg3[%arg0, %dma_wait3A_52, %dma_wait3A_53] : memref<2x10240x16xf32, #tpu.memory_space<hbm>> -> memref<1x10240x16xf32, #tpu.memory_space<hbm>>
      %dma_wait3A_55 = tpu.memref_squeeze %dma_wait3A_54 : memref<1x10240x16xf32, #tpu.memory_space<hbm>> -> memref<10240x16xf32, #tpu.memory_space<hbm>>
      %dma_wait3A_56 = arith.constant 0 : i32
      %dma_wait3A_57 = tpu.memref_slice %dma_wait3A_55[%mul3A_29, %dma_wait3A_56] : memref<10240x16xf32, #tpu.memory_space<hbm>> -> memref<640x16xf32, #tpu.memory_space<hbm>>
      tpu.wait_dma2 semaphore(%run_scoped3A_35 : memref<!tpu.dma_semaphore, #tpu.memory_space<semaphore_mem>>) src(%arg8 : memref<640x16xf32, #tpu.memory_space<vmem>>) dst(%dma_wait3A_57 : memref<640x16xf32, #tpu.memory_space<hbm>>)
      tpu.yield
    }) : () -> ()
    return
  }
}

#map = affine_map<(d0, d1) -> (0, 0)>
#map1 = affine_map<(d0, d1) -> (0, 0, 0)>
module attributes {stable_mosaic.version = 14 : i64} {
  func.func @body(%arg0: i32, %arg1: i32, %arg2: memref<10000x16xf32, #tpu.memory_space<hbm>>, %arg3: memref<2x320000xi32, #tpu.memory_space<hbm>>, %arg4: memref<2x10240x16xf32, #tpu.memory_space<hbm>>, %arg5: memref<10240x16xf32, #tpu.memory_space<vmem_shared>>, %arg6: memref<10000x16xf32, #tpu.memory_space<vmem_shared>>, %arg7: memref<10000xi32, #tpu.memory_space<vmem>>, %arg8: memref<10000xi32, #tpu.memory_space<vmem>>, %arg9: memref<512x16xf32, #tpu.memory_space<vmem>>, %arg10: memref<512x16xf32, #tpu.memory_space<vmem>>, %arg11: memref<512x16xf32, #tpu.memory_space<vmem>>, %arg12: memref<512x16xf32, #tpu.memory_space<vmem>>, %arg13: memref<640x16xf32, #tpu.memory_space<vmem>>, %arg14: memref<272xi32, #tpu.memory_space<vmem>>, %arg15: memref<272x16xf32, #tpu.memory_space<vmem>>, %arg16: memref<!tpu.dma_semaphore, #tpu.memory_space<semaphore_mem>>, %arg17: memref<!tpu.dma_semaphore, #tpu.memory_space<semaphore_mem>>) attributes {dimension_semantics = [#tpu.dimension_semantics<core_parallel>, #tpu.dimension_semantics<subcore_parallel>], iteration_bounds = array<i64: 2, 16>, scalar_prefetch = 0 : i64, scratch_operands = 13 : i64, tpu.core_type = #tpu.core_type<sc_vector_subcore>, window_params = [{transform_indices = #map}, {transform_indices = #map}, {transform_indices = #map1}]} {
    %mul3A = arith.constant 2 : i32
    %mul3A_0 = arith.muli %arg1, %mul3A : i32
    %add3A = arith.addi %mul3A_0, %arg0 : i32
    %mul3A_1 = arith.constant 10000 : i32
    %mul3A_2 = arith.muli %add3A, %mul3A_1 : i32
    %lt3A = arith.constant 16 : i32
    %lt3A_3 = arith.cmpi slt, %arg1, %lt3A : i32
    %convert_element_type3A = arith.extui %lt3A_3 : i1 to i32
    %cond3A = arith.constant 0 : i32
    %cond3A_4 = arith.cmpi ne, %convert_element_type3A, %cond3A : i32
    scf.if %cond3A_4 {
      %mul3A_95 = arith.constant 632 : i32
      %mul3A_96 = arith.muli %arg1, %mul3A_95 : i32
      %lt3A_97 = arith.constant 15 : i32
      %lt3A_98 = arith.cmpi slt, %arg1, %lt3A_97 : i32
      %convert_element_type3A_99 = arith.extui %lt3A_98 : i1 to i32
      %cond3A_100 = arith.constant 0 : i32
      %cond3A_101 = arith.cmpi ne, %convert_element_type3A_99, %cond3A_100 : i32
      scf.if %cond3A_101 {
        "tpu.region"() ({
          %run_scoped3A_106 = tpu.sem_alloc : memref<!tpu.dma_semaphore, #tpu.memory_space<semaphore_mem>>
          %dma_start3A_107 = arith.constant 0 : i32
          %dma_start3A_108 = tpu.memref_slice %arg6[%mul3A_96, %dma_start3A_107] : memref<10000x16xf32, #tpu.memory_space<vmem_shared>> -> memref<632x16xf32, #tpu.memory_space<vmem_shared>>
          %dma_start3A_109 = arith.constant 0 : i32
          %dma_start3A_110 = tpu.memref_slice %arg2[%mul3A_96, %dma_start3A_109] : memref<10000x16xf32, #tpu.memory_space<hbm>> -> memref<632x16xf32, #tpu.memory_space<hbm>>
          tpu.enqueue_dma source(%dma_start3A_110 : memref<632x16xf32, #tpu.memory_space<hbm>>) target(%dma_start3A_108 : memref<632x16xf32, #tpu.memory_space<vmem_shared>>) target_semaphore(%run_scoped3A_106 : memref<!tpu.dma_semaphore, #tpu.memory_space<semaphore_mem>>)
          %dma_wait3A_111 = arith.constant 0 : i32
          %dma_wait3A_112 = tpu.memref_slice %arg6[%mul3A_96, %dma_wait3A_111] : memref<10000x16xf32, #tpu.memory_space<vmem_shared>> -> memref<632x16xf32, #tpu.memory_space<vmem_shared>>
          %dma_wait3A_113 = arith.constant 0 : i32
          %dma_wait3A_114 = tpu.memref_slice %arg2[%mul3A_96, %dma_wait3A_113] : memref<10000x16xf32, #tpu.memory_space<hbm>> -> memref<632x16xf32, #tpu.memory_space<hbm>>
          tpu.wait_dma2 semaphore(%run_scoped3A_106 : memref<!tpu.dma_semaphore, #tpu.memory_space<semaphore_mem>>) src(%dma_wait3A_114 : memref<632x16xf32, #tpu.memory_space<hbm>>) dst(%dma_wait3A_112 : memref<632x16xf32, #tpu.memory_space<vmem_shared>>)
          tpu.yield
        }) : () -> ()
      } else {
      }
      %eq3A = arith.constant 15 : i32
      %eq3A_102 = arith.cmpi eq, %arg1, %eq3A : i32
      %convert_element_type3A_103 = arith.extui %eq3A_102 : i1 to i32
      %cond3A_104 = arith.constant 0 : i32
      %cond3A_105 = arith.cmpi ne, %convert_element_type3A_103, %cond3A_104 : i32
      scf.if %cond3A_105 {
        "tpu.region"() ({
          %run_scoped3A_106 = tpu.sem_alloc : memref<!tpu.dma_semaphore, #tpu.memory_space<semaphore_mem>>
          %dma_start3A_107 = arith.constant 9480 : i32
          %dma_start3A_108 = arith.constant 0 : i32
          %dma_start3A_109 = tpu.memref_slice %arg6[%dma_start3A_107, %dma_start3A_108] : memref<10000x16xf32, #tpu.memory_space<vmem_shared>> -> memref<520x16xf32, #tpu.memory_space<vmem_shared>>
          %dma_start3A_110 = arith.constant 9480 : i32
          %dma_start3A_111 = arith.constant 0 : i32
          %dma_start3A_112 = tpu.memref_slice %arg2[%dma_start3A_110, %dma_start3A_111] : memref<10000x16xf32, #tpu.memory_space<hbm>> -> memref<520x16xf32, #tpu.memory_space<hbm>>
          tpu.enqueue_dma source(%dma_start3A_112 : memref<520x16xf32, #tpu.memory_space<hbm>>) target(%dma_start3A_109 : memref<520x16xf32, #tpu.memory_space<vmem_shared>>) target_semaphore(%run_scoped3A_106 : memref<!tpu.dma_semaphore, #tpu.memory_space<semaphore_mem>>)
          %dma_wait3A_113 = arith.constant 9480 : i32
          %dma_wait3A_114 = arith.constant 0 : i32
          %dma_wait3A_115 = tpu.memref_slice %arg6[%dma_wait3A_113, %dma_wait3A_114] : memref<10000x16xf32, #tpu.memory_space<vmem_shared>> -> memref<520x16xf32, #tpu.memory_space<vmem_shared>>
          %dma_wait3A_116 = arith.constant 9480 : i32
          %dma_wait3A_117 = arith.constant 0 : i32
          %dma_wait3A_118 = tpu.memref_slice %arg2[%dma_wait3A_116, %dma_wait3A_117] : memref<10000x16xf32, #tpu.memory_space<hbm>> -> memref<520x16xf32, #tpu.memory_space<hbm>>
          tpu.wait_dma2 semaphore(%run_scoped3A_106 : memref<!tpu.dma_semaphore, #tpu.memory_space<semaphore_mem>>) src(%dma_wait3A_118 : memref<520x16xf32, #tpu.memory_space<hbm>>) dst(%dma_wait3A_115 : memref<520x16xf32, #tpu.memory_space<vmem_shared>>)
          tpu.yield
        }) : () -> ()
      } else {
      }
    } else {
    }
    %scan3A = arith.constant 0 : i32
    %scan3A_5 = arith.constant 640 : i32
    %scan3A_6 = arith.addi %scan3A, %scan3A_5 : i32
    %scan3A_7 = arith.constant 1 : i32
    scf.for %scan3A_95 = %scan3A to %scan3A_6 step %scan3A_7  : i32 {
      %broadcast_in_dim3A = arith.constant 0.000000e+00 : f32
      %broadcast_in_dim3A_96 = vector.broadcast %broadcast_in_dim3A : f32 to vector<16xf32>
      %swap3A = arith.index_cast %scan3A_95 : i32 to index
      %swap3A_97 = arith.constant 0 : index
      %swap3A_98 = tpu.vector_load %arg13[%swap3A, %swap3A_97] {strides = array<i32>} : memref<640x16xf32, #tpu.memory_space<vmem>>, vector<1x16xf32>,
      %swap3A_99 = vector.shape_cast %swap3A_98 : vector<1x16xf32> to vector<16xf32>
      %swap3A_100 = vector.shape_cast %broadcast_in_dim3A_96 : vector<16xf32> to vector<1x16xf32>
      tpu.vector_store %arg13[%swap3A, %swap3A_97], %swap3A_100 {strides = array<i32>} : memref<640x16xf32, #tpu.memory_space<vmem>>, vector<1x16xf32>,
    }
    %scan3A_8 = arith.constant 640 : i32
    %mul3A_9 = arith.constant 640 : i32
    %mul3A_10 = arith.muli %arg1, %mul3A_9 : i32
    "tpu.region"() ({
      %run_scoped3A_95 = tpu.sem_alloc : memref<!tpu.dma_semaphore, #tpu.memory_space<semaphore_mem>>
      %dma_start3A_96 = arith.constant 0 : i32
      %dma_start3A_97 = tpu.memref_slice %arg5[%mul3A_10, %dma_start3A_96] : memref<10240x16xf32, #tpu.memory_space<vmem_shared>> -> memref<640x16xf32, #tpu.memory_space<vmem_shared>>
      %dma_start3A_98 = arith.constant 0 : i32
      %dma_start3A_99 = tpu.memref_slice %arg5[%mul3A_10, %dma_start3A_98] : memref<10240x16xf32, #tpu.memory_space<vmem_shared>> -> memref<640x16xf32, #tpu.memory_space<vmem_shared>>
      tpu.enqueue_dma source(%arg13 : memref<640x16xf32, #tpu.memory_space<vmem>>) target(%dma_start3A_99 : memref<640x16xf32, #tpu.memory_space<vmem_shared>>) target_semaphore(%run_scoped3A_95 : memref<!tpu.dma_semaphore, #tpu.memory_space<semaphore_mem>>)
      %dma_wait3A_100 = arith.constant 0 : i32
      %dma_wait3A_101 = tpu.memref_slice %arg5[%mul3A_10, %dma_wait3A_100] : memref<10240x16xf32, #tpu.memory_space<vmem_shared>> -> memref<640x16xf32, #tpu.memory_space<vmem_shared>>
      %dma_wait3A_102 = arith.constant 0 : i32
      %dma_wait3A_103 = tpu.memref_slice %arg5[%mul3A_10, %dma_wait3A_102] : memref<10240x16xf32, #tpu.memory_space<vmem_shared>> -> memref<640x16xf32, #tpu.memory_space<vmem_shared>>
      tpu.wait_dma2 semaphore(%run_scoped3A_95 : memref<!tpu.dma_semaphore, #tpu.memory_space<semaphore_mem>>) src(%arg13 : memref<640x16xf32, #tpu.memory_space<vmem>>) dst(%dma_wait3A_103 : memref<640x16xf32, #tpu.memory_space<vmem_shared>>)
      tpu.yield
    }) : () -> ()
    %run_scoped3A = arith.constant 0 : i32
    "tpu.region"() ({
      %run_scoped3A_95 = tpu.sem_alloc : memref<!tpu.dma_semaphore, #tpu.memory_space<semaphore_mem>>
      %dma_start3A_96 = arith.constant 0 : i32
      %dma_start3A_97 = tpu.memref_slice %arg3[%run_scoped3A, %dma_start3A_96] : memref<2x320000xi32, #tpu.memory_space<hbm>> -> memref<1x320000xi32, #tpu.memory_space<hbm>>
      %dma_start3A_98 = tpu.memref_squeeze %dma_start3A_97 : memref<1x320000xi32, #tpu.memory_space<hbm>> -> memref<320000xi32, #tpu.memory_space<hbm>>
      %dma_start3A_99 = tpu.memref_slice %dma_start3A_98[%mul3A_2] : memref<320000xi32, #tpu.memory_space<hbm>> -> memref<10000xi32, #tpu.memory_space<hbm>>
      %dma_start3A_100 = arith.constant 0 : i32
      %dma_start3A_101 = tpu.memref_slice %arg3[%run_scoped3A, %dma_start3A_100] : memref<2x320000xi32, #tpu.memory_space<hbm>> -> memref<1x320000xi32, #tpu.memory_space<hbm>>
      %dma_start3A_102 = tpu.memref_squeeze %dma_start3A_101 : memref<1x320000xi32, #tpu.memory_space<hbm>> -> memref<320000xi32, #tpu.memory_space<hbm>>
      %dma_start3A_103 = tpu.memref_slice %dma_start3A_102[%mul3A_2] : memref<320000xi32, #tpu.memory_space<hbm>> -> memref<10000xi32, #tpu.memory_space<hbm>>
      tpu.enqueue_dma source(%dma_start3A_103 : memref<10000xi32, #tpu.memory_space<hbm>>) target(%arg7 : memref<10000xi32, #tpu.memory_space<vmem>>) target_semaphore(%run_scoped3A_95 : memref<!tpu.dma_semaphore, #tpu.memory_space<semaphore_mem>>)
      %dma_wait3A_104 = arith.constant 0 : i32
      %dma_wait3A_105 = tpu.memref_slice %arg3[%run_scoped3A, %dma_wait3A_104] : memref<2x320000xi32, #tpu.memory_space<hbm>> -> memref<1x320000xi32, #tpu.memory_space<hbm>>
      %dma_wait3A_106 = tpu.memref_squeeze %dma_wait3A_105 : memref<1x320000xi32, #tpu.memory_space<hbm>> -> memref<320000xi32, #tpu.memory_space<hbm>>
      %dma_wait3A_107 = tpu.memref_slice %dma_wait3A_106[%mul3A_2] : memref<320000xi32, #tpu.memory_space<hbm>> -> memref<10000xi32, #tpu.memory_space<hbm>>
      %dma_wait3A_108 = arith.constant 0 : i32
      %dma_wait3A_109 = tpu.memref_slice %arg3[%run_scoped3A, %dma_wait3A_108] : memref<2x320000xi32, #tpu.memory_space<hbm>> -> memref<1x320000xi32, #tpu.memory_space<hbm>>
      %dma_wait3A_110 = tpu.memref_squeeze %dma_wait3A_109 : memref<1x320000xi32, #tpu.memory_space<hbm>> -> memref<320000xi32, #tpu.memory_space<hbm>>
      %dma_wait3A_111 = tpu.memref_slice %dma_wait3A_110[%mul3A_2] : memref<320000xi32, #tpu.memory_space<hbm>> -> memref<10000xi32, #tpu.memory_space<hbm>>
      tpu.wait_dma2 semaphore(%run_scoped3A_95 : memref<!tpu.dma_semaphore, #tpu.memory_space<semaphore_mem>>) src(%dma_wait3A_111 : memref<10000xi32, #tpu.memory_space<hbm>>) dst(%arg7 : memref<10000xi32, #tpu.memory_space<vmem>>)
      tpu.yield
    }) : () -> ()
    %run_scoped3A_11 = arith.constant 1 : i32
    "tpu.region"() ({
      %run_scoped3A_95 = tpu.sem_alloc : memref<!tpu.dma_semaphore, #tpu.memory_space<semaphore_mem>>
      %dma_start3A_96 = arith.constant 0 : i32
      %dma_start3A_97 = tpu.memref_slice %arg3[%run_scoped3A_11, %dma_start3A_96] : memref<2x320000xi32, #tpu.memory_space<hbm>> -> memref<1x320000xi32, #tpu.memory_space<hbm>>
      %dma_start3A_98 = tpu.memref_squeeze %dma_start3A_97 : memref<1x320000xi32, #tpu.memory_space<hbm>> -> memref<320000xi32, #tpu.memory_space<hbm>>
      %dma_start3A_99 = tpu.memref_slice %dma_start3A_98[%mul3A_2] : memref<320000xi32, #tpu.memory_space<hbm>> -> memref<10000xi32, #tpu.memory_space<hbm>>
      %dma_start3A_100 = arith.constant 0 : i32
      %dma_start3A_101 = tpu.memref_slice %arg3[%run_scoped3A_11, %dma_start3A_100] : memref<2x320000xi32, #tpu.memory_space<hbm>> -> memref<1x320000xi32, #tpu.memory_space<hbm>>
      %dma_start3A_102 = tpu.memref_squeeze %dma_start3A_101 : memref<1x320000xi32, #tpu.memory_space<hbm>> -> memref<320000xi32, #tpu.memory_space<hbm>>
      %dma_start3A_103 = tpu.memref_slice %dma_start3A_102[%mul3A_2] : memref<320000xi32, #tpu.memory_space<hbm>> -> memref<10000xi32, #tpu.memory_space<hbm>>
      tpu.enqueue_dma source(%dma_start3A_103 : memref<10000xi32, #tpu.memory_space<hbm>>) target(%arg8 : memref<10000xi32, #tpu.memory_space<vmem>>) target_semaphore(%run_scoped3A_95 : memref<!tpu.dma_semaphore, #tpu.memory_space<semaphore_mem>>)
      %dma_wait3A_104 = arith.constant 0 : i32
      %dma_wait3A_105 = tpu.memref_slice %arg3[%run_scoped3A_11, %dma_wait3A_104] : memref<2x320000xi32, #tpu.memory_space<hbm>> -> memref<1x320000xi32, #tpu.memory_space<hbm>>
      %dma_wait3A_106 = tpu.memref_squeeze %dma_wait3A_105 : memref<1x320000xi32, #tpu.memory_space<hbm>> -> memref<320000xi32, #tpu.memory_space<hbm>>
      %dma_wait3A_107 = tpu.memref_slice %dma_wait3A_106[%mul3A_2] : memref<320000xi32, #tpu.memory_space<hbm>> -> memref<10000xi32, #tpu.memory_space<hbm>>
      %dma_wait3A_108 = arith.constant 0 : i32
      %dma_wait3A_109 = tpu.memref_slice %arg3[%run_scoped3A_11, %dma_wait3A_108] : memref<2x320000xi32, #tpu.memory_space<hbm>> -> memref<1x320000xi32, #tpu.memory_space<hbm>>
      %dma_wait3A_110 = tpu.memref_squeeze %dma_wait3A_109 : memref<1x320000xi32, #tpu.memory_space<hbm>> -> memref<320000xi32, #tpu.memory_space<hbm>>
      %dma_wait3A_111 = tpu.memref_slice %dma_wait3A_110[%mul3A_2] : memref<320000xi32, #tpu.memory_space<hbm>> -> memref<10000xi32, #tpu.memory_space<hbm>>
      tpu.wait_dma2 semaphore(%run_scoped3A_95 : memref<!tpu.dma_semaphore, #tpu.memory_space<semaphore_mem>>) src(%dma_wait3A_111 : memref<10000xi32, #tpu.memory_space<hbm>>) dst(%arg8 : memref<10000xi32, #tpu.memory_space<vmem>>)
      tpu.yield
    }) : () -> ()
    %barrier3A = arith.constant 0 : index
    tpu.barrier barrier_id(%barrier3A)
    %dma_start3A = arith.constant 0 : i32
    %dma_start3A_12 = tpu.memref_slice %arg7[%dma_start3A] : memref<10000xi32, #tpu.memory_space<vmem>> -> memref<512xi32, #tpu.memory_space<vmem>>
    %dma_start3A_13 = arith.constant 0 : i32
    %dma_start3A_14 = arith.constant 0 : i32
    %dma_start3A_15 = tpu.memref_slice %arg6[%dma_start3A_13, %dma_start3A_14] : memref<10000x16xf32, #tpu.memory_space<vmem_shared>> -> memref<10000x16xf32, #tpu.memory_space<vmem_shared>>
    tpu.enqueue_indirect_dma source(%dma_start3A_15 : memref<10000x16xf32, #tpu.memory_space<vmem_shared>>) target(%arg9 : memref<512x16xf32, #tpu.memory_space<vmem>>) offsets(%dma_start3A_12 : memref<512xi32, #tpu.memory_space<vmem>>) semaphore(%arg16 : memref<!tpu.dma_semaphore, #tpu.memory_space<semaphore_mem>>)
    %dma_start3A_16 = arith.constant 512 : i32
    %dma_start3A_17 = tpu.memref_slice %arg7[%dma_start3A_16] : memref<10000xi32, #tpu.memory_space<vmem>> -> memref<512xi32, #tpu.memory_space<vmem>>
    %dma_start3A_18 = arith.constant 0 : i32
    %dma_start3A_19 = arith.constant 0 : i32
    %dma_start3A_20 = tpu.memref_slice %arg6[%dma_start3A_18, %dma_start3A_19] : memref<10000x16xf32, #tpu.memory_space<vmem_shared>> -> memref<10000x16xf32, #tpu.memory_space<vmem_shared>>
    tpu.enqueue_indirect_dma source(%dma_start3A_20 : memref<10000x16xf32, #tpu.memory_space<vmem_shared>>) target(%arg10 : memref<512x16xf32, #tpu.memory_space<vmem>>) offsets(%dma_start3A_17 : memref<512xi32, #tpu.memory_space<vmem>>) semaphore(%arg16 : memref<!tpu.dma_semaphore, #tpu.memory_space<semaphore_mem>>)
    %dma_start3A_21 = arith.constant 1024 : i32
    %dma_start3A_22 = tpu.memref_slice %arg7[%dma_start3A_21] : memref<10000xi32, #tpu.memory_space<vmem>> -> memref<512xi32, #tpu.memory_space<vmem>>
    %dma_start3A_23 = arith.constant 0 : i32
    %dma_start3A_24 = arith.constant 0 : i32
    %dma_start3A_25 = tpu.memref_slice %arg6[%dma_start3A_23, %dma_start3A_24] : memref<10000x16xf32, #tpu.memory_space<vmem_shared>> -> memref<10000x16xf32, #tpu.memory_space<vmem_shared>>
    tpu.enqueue_indirect_dma source(%dma_start3A_25 : memref<10000x16xf32, #tpu.memory_space<vmem_shared>>) target(%arg11 : memref<512x16xf32, #tpu.memory_space<vmem>>) offsets(%dma_start3A_22 : memref<512xi32, #tpu.memory_space<vmem>>) semaphore(%arg16 : memref<!tpu.dma_semaphore, #tpu.memory_space<semaphore_mem>>)
    %scan3A_26 = arith.constant 0 : i32
    %scan3A_27 = arith.constant 4 : i32
    %scan3A_28 = arith.addi %scan3A_26, %scan3A_27 : i32
    %scan3A_29 = arith.constant 1 : i32
    scf.for %scan3A_95 = %scan3A_26 to %scan3A_28 step %scan3A_29  : i32 {
      %mul3A_96 = arith.constant 4 : i32
      %mul3A_97 = arith.muli %scan3A_95, %mul3A_96 : i32
      %add3A_98 = arith.constant 0 : i32
      %add3A_99 = arith.addi %mul3A_97, %add3A_98 : i32
      %mul3A_100 = arith.constant 512 : i32
      %mul3A_101 = arith.muli %add3A_99, %mul3A_100 : i32
      %dma_wait3A_102 = tpu.memref_slice %arg7[%mul3A_101] : memref<10000xi32, #tpu.memory_space<vmem>> -> memref<512xi32, #tpu.memory_space<vmem>>
      %dma_wait3A_103 = arith.constant 0 : i32
      %dma_wait3A_104 = arith.constant 0 : i32
      %dma_wait3A_105 = tpu.memref_slice %arg6[%dma_wait3A_103, %dma_wait3A_104] : memref<10000x16xf32, #tpu.memory_space<vmem_shared>> -> memref<10000x16xf32, #tpu.memory_space<vmem_shared>>
      tpu.wait_indirect_dma semaphore(%arg16 : memref<!tpu.dma_semaphore, #tpu.memory_space<semaphore_mem>>) src(%dma_wait3A_105 : memref<10000x16xf32, #tpu.memory_space<vmem_shared>>) dst(%arg9 : memref<512x16xf32, #tpu.memory_space<vmem>>)
      %mul3A_106 = arith.constant 512 : i32
      %mul3A_107 = arith.muli %add3A_99, %mul3A_106 : i32
      %dma_start3A_108 = tpu.memref_slice %arg8[%mul3A_107] : memref<10000xi32, #tpu.memory_space<vmem>> -> memref<512xi32, #tpu.memory_space<vmem>>
      %dma_start3A_109 = arith.constant 0 : i32
      %dma_start3A_110 = arith.constant 0 : i32
      %dma_start3A_111 = tpu.memref_slice %arg5[%dma_start3A_109, %dma_start3A_110] : memref<10240x16xf32, #tpu.memory_space<vmem_shared>> -> memref<10240x16xf32, #tpu.memory_space<vmem_shared>>
      tpu.enqueue_indirect_dma source(%arg9 : memref<512x16xf32, #tpu.memory_space<vmem>>) target(%dma_start3A_111 : memref<10240x16xf32, #tpu.memory_space<vmem_shared>>) offsets(%dma_start3A_108 : memref<512xi32, #tpu.memory_space<vmem>>) semaphore(%arg17 : memref<!tpu.dma_semaphore, #tpu.memory_space<semaphore_mem>>) {add = true}
      %ge3A = arith.constant 1 : i32
      %ge3A_112 = arith.cmpi sge, %add3A_99, %ge3A : i32
      %convert_element_type3A_113 = arith.extui %ge3A_112 : i1 to i32
      %cond3A_114 = arith.constant 0 : i32
      %cond3A_115 = arith.cmpi ne, %convert_element_type3A_113, %cond3A_114 : i32
      scf.if %cond3A_115 {
        %sub3A = arith.constant 1 : i32
        %sub3A_207 = arith.subi %add3A_99, %sub3A : i32
        %mul3A_208 = arith.constant 512 : i32
        %mul3A_209 = arith.muli %sub3A_207, %mul3A_208 : i32
        %dma_wait3A_210 = tpu.memref_slice %arg8[%mul3A_209] : memref<10000xi32, #tpu.memory_space<vmem>> -> memref<512xi32, #tpu.memory_space<vmem>>
        %dma_wait3A_211 = arith.constant 0 : i32
        %dma_wait3A_212 = arith.constant 0 : i32
        %dma_wait3A_213 = tpu.memref_slice %arg5[%dma_wait3A_211, %dma_wait3A_212] : memref<10240x16xf32, #tpu.memory_space<vmem_shared>> -> memref<10240x16xf32, #tpu.memory_space<vmem_shared>>
        tpu.wait_indirect_dma semaphore(%arg17 : memref<!tpu.dma_semaphore, #tpu.memory_space<semaphore_mem>>) src(%arg12 : memref<512x16xf32, #tpu.memory_space<vmem>>) dst(%dma_wait3A_213 : memref<10240x16xf32, #tpu.memory_space<vmem_shared>>)
      } else {
      }
      %add3A_116 = arith.constant 3 : i32
      %add3A_117 = arith.addi %add3A_99, %add3A_116 : i32
      %lt3A_118 = arith.constant 19 : i32
      %lt3A_119 = arith.cmpi slt, %add3A_117, %lt3A_118 : i32
      %convert_element_type3A_120 = arith.extui %lt3A_119 : i1 to i32
      %cond3A_121 = arith.constant 0 : i32
      %cond3A_122 = arith.cmpi ne, %convert_element_type3A_120, %cond3A_121 : i32
      scf.if %cond3A_122 {
        %add3A_207 = arith.constant 3 : i32
        %add3A_208 = arith.addi %add3A_99, %add3A_207 : i32
        %mul3A_209 = arith.constant 512 : i32
        %mul3A_210 = arith.muli %add3A_208, %mul3A_209 : i32
        %dma_start3A_211 = tpu.memref_slice %arg7[%mul3A_210] : memref<10000xi32, #tpu.memory_space<vmem>> -> memref<512xi32, #tpu.memory_space<vmem>>
        %dma_start3A_212 = arith.constant 0 : i32
        %dma_start3A_213 = arith.constant 0 : i32
        %dma_start3A_214 = tpu.memref_slice %arg6[%dma_start3A_212, %dma_start3A_213] : memref<10000x16xf32, #tpu.memory_space<vmem_shared>> -> memref<10000x16xf32, #tpu.memory_space<vmem_shared>>
        tpu.enqueue_indirect_dma source(%dma_start3A_214 : memref<10000x16xf32, #tpu.memory_space<vmem_shared>>) target(%arg12 : memref<512x16xf32, #tpu.memory_space<vmem>>) offsets(%dma_start3A_211 : memref<512xi32, #tpu.memory_space<vmem>>) semaphore(%arg16 : memref<!tpu.dma_semaphore, #tpu.memory_space<semaphore_mem>>)
      } else {
      }
      %mul3A_123 = arith.constant 4 : i32
      %mul3A_124 = arith.muli %scan3A_95, %mul3A_123 : i32
      %add3A_125 = arith.constant 1 : i32
      %add3A_126 = arith.addi %mul3A_124, %add3A_125 : i32
      %mul3A_127 = arith.constant 512 : i32
      %mul3A_128 = arith.muli %add3A_126, %mul3A_127 : i32
      %dma_wait3A_129 = tpu.memref_slice %arg7[%mul3A_128] : memref<10000xi32, #tpu.memory_space<vmem>> -> memref<512xi32, #tpu.memory_space<vmem>>
      %dma_wait3A_130 = arith.constant 0 : i32
      %dma_wait3A_131 = arith.constant 0 : i32
      %dma_wait3A_132 = tpu.memref_slice %arg6[%dma_wait3A_130, %dma_wait3A_131] : memref<10000x16xf32, #tpu.memory_space<vmem_shared>> -> memref<10000x16xf32, #tpu.memory_space<vmem_shared>>
      tpu.wait_indirect_dma semaphore(%arg16 : memref<!tpu.dma_semaphore, #tpu.memory_space<semaphore_mem>>) src(%dma_wait3A_132 : memref<10000x16xf32, #tpu.memory_space<vmem_shared>>) dst(%arg10 : memref<512x16xf32, #tpu.memory_space<vmem>>)
      %mul3A_133 = arith.constant 512 : i32
      %mul3A_134 = arith.muli %add3A_126, %mul3A_133 : i32
      %dma_start3A_135 = tpu.memref_slice %arg8[%mul3A_134] : memref<10000xi32, #tpu.memory_space<vmem>> -> memref<512xi32, #tpu.memory_space<vmem>>
      %dma_start3A_136 = arith.constant 0 : i32
      %dma_start3A_137 = arith.constant 0 : i32
      %dma_start3A_138 = tpu.memref_slice %arg5[%dma_start3A_136, %dma_start3A_137] : memref<10240x16xf32, #tpu.memory_space<vmem_shared>> -> memref<10240x16xf32, #tpu.memory_space<vmem_shared>>
      tpu.enqueue_indirect_dma source(%arg10 : memref<512x16xf32, #tpu.memory_space<vmem>>) target(%dma_start3A_138 : memref<10240x16xf32, #tpu.memory_space<vmem_shared>>) offsets(%dma_start3A_135 : memref<512xi32, #tpu.memory_space<vmem>>) semaphore(%arg17 : memref<!tpu.dma_semaphore, #tpu.memory_space<semaphore_mem>>) {add = true}
      %ge3A_139 = arith.constant 1 : i32
      %ge3A_140 = arith.cmpi sge, %add3A_126, %ge3A_139 : i32
      %convert_element_type3A_141 = arith.extui %ge3A_140 : i1 to i32
      %cond3A_142 = arith.constant 0 : i32
      %cond3A_143 = arith.cmpi ne, %convert_element_type3A_141, %cond3A_142 : i32
      scf.if %cond3A_143 {
        %sub3A = arith.constant 1 : i32
        %sub3A_207 = arith.subi %add3A_126, %sub3A : i32
        %mul3A_208 = arith.constant 512 : i32
        %mul3A_209 = arith.muli %sub3A_207, %mul3A_208 : i32
        %dma_wait3A_210 = tpu.memref_slice %arg8[%mul3A_209] : memref<10000xi32, #tpu.memory_space<vmem>> -> memref<512xi32, #tpu.memory_space<vmem>>
        %dma_wait3A_211 = arith.constant 0 : i32
        %dma_wait3A_212 = arith.constant 0 : i32
        %dma_wait3A_213 = tpu.memref_slice %arg5[%dma_wait3A_211, %dma_wait3A_212] : memref<10240x16xf32, #tpu.memory_space<vmem_shared>> -> memref<10240x16xf32, #tpu.memory_space<vmem_shared>>
        tpu.wait_indirect_dma semaphore(%arg17 : memref<!tpu.dma_semaphore, #tpu.memory_space<semaphore_mem>>) src(%arg9 : memref<512x16xf32, #tpu.memory_space<vmem>>) dst(%dma_wait3A_213 : memref<10240x16xf32, #tpu.memory_space<vmem_shared>>)
      } else {
      }
      %add3A_144 = arith.constant 3 : i32
      %add3A_145 = arith.addi %add3A_126, %add3A_144 : i32
      %lt3A_146 = arith.constant 19 : i32
      %lt3A_147 = arith.cmpi slt, %add3A_145, %lt3A_146 : i32
      %convert_element_type3A_148 = arith.extui %lt3A_147 : i1 to i32
      %cond3A_149 = arith.constant 0 : i32
      %cond3A_150 = arith.cmpi ne, %convert_element_type3A_148, %cond3A_149 : i32
      scf.if %cond3A_150 {
        %add3A_207 = arith.constant 3 : i32
        %add3A_208 = arith.addi %add3A_126, %add3A_207 : i32
        %mul3A_209 = arith.constant 512 : i32
        %mul3A_210 = arith.muli %add3A_208, %mul3A_209 : i32
        %dma_start3A_211 = tpu.memref_slice %arg7[%mul3A_210] : memref<10000xi32, #tpu.memory_space<vmem>> -> memref<512xi32, #tpu.memory_space<vmem>>
        %dma_start3A_212 = arith.constant 0 : i32
        %dma_start3A_213 = arith.constant 0 : i32
        %dma_start3A_214 = tpu.memref_slice %arg6[%dma_start3A_212, %dma_start3A_213] : memref<10000x16xf32, #tpu.memory_space<vmem_shared>> -> memref<10000x16xf32, #tpu.memory_space<vmem_shared>>
        tpu.enqueue_indirect_dma source(%dma_start3A_214 : memref<10000x16xf32, #tpu.memory_space<vmem_shared>>) target(%arg9 : memref<512x16xf32, #tpu.memory_space<vmem>>) offsets(%dma_start3A_211 : memref<512xi32, #tpu.memory_space<vmem>>) semaphore(%arg16 : memref<!tpu.dma_semaphore, #tpu.memory_space<semaphore_mem>>)
      } else {
      }
      %mul3A_151 = arith.constant 4 : i32
      %mul3A_152 = arith.muli %scan3A_95, %mul3A_151 : i32
      %add3A_153 = arith.constant 2 : i32
      %add3A_154 = arith.addi %mul3A_152, %add3A_153 : i32
      %mul3A_155 = arith.constant 512 : i32
      %mul3A_156 = arith.muli %add3A_154, %mul3A_155 : i32
      %dma_wait3A_157 = tpu.memref_slice %arg7[%mul3A_156] : memref<10000xi32, #tpu.memory_space<vmem>> -> memref<512xi32, #tpu.memory_space<vmem>>
      %dma_wait3A_158 = arith.constant 0 : i32
      %dma_wait3A_159 = arith.constant 0 : i32
      %dma_wait3A_160 = tpu.memref_slice %arg6[%dma_wait3A_158, %dma_wait3A_159] : memref<10000x16xf32, #tpu.memory_space<vmem_shared>> -> memref<10000x16xf32, #tpu.memory_space<vmem_shared>>
      tpu.wait_indirect_dma semaphore(%arg16 : memref<!tpu.dma_semaphore, #tpu.memory_space<semaphore_mem>>) src(%dma_wait3A_160 : memref<10000x16xf32, #tpu.memory_space<vmem_shared>>) dst(%arg11 : memref<512x16xf32, #tpu.memory_space<vmem>>)
      %mul3A_161 = arith.constant 512 : i32
      %mul3A_162 = arith.muli %add3A_154, %mul3A_161 : i32
      %dma_start3A_163 = tpu.memref_slice %arg8[%mul3A_162] : memref<10000xi32, #tpu.memory_space<vmem>> -> memref<512xi32, #tpu.memory_space<vmem>>
      %dma_start3A_164 = arith.constant 0 : i32
      %dma_start3A_165 = arith.constant 0 : i32
      %dma_start3A_166 = tpu.memref_slice %arg5[%dma_start3A_164, %dma_start3A_165] : memref<10240x16xf32, #tpu.memory_space<vmem_shared>> -> memref<10240x16xf32, #tpu.memory_space<vmem_shared>>
      tpu.enqueue_indirect_dma source(%arg11 : memref<512x16xf32, #tpu.memory_space<vmem>>) target(%dma_start3A_166 : memref<10240x16xf32, #tpu.memory_space<vmem_shared>>) offsets(%dma_start3A_163 : memref<512xi32, #tpu.memory_space<vmem>>) semaphore(%arg17 : memref<!tpu.dma_semaphore, #tpu.memory_space<semaphore_mem>>) {add = true}
      %ge3A_167 = arith.constant 1 : i32
      %ge3A_168 = arith.cmpi sge, %add3A_154, %ge3A_167 : i32
      %convert_element_type3A_169 = arith.extui %ge3A_168 : i1 to i32
      %cond3A_170 = arith.constant 0 : i32
      %cond3A_171 = arith.cmpi ne, %convert_element_type3A_169, %cond3A_170 : i32
      scf.if %cond3A_171 {
        %sub3A = arith.constant 1 : i32
        %sub3A_207 = arith.subi %add3A_154, %sub3A : i32
        %mul3A_208 = arith.constant 512 : i32
        %mul3A_209 = arith.muli %sub3A_207, %mul3A_208 : i32
        %dma_wait3A_210 = tpu.memref_slice %arg8[%mul3A_209] : memref<10000xi32, #tpu.memory_space<vmem>> -> memref<512xi32, #tpu.memory_space<vmem>>
        %dma_wait3A_211 = arith.constant 0 : i32
        %dma_wait3A_212 = arith.constant 0 : i32
        %dma_wait3A_213 = tpu.memref_slice %arg5[%dma_wait3A_211, %dma_wait3A_212] : memref<10240x16xf32, #tpu.memory_space<vmem_shared>> -> memref<10240x16xf32, #tpu.memory_space<vmem_shared>>
        tpu.wait_indirect_dma semaphore(%arg17 : memref<!tpu.dma_semaphore, #tpu.memory_space<semaphore_mem>>) src(%arg10 : memref<512x16xf32, #tpu.memory_space<vmem>>) dst(%dma_wait3A_213 : memref<10240x16xf32, #tpu.memory_space<vmem_shared>>)
      } else {
      }
      %add3A_172 = arith.constant 3 : i32
      %add3A_173 = arith.addi %add3A_154, %add3A_172 : i32
      %lt3A_174 = arith.constant 19 : i32
      %lt3A_175 = arith.cmpi slt, %add3A_173, %lt3A_174 : i32
      %convert_element_type3A_176 = arith.extui %lt3A_175 : i1 to i32
      %cond3A_177 = arith.constant 0 : i32
      %cond3A_178 = arith.cmpi ne, %convert_element_type3A_176, %cond3A_177 : i32
      scf.if %cond3A_178 {
        %add3A_207 = arith.constant 3 : i32
        %add3A_208 = arith.addi %add3A_154, %add3A_207 : i32
        %mul3A_209 = arith.constant 512 : i32
        %mul3A_210 = arith.muli %add3A_208, %mul3A_209 : i32
        %dma_start3A_211 = tpu.memref_slice %arg7[%mul3A_210] : memref<10000xi32, #tpu.memory_space<vmem>> -> memref<512xi32, #tpu.memory_space<vmem>>
        %dma_start3A_212 = arith.constant 0 : i32
        %dma_start3A_213 = arith.constant 0 : i32
        %dma_start3A_214 = tpu.memref_slice %arg6[%dma_start3A_212, %dma_start3A_213] : memref<10000x16xf32, #tpu.memory_space<vmem_shared>> -> memref<10000x16xf32, #tpu.memory_space<vmem_shared>>
        tpu.enqueue_indirect_dma source(%dma_start3A_214 : memref<10000x16xf32, #tpu.memory_space<vmem_shared>>) target(%arg10 : memref<512x16xf32, #tpu.memory_space<vmem>>) offsets(%dma_start3A_211 : memref<512xi32, #tpu.memory_space<vmem>>) semaphore(%arg16 : memref<!tpu.dma_semaphore, #tpu.memory_space<semaphore_mem>>)
      } else {
      }
      %mul3A_179 = arith.constant 4 : i32
      %mul3A_180 = arith.muli %scan3A_95, %mul3A_179 : i32
      %add3A_181 = arith.constant 3 : i32
      %add3A_182 = arith.addi %mul3A_180, %add3A_181 : i32
      %mul3A_183 = arith.constant 512 : i32
      %mul3A_184 = arith.muli %add3A_182, %mul3A_183 : i32
      %dma_wait3A_185 = tpu.memref_slice %arg7[%mul3A_184] : memref<10000xi32, #tpu.memory_space<vmem>> -> memref<512xi32, #tpu.memory_space<vmem>>
      %dma_wait3A_186 = arith.constant 0 : i32
      %dma_wait3A_187 = arith.constant 0 : i32
      %dma_wait3A_188 = tpu.memref_slice %arg6[%dma_wait3A_186, %dma_wait3A_187] : memref<10000x16xf32, #tpu.memory_space<vmem_shared>> -> memref<10000x16xf32, #tpu.memory_space<vmem_shared>>
      tpu.wait_indirect_dma semaphore(%arg16 : memref<!tpu.dma_semaphore, #tpu.memory_space<semaphore_mem>>) src(%dma_wait3A_188 : memref<10000x16xf32, #tpu.memory_space<vmem_shared>>) dst(%arg12 : memref<512x16xf32, #tpu.memory_space<vmem>>)
      %mul3A_189 = arith.constant 512 : i32
      %mul3A_190 = arith.muli %add3A_182, %mul3A_189 : i32
      %dma_start3A_191 = tpu.memref_slice %arg8[%mul3A_190] : memref<10000xi32, #tpu.memory_space<vmem>> -> memref<512xi32, #tpu.memory_space<vmem>>
      %dma_start3A_192 = arith.constant 0 : i32
      %dma_start3A_193 = arith.constant 0 : i32
      %dma_start3A_194 = tpu.memref_slice %arg5[%dma_start3A_192, %dma_start3A_193] : memref<10240x16xf32, #tpu.memory_space<vmem_shared>> -> memref<10240x16xf32, #tpu.memory_space<vmem_shared>>
      tpu.enqueue_indirect_dma source(%arg12 : memref<512x16xf32, #tpu.memory_space<vmem>>) target(%dma_start3A_194 : memref<10240x16xf32, #tpu.memory_space<vmem_shared>>) offsets(%dma_start3A_191 : memref<512xi32, #tpu.memory_space<vmem>>) semaphore(%arg17 : memref<!tpu.dma_semaphore, #tpu.memory_space<semaphore_mem>>) {add = true}
      %ge3A_195 = arith.constant 1 : i32
      %ge3A_196 = arith.cmpi sge, %add3A_182, %ge3A_195 : i32
      %convert_element_type3A_197 = arith.extui %ge3A_196 : i1 to i32
      %cond3A_198 = arith.constant 0 : i32
      %cond3A_199 = arith.cmpi ne, %convert_element_type3A_197, %cond3A_198 : i32
      scf.if %cond3A_199 {
        %sub3A = arith.constant 1 : i32
        %sub3A_207 = arith.subi %add3A_182, %sub3A : i32
        %mul3A_208 = arith.constant 512 : i32
        %mul3A_209 = arith.muli %sub3A_207, %mul3A_208 : i32
        %dma_wait3A_210 = tpu.memref_slice %arg8[%mul3A_209] : memref<10000xi32, #tpu.memory_space<vmem>> -> memref<512xi32, #tpu.memory_space<vmem>>
        %dma_wait3A_211 = arith.constant 0 : i32
        %dma_wait3A_212 = arith.constant 0 : i32
        %dma_wait3A_213 = tpu.memref_slice %arg5[%dma_wait3A_211, %dma_wait3A_212] : memref<10240x16xf32, #tpu.memory_space<vmem_shared>> -> memref<10240x16xf32, #tpu.memory_space<vmem_shared>>
        tpu.wait_indirect_dma semaphore(%arg17 : memref<!tpu.dma_semaphore, #tpu.memory_space<semaphore_mem>>) src(%arg11 : memref<512x16xf32, #tpu.memory_space<vmem>>) dst(%dma_wait3A_213 : memref<10240x16xf32, #tpu.memory_space<vmem_shared>>)
      } else {
      }
      %add3A_200 = arith.constant 3 : i32
      %add3A_201 = arith.addi %add3A_182, %add3A_200 : i32
      %lt3A_202 = arith.constant 19 : i32
      %lt3A_203 = arith.cmpi slt, %add3A_201, %lt3A_202 : i32
      %convert_element_type3A_204 = arith.extui %lt3A_203 : i1 to i32
      %cond3A_205 = arith.constant 0 : i32
      %cond3A_206 = arith.cmpi ne, %convert_element_type3A_204, %cond3A_205 : i32
      scf.if %cond3A_206 {
        %add3A_207 = arith.constant 3 : i32
        %add3A_208 = arith.addi %add3A_182, %add3A_207 : i32
        %mul3A_209 = arith.constant 512 : i32
        %mul3A_210 = arith.muli %add3A_208, %mul3A_209 : i32
        %dma_start3A_211 = tpu.memref_slice %arg7[%mul3A_210] : memref<10000xi32, #tpu.memory_space<vmem>> -> memref<512xi32, #tpu.memory_space<vmem>>
        %dma_start3A_212 = arith.constant 0 : i32
        %dma_start3A_213 = arith.constant 0 : i32
        %dma_start3A_214 = tpu.memref_slice %arg6[%dma_start3A_212, %dma_start3A_213] : memref<10000x16xf32, #tpu.memory_space<vmem_shared>> -> memref<10000x16xf32, #tpu.memory_space<vmem_shared>>
        tpu.enqueue_indirect_dma source(%dma_start3A_214 : memref<10000x16xf32, #tpu.memory_space<vmem_shared>>) target(%arg11 : memref<512x16xf32, #tpu.memory_space<vmem>>) offsets(%dma_start3A_211 : memref<512xi32, #tpu.memory_space<vmem>>) semaphore(%arg16 : memref<!tpu.dma_semaphore, #tpu.memory_space<semaphore_mem>>)
      } else {
      }
    }
    %scan3A_30 = arith.constant 4 : i32
    %dma_wait3A = arith.constant 8192 : i32
    %dma_wait3A_31 = tpu.memref_slice %arg7[%dma_wait3A] : memref<10000xi32, #tpu.memory_space<vmem>> -> memref<512xi32, #tpu.memory_space<vmem>>
    %dma_wait3A_32 = arith.constant 0 : i32
    %dma_wait3A_33 = arith.constant 0 : i32
    %dma_wait3A_34 = tpu.memref_slice %arg6[%dma_wait3A_32, %dma_wait3A_33] : memref<10000x16xf32, #tpu.memory_space<vmem_shared>> -> memref<10000x16xf32, #tpu.memory_space<vmem_shared>>
    tpu.wait_indirect_dma semaphore(%arg16 : memref<!tpu.dma_semaphore, #tpu.memory_space<semaphore_mem>>) src(%dma_wait3A_34 : memref<10000x16xf32, #tpu.memory_space<vmem_shared>>) dst(%arg9 : memref<512x16xf32, #tpu.memory_space<vmem>>)
    %dma_start3A_35 = arith.constant 8192 : i32
    %dma_start3A_36 = tpu.memref_slice %arg8[%dma_start3A_35] : memref<10000xi32, #tpu.memory_space<vmem>> -> memref<512xi32, #tpu.memory_space<vmem>>
    %dma_start3A_37 = arith.constant 0 : i32
    %dma_start3A_38 = arith.constant 0 : i32
    %dma_start3A_39 = tpu.memref_slice %arg5[%dma_start3A_37, %dma_start3A_38] : memref<10240x16xf32, #tpu.memory_space<vmem_shared>> -> memref<10240x16xf32, #tpu.memory_space<vmem_shared>>
    tpu.enqueue_indirect_dma source(%arg9 : memref<512x16xf32, #tpu.memory_space<vmem>>) target(%dma_start3A_39 : memref<10240x16xf32, #tpu.memory_space<vmem_shared>>) offsets(%dma_start3A_36 : memref<512xi32, #tpu.memory_space<vmem>>) semaphore(%arg17 : memref<!tpu.dma_semaphore, #tpu.memory_space<semaphore_mem>>) {add = true}
    %dma_wait3A_40 = arith.constant 7680 : i32
    %dma_wait3A_41 = tpu.memref_slice %arg8[%dma_wait3A_40] : memref<10000xi32, #tpu.memory_space<vmem>> -> memref<512xi32, #tpu.memory_space<vmem>>
    %dma_wait3A_42 = arith.constant 0 : i32
    %dma_wait3A_43 = arith.constant 0 : i32
    %dma_wait3A_44 = tpu.memref_slice %arg5[%dma_wait3A_42, %dma_wait3A_43] : memref<10240x16xf32, #tpu.memory_space<vmem_shared>> -> memref<10240x16xf32, #tpu.memory_space<vmem_shared>>
    tpu.wait_indirect_dma semaphore(%arg17 : memref<!tpu.dma_semaphore, #tpu.memory_space<semaphore_mem>>) src(%arg12 : memref<512x16xf32, #tpu.memory_space<vmem>>) dst(%dma_wait3A_44 : memref<10240x16xf32, #tpu.memory_space<vmem_shared>>)
    %dma_wait3A_45 = arith.constant 8704 : i32
    %dma_wait3A_46 = tpu.memref_slice %arg7[%dma_wait3A_45] : memref<10000xi32, #tpu.memory_space<vmem>> -> memref<512xi32, #tpu.memory_space<vmem>>
    %dma_wait3A_47 = arith.constant 0 : i32
    %dma_wait3A_48 = arith.constant 0 : i32
    %dma_wait3A_49 = tpu.memref_slice %arg6[%dma_wait3A_47, %dma_wait3A_48] : memref<10000x16xf32, #tpu.memory_space<vmem_shared>> -> memref<10000x16xf32, #tpu.memory_space<vmem_shared>>
    tpu.wait_indirect_dma semaphore(%arg16 : memref<!tpu.dma_semaphore, #tpu.memory_space<semaphore_mem>>) src(%dma_wait3A_49 : memref<10000x16xf32, #tpu.memory_space<vmem_shared>>) dst(%arg10 : memref<512x16xf32, #tpu.memory_space<vmem>>)
    %dma_start3A_50 = arith.constant 8704 : i32
    %dma_start3A_51 = tpu.memref_slice %arg8[%dma_start3A_50] : memref<10000xi32, #tpu.memory_space<vmem>> -> memref<512xi32, #tpu.memory_space<vmem>>
    %dma_start3A_52 = arith.constant 0 : i32
    %dma_start3A_53 = arith.constant 0 : i32
    %dma_start3A_54 = tpu.memref_slice %arg5[%dma_start3A_52, %dma_start3A_53] : memref<10240x16xf32, #tpu.memory_space<vmem_shared>> -> memref<10240x16xf32, #tpu.memory_space<vmem_shared>>
    tpu.enqueue_indirect_dma source(%arg10 : memref<512x16xf32, #tpu.memory_space<vmem>>) target(%dma_start3A_54 : memref<10240x16xf32, #tpu.memory_space<vmem_shared>>) offsets(%dma_start3A_51 : memref<512xi32, #tpu.memory_space<vmem>>) semaphore(%arg17 : memref<!tpu.dma_semaphore, #tpu.memory_space<semaphore_mem>>) {add = true}
    %dma_wait3A_55 = arith.constant 8192 : i32
    %dma_wait3A_56 = tpu.memref_slice %arg8[%dma_wait3A_55] : memref<10000xi32, #tpu.memory_space<vmem>> -> memref<512xi32, #tpu.memory_space<vmem>>
    %dma_wait3A_57 = arith.constant 0 : i32
    %dma_wait3A_58 = arith.constant 0 : i32
    %dma_wait3A_59 = tpu.memref_slice %arg5[%dma_wait3A_57, %dma_wait3A_58] : memref<10240x16xf32, #tpu.memory_space<vmem_shared>> -> memref<10240x16xf32, #tpu.memory_space<vmem_shared>>
    tpu.wait_indirect_dma semaphore(%arg17 : memref<!tpu.dma_semaphore, #tpu.memory_space<semaphore_mem>>) src(%arg9 : memref<512x16xf32, #tpu.memory_space<vmem>>) dst(%dma_wait3A_59 : memref<10240x16xf32, #tpu.memory_space<vmem_shared>>)
    %dma_wait3A_60 = arith.constant 9216 : i32
    %dma_wait3A_61 = tpu.memref_slice %arg7[%dma_wait3A_60] : memref<10000xi32, #tpu.memory_space<vmem>> -> memref<512xi32, #tpu.memory_space<vmem>>
    %dma_wait3A_62 = arith.constant 0 : i32
    %dma_wait3A_63 = arith.constant 0 : i32
    %dma_wait3A_64 = tpu.memref_slice %arg6[%dma_wait3A_62, %dma_wait3A_63] : memref<10000x16xf32, #tpu.memory_space<vmem_shared>> -> memref<10000x16xf32, #tpu.memory_space<vmem_shared>>
    tpu.wait_indirect_dma semaphore(%arg16 : memref<!tpu.dma_semaphore, #tpu.memory_space<semaphore_mem>>) src(%dma_wait3A_64 : memref<10000x16xf32, #tpu.memory_space<vmem_shared>>) dst(%arg11 : memref<512x16xf32, #tpu.memory_space<vmem>>)
    %dma_start3A_65 = arith.constant 9216 : i32
    %dma_start3A_66 = tpu.memref_slice %arg8[%dma_start3A_65] : memref<10000xi32, #tpu.memory_space<vmem>> -> memref<512xi32, #tpu.memory_space<vmem>>
    %dma_start3A_67 = arith.constant 0 : i32
    %dma_start3A_68 = arith.constant 0 : i32
    %dma_start3A_69 = tpu.memref_slice %arg5[%dma_start3A_67, %dma_start3A_68] : memref<10240x16xf32, #tpu.memory_space<vmem_shared>> -> memref<10240x16xf32, #tpu.memory_space<vmem_shared>>
    tpu.enqueue_indirect_dma source(%arg11 : memref<512x16xf32, #tpu.memory_space<vmem>>) target(%dma_start3A_69 : memref<10240x16xf32, #tpu.memory_space<vmem_shared>>) offsets(%dma_start3A_66 : memref<512xi32, #tpu.memory_space<vmem>>) semaphore(%arg17 : memref<!tpu.dma_semaphore, #tpu.memory_space<semaphore_mem>>) {add = true}
    %dma_wait3A_70 = arith.constant 8704 : i32
    %dma_wait3A_71 = tpu.memref_slice %arg8[%dma_wait3A_70] : memref<10000xi32, #tpu.memory_space<vmem>> -> memref<512xi32, #tpu.memory_space<vmem>>
    %dma_wait3A_72 = arith.constant 0 : i32
    %dma_wait3A_73 = arith.constant 0 : i32
    %dma_wait3A_74 = tpu.memref_slice %arg5[%dma_wait3A_72, %dma_wait3A_73] : memref<10240x16xf32, #tpu.memory_space<vmem_shared>> -> memref<10240x16xf32, #tpu.memory_space<vmem_shared>>
    tpu.wait_indirect_dma semaphore(%arg17 : memref<!tpu.dma_semaphore, #tpu.memory_space<semaphore_mem>>) src(%arg10 : memref<512x16xf32, #tpu.memory_space<vmem>>) dst(%dma_wait3A_74 : memref<10240x16xf32, #tpu.memory_space<vmem_shared>>)
    %dma_wait3A_75 = arith.constant 9216 : i32
    %dma_wait3A_76 = tpu.memref_slice %arg8[%dma_wait3A_75] : memref<10000xi32, #tpu.memory_space<vmem>> -> memref<512xi32, #tpu.memory_space<vmem>>
    %dma_wait3A_77 = arith.constant 0 : i32
    %dma_wait3A_78 = arith.constant 0 : i32
    %dma_wait3A_79 = tpu.memref_slice %arg5[%dma_wait3A_77, %dma_wait3A_78] : memref<10240x16xf32, #tpu.memory_space<vmem_shared>> -> memref<10240x16xf32, #tpu.memory_space<vmem_shared>>
    tpu.wait_indirect_dma semaphore(%arg17 : memref<!tpu.dma_semaphore, #tpu.memory_space<semaphore_mem>>) src(%arg11 : memref<512x16xf32, #tpu.memory_space<vmem>>) dst(%dma_wait3A_79 : memref<10240x16xf32, #tpu.memory_space<vmem_shared>>)
    %add3A_80 = arith.constant 9728 : i32
    %add3A_81 = arith.addi %mul3A_2, %add3A_80 : i32
    %run_scoped3A_82 = arith.constant 0 : i32
    "tpu.region"() ({
      %run_scoped3A_95 = tpu.sem_alloc : memref<!tpu.dma_semaphore, #tpu.memory_space<semaphore_mem>>
      %dma_start3A_96 = arith.constant 0 : i32
      %dma_start3A_97 = tpu.memref_slice %arg3[%run_scoped3A_82, %dma_start3A_96] : memref<2x320000xi32, #tpu.memory_space<hbm>> -> memref<1x320000xi32, #tpu.memory_space<hbm>>
      %dma_start3A_98 = tpu.memref_squeeze %dma_start3A_97 : memref<1x320000xi32, #tpu.memory_space<hbm>> -> memref<320000xi32, #tpu.memory_space<hbm>>
      %dma_start3A_99 = tpu.memref_slice %dma_start3A_98[%add3A_81] : memref<320000xi32, #tpu.memory_space<hbm>> -> memref<272xi32, #tpu.memory_space<hbm>>
      %dma_start3A_100 = arith.constant 0 : i32
      %dma_start3A_101 = tpu.memref_slice %arg3[%run_scoped3A_82, %dma_start3A_100] : memref<2x320000xi32, #tpu.memory_space<hbm>> -> memref<1x320000xi32, #tpu.memory_space<hbm>>
      %dma_start3A_102 = tpu.memref_squeeze %dma_start3A_101 : memref<1x320000xi32, #tpu.memory_space<hbm>> -> memref<320000xi32, #tpu.memory_space<hbm>>
      %dma_start3A_103 = tpu.memref_slice %dma_start3A_102[%add3A_81] : memref<320000xi32, #tpu.memory_space<hbm>> -> memref<272xi32, #tpu.memory_space<hbm>>
      tpu.enqueue_dma source(%dma_start3A_103 : memref<272xi32, #tpu.memory_space<hbm>>) target(%arg14 : memref<272xi32, #tpu.memory_space<vmem>>) target_semaphore(%run_scoped3A_95 : memref<!tpu.dma_semaphore, #tpu.memory_space<semaphore_mem>>)
      %dma_wait3A_104 = arith.constant 0 : i32
      %dma_wait3A_105 = tpu.memref_slice %arg3[%run_scoped3A_82, %dma_wait3A_104] : memref<2x320000xi32, #tpu.memory_space<hbm>> -> memref<1x320000xi32, #tpu.memory_space<hbm>>
      %dma_wait3A_106 = tpu.memref_squeeze %dma_wait3A_105 : memref<1x320000xi32, #tpu.memory_space<hbm>> -> memref<320000xi32, #tpu.memory_space<hbm>>
      %dma_wait3A_107 = tpu.memref_slice %dma_wait3A_106[%add3A_81] : memref<320000xi32, #tpu.memory_space<hbm>> -> memref<272xi32, #tpu.memory_space<hbm>>
      %dma_wait3A_108 = arith.constant 0 : i32
      %dma_wait3A_109 = tpu.memref_slice %arg3[%run_scoped3A_82, %dma_wait3A_108] : memref<2x320000xi32, #tpu.memory_space<hbm>> -> memref<1x320000xi32, #tpu.memory_space<hbm>>
      %dma_wait3A_110 = tpu.memref_squeeze %dma_wait3A_109 : memref<1x320000xi32, #tpu.memory_space<hbm>> -> memref<320000xi32, #tpu.memory_space<hbm>>
      %dma_wait3A_111 = tpu.memref_slice %dma_wait3A_110[%add3A_81] : memref<320000xi32, #tpu.memory_space<hbm>> -> memref<272xi32, #tpu.memory_space<hbm>>
      tpu.wait_dma2 semaphore(%run_scoped3A_95 : memref<!tpu.dma_semaphore, #tpu.memory_space<semaphore_mem>>) src(%dma_wait3A_111 : memref<272xi32, #tpu.memory_space<hbm>>) dst(%arg14 : memref<272xi32, #tpu.memory_space<vmem>>)
      tpu.yield
    }) : () -> ()
    %dma_start3A_83 = arith.constant 0 : i32
    %dma_start3A_84 = arith.constant 0 : i32
    %dma_start3A_85 = tpu.memref_slice %arg6[%dma_start3A_83, %dma_start3A_84] : memref<10000x16xf32, #tpu.memory_space<vmem_shared>> -> memref<10000x16xf32, #tpu.memory_space<vmem_shared>>
    tpu.enqueue_indirect_dma source(%dma_start3A_85 : memref<10000x16xf32, #tpu.memory_space<vmem_shared>>) target(%arg15 : memref<272x16xf32, #tpu.memory_space<vmem>>) offsets(%arg14 : memref<272xi32, #tpu.memory_space<vmem>>) semaphore(%arg16 : memref<!tpu.dma_semaphore, #tpu.memory_space<semaphore_mem>>)
    %dma_wait3A_86 = arith.constant 0 : i32
    %dma_wait3A_87 = arith.constant 0 : i32
    %dma_wait3A_88 = tpu.memref_slice %arg6[%dma_wait3A_86, %dma_wait3A_87] : memref<10000x16xf32, #tpu.memory_space<vmem_shared>> -> memref<10000x16xf32, #tpu.memory_space<vmem_shared>>
    tpu.wait_indirect_dma semaphore(%arg16 : memref<!tpu.dma_semaphore, #tpu.memory_space<semaphore_mem>>) src(%dma_wait3A_88 : memref<10000x16xf32, #tpu.memory_space<vmem_shared>>) dst(%arg15 : memref<272x16xf32, #tpu.memory_space<vmem>>)
    %add3A_89 = arith.constant 9728 : i32
    %add3A_90 = arith.addi %mul3A_2, %add3A_89 : i32
    %run_scoped3A_91 = arith.constant 1 : i32
    "tpu.region"() ({
      %run_scoped3A_95 = tpu.sem_alloc : memref<!tpu.dma_semaphore, #tpu.memory_space<semaphore_mem>>
      %dma_start3A_96 = arith.constant 0 : i32
      %dma_start3A_97 = tpu.memref_slice %arg3[%run_scoped3A_91, %dma_start3A_96] : memref<2x320000xi32, #tpu.memory_space<hbm>> -> memref<1x320000xi32, #tpu.memory_space<hbm>>
      %dma_start3A_98 = tpu.memref_squeeze %dma_start3A_97 : memref<1x320000xi32, #tpu.memory_space<hbm>> -> memref<320000xi32, #tpu.memory_space<hbm>>
      %dma_start3A_99 = tpu.memref_slice %dma_start3A_98[%add3A_90] : memref<320000xi32, #tpu.memory_space<hbm>> -> memref<272xi32, #tpu.memory_space<hbm>>
      %dma_start3A_100 = arith.constant 0 : i32
      %dma_start3A_101 = tpu.memref_slice %arg3[%run_scoped3A_91, %dma_start3A_100] : memref<2x320000xi32, #tpu.memory_space<hbm>> -> memref<1x320000xi32, #tpu.memory_space<hbm>>
      %dma_start3A_102 = tpu.memref_squeeze %dma_start3A_101 : memref<1x320000xi32, #tpu.memory_space<hbm>> -> memref<320000xi32, #tpu.memory_space<hbm>>
      %dma_start3A_103 = tpu.memref_slice %dma_start3A_102[%add3A_90] : memref<320000xi32, #tpu.memory_space<hbm>> -> memref<272xi32, #tpu.memory_space<hbm>>
      tpu.enqueue_dma source(%dma_start3A_103 : memref<272xi32, #tpu.memory_space<hbm>>) target(%arg14 : memref<272xi32, #tpu.memory_space<vmem>>) target_semaphore(%run_scoped3A_95 : memref<!tpu.dma_semaphore, #tpu.memory_space<semaphore_mem>>)
      %dma_wait3A_104 = arith.constant 0 : i32
      %dma_wait3A_105 = tpu.memref_slice %arg3[%run_scoped3A_91, %dma_wait3A_104] : memref<2x320000xi32, #tpu.memory_space<hbm>> -> memref<1x320000xi32, #tpu.memory_space<hbm>>
      %dma_wait3A_106 = tpu.memref_squeeze %dma_wait3A_105 : memref<1x320000xi32, #tpu.memory_space<hbm>> -> memref<320000xi32, #tpu.memory_space<hbm>>
      %dma_wait3A_107 = tpu.memref_slice %dma_wait3A_106[%add3A_90] : memref<320000xi32, #tpu.memory_space<hbm>> -> memref<272xi32, #tpu.memory_space<hbm>>
      %dma_wait3A_108 = arith.constant 0 : i32
      %dma_wait3A_109 = tpu.memref_slice %arg3[%run_scoped3A_91, %dma_wait3A_108] : memref<2x320000xi32, #tpu.memory_space<hbm>> -> memref<1x320000xi32, #tpu.memory_space<hbm>>
      %dma_wait3A_110 = tpu.memref_squeeze %dma_wait3A_109 : memref<1x320000xi32, #tpu.memory_space<hbm>> -> memref<320000xi32, #tpu.memory_space<hbm>>
      %dma_wait3A_111 = tpu.memref_slice %dma_wait3A_110[%add3A_90] : memref<320000xi32, #tpu.memory_space<hbm>> -> memref<272xi32, #tpu.memory_space<hbm>>
      tpu.wait_dma2 semaphore(%run_scoped3A_95 : memref<!tpu.dma_semaphore, #tpu.memory_space<semaphore_mem>>) src(%dma_wait3A_111 : memref<272xi32, #tpu.memory_space<hbm>>) dst(%arg14 : memref<272xi32, #tpu.memory_space<vmem>>)
      tpu.yield
    }) : () -> ()
    "tpu.region"() ({
      %run_scoped3A_95 = tpu.sem_alloc : memref<!tpu.dma_semaphore, #tpu.memory_space<semaphore_mem>>
      %dma_start3A_96 = arith.constant 0 : i32
      %dma_start3A_97 = arith.constant 0 : i32
      %dma_start3A_98 = tpu.memref_slice %arg5[%dma_start3A_96, %dma_start3A_97] : memref<10240x16xf32, #tpu.memory_space<vmem_shared>> -> memref<10240x16xf32, #tpu.memory_space<vmem_shared>>
      tpu.enqueue_indirect_dma source(%arg15 : memref<272x16xf32, #tpu.memory_space<vmem>>) target(%dma_start3A_98 : memref<10240x16xf32, #tpu.memory_space<vmem_shared>>) offsets(%arg14 : memref<272xi32, #tpu.memory_space<vmem>>) semaphore(%run_scoped3A_95 : memref<!tpu.dma_semaphore, #tpu.memory_space<semaphore_mem>>) {add = true}
      %dma_wait3A_99 = arith.constant 0 : i32
      %dma_wait3A_100 = arith.constant 0 : i32
      %dma_wait3A_101 = tpu.memref_slice %arg5[%dma_wait3A_99, %dma_wait3A_100] : memref<10240x16xf32, #tpu.memory_space<vmem_shared>> -> memref<10240x16xf32, #tpu.memory_space<vmem_shared>>
      tpu.wait_indirect_dma semaphore(%run_scoped3A_95 : memref<!tpu.dma_semaphore, #tpu.memory_space<semaphore_mem>>) src(%arg15 : memref<272x16xf32, #tpu.memory_space<vmem>>) dst(%dma_wait3A_101 : memref<10240x16xf32, #tpu.memory_space<vmem_shared>>)
      tpu.yield
    }) : () -> ()
    %barrier3A_92 = arith.constant 0 : index
    tpu.barrier barrier_id(%barrier3A_92)
    %mul3A_93 = arith.constant 640 : i32
    %mul3A_94 = arith.muli %arg1, %mul3A_93 : i32
    "tpu.region"() ({
      %run_scoped3A_95 = tpu.sem_alloc : memref<!tpu.dma_semaphore, #tpu.memory_space<semaphore_mem>>
      %dma_start3A_96 = arith.constant 0 : i32
      %dma_start3A_97 = arith.constant 0 : i32
      %dma_start3A_98 = tpu.memref_slice %arg4[%arg0, %dma_start3A_96, %dma_start3A_97] : memref<2x10240x16xf32, #tpu.memory_space<hbm>> -> memref<1x10240x16xf32, #tpu.memory_space<hbm>>
      %dma_start3A_99 = tpu.memref_squeeze %dma_start3A_98 : memref<1x10240x16xf32, #tpu.memory_space<hbm>> -> memref<10240x16xf32, #tpu.memory_space<hbm>>
      %dma_start3A_100 = arith.constant 0 : i32
      %dma_start3A_101 = tpu.memref_slice %dma_start3A_99[%mul3A_94, %dma_start3A_100] : memref<10240x16xf32, #tpu.memory_space<hbm>> -> memref<640x16xf32, #tpu.memory_space<hbm>>
      %dma_start3A_102 = arith.constant 0 : i32
      %dma_start3A_103 = tpu.memref_slice %arg5[%mul3A_94, %dma_start3A_102] : memref<10240x16xf32, #tpu.memory_space<vmem_shared>> -> memref<640x16xf32, #tpu.memory_space<vmem_shared>>
      tpu.enqueue_dma source(%dma_start3A_103 : memref<640x16xf32, #tpu.memory_space<vmem_shared>>) target(%dma_start3A_101 : memref<640x16xf32, #tpu.memory_space<hbm>>) target_semaphore(%run_scoped3A_95 : memref<!tpu.dma_semaphore, #tpu.memory_space<semaphore_mem>>)
      %dma_wait3A_104 = arith.constant 0 : i32
      %dma_wait3A_105 = arith.constant 0 : i32
      %dma_wait3A_106 = tpu.memref_slice %arg4[%arg0, %dma_wait3A_104, %dma_wait3A_105] : memref<2x10240x16xf32, #tpu.memory_space<hbm>> -> memref<1x10240x16xf32, #tpu.memory_space<hbm>>
      %dma_wait3A_107 = tpu.memref_squeeze %dma_wait3A_106 : memref<1x10240x16xf32, #tpu.memory_space<hbm>> -> memref<10240x16xf32, #tpu.memory_space<hbm>>
      %dma_wait3A_108 = arith.constant 0 : i32
      %dma_wait3A_109 = tpu.memref_slice %dma_wait3A_107[%mul3A_94, %dma_wait3A_108] : memref<10240x16xf32, #tpu.memory_space<hbm>> -> memref<640x16xf32, #tpu.memory_space<hbm>>
      %dma_wait3A_110 = arith.constant 0 : i32
      %dma_wait3A_111 = tpu.memref_slice %arg5[%mul3A_94, %dma_wait3A_110] : memref<10240x16xf32, #tpu.memory_space<vmem_shared>> -> memref<640x16xf32, #tpu.memory_space<vmem_shared>>
      tpu.wait_dma2 semaphore(%run_scoped3A_95 : memref<!tpu.dma_semaphore, #tpu.memory_space<semaphore_mem>>) src(%dma_wait3A_111 : memref<640x16xf32, #tpu.memory_space<vmem_shared>>) dst(%dma_wait3A_109 : memref<640x16xf32, #tpu.memory_space<hbm>>)
      tpu.yield
    }) : () -> ()
    return
  }
}

#map = affine_map<(d0, d1) -> (0, 0)>
#map1 = affine_map<(d0, d1) -> (0, 0, 0)>
module attributes {stable_mosaic.version = 14 : i64} {
  func.func @body(%arg0: i32, %arg1: i32, %arg2: memref<10000x16xf32, #tpu.memory_space<hbm>>, %arg3: memref<2x320000xi32, #tpu.memory_space<hbm>>, %arg4: memref<2x10240x16xf32, #tpu.memory_space<hbm>>, %arg5: memref<10240x16xf32, #tpu.memory_space<vmem_shared>>, %arg6: memref<10000x16xf32, #tpu.memory_space<vmem_shared>>, %arg7: memref<10000xi32, #tpu.memory_space<vmem>>, %arg8: memref<10000xi32, #tpu.memory_space<vmem>>, %arg9: memref<512x16xf32, #tpu.memory_space<vmem>>, %arg10: memref<512x16xf32, #tpu.memory_space<vmem>>, %arg11: memref<512x16xf32, #tpu.memory_space<vmem>>, %arg12: memref<512x16xf32, #tpu.memory_space<vmem>>, %arg13: memref<640x16xf32, #tpu.memory_space<vmem>>, %arg14: memref<272xi32, #tpu.memory_space<vmem>>, %arg15: memref<272x16xf32, #tpu.memory_space<vmem>>, %arg16: memref<!tpu.dma_semaphore, #tpu.memory_space<semaphore_mem>>, %arg17: memref<!tpu.dma_semaphore, #tpu.memory_space<semaphore_mem>>) attributes {dimension_semantics = [#tpu.dimension_semantics<core_parallel>, #tpu.dimension_semantics<subcore_parallel>], iteration_bounds = array<i64: 2, 16>, scalar_prefetch = 0 : i64, scratch_operands = 13 : i64, tpu.core_type = #tpu.core_type<sc_vector_subcore>, window_params = [{transform_indices = #map}, {transform_indices = #map}, {transform_indices = #map1}]} {
    %mul3A = arith.constant 2 : i32
    %mul3A_0 = arith.muli %arg1, %mul3A : i32
    %add3A = arith.addi %mul3A_0, %arg0 : i32
    %mul3A_1 = arith.constant 10000 : i32
    %mul3A_2 = arith.muli %add3A, %mul3A_1 : i32
    %lt3A = arith.constant 16 : i32
    %lt3A_3 = arith.cmpi slt, %arg1, %lt3A : i32
    %convert_element_type3A = arith.extui %lt3A_3 : i1 to i32
    %cond3A = arith.constant 0 : i32
    %cond3A_4 = arith.cmpi ne, %convert_element_type3A, %cond3A : i32
    scf.if %cond3A_4 {
      %mul3A_95 = arith.constant 632 : i32
      %mul3A_96 = arith.muli %arg1, %mul3A_95 : i32
      %lt3A_97 = arith.constant 15 : i32
      %lt3A_98 = arith.cmpi slt, %arg1, %lt3A_97 : i32
      %convert_element_type3A_99 = arith.extui %lt3A_98 : i1 to i32
      %cond3A_100 = arith.constant 0 : i32
      %cond3A_101 = arith.cmpi ne, %convert_element_type3A_99, %cond3A_100 : i32
      scf.if %cond3A_101 {
        "tpu.region"() ({
          %run_scoped3A_106 = tpu.sem_alloc : memref<!tpu.dma_semaphore, #tpu.memory_space<semaphore_mem>>
          %dma_start3A_107 = arith.constant 0 : i32
          %dma_start3A_108 = tpu.memref_slice %arg6[%mul3A_96, %dma_start3A_107] : memref<10000x16xf32, #tpu.memory_space<vmem_shared>> -> memref<632x16xf32, #tpu.memory_space<vmem_shared>>
          %dma_start3A_109 = arith.constant 0 : i32
          %dma_start3A_110 = tpu.memref_slice %arg2[%mul3A_96, %dma_start3A_109] : memref<10000x16xf32, #tpu.memory_space<hbm>> -> memref<632x16xf32, #tpu.memory_space<hbm>>
          tpu.enqueue_dma source(%dma_start3A_110 : memref<632x16xf32, #tpu.memory_space<hbm>>) target(%dma_start3A_108 : memref<632x16xf32, #tpu.memory_space<vmem_shared>>) target_semaphore(%run_scoped3A_106 : memref<!tpu.dma_semaphore, #tpu.memory_space<semaphore_mem>>)
          %dma_wait3A_111 = arith.constant 0 : i32
          %dma_wait3A_112 = tpu.memref_slice %arg6[%mul3A_96, %dma_wait3A_111] : memref<10000x16xf32, #tpu.memory_space<vmem_shared>> -> memref<632x16xf32, #tpu.memory_space<vmem_shared>>
          %dma_wait3A_113 = arith.constant 0 : i32
          %dma_wait3A_114 = tpu.memref_slice %arg2[%mul3A_96, %dma_wait3A_113] : memref<10000x16xf32, #tpu.memory_space<hbm>> -> memref<632x16xf32, #tpu.memory_space<hbm>>
          tpu.wait_dma2 semaphore(%run_scoped3A_106 : memref<!tpu.dma_semaphore, #tpu.memory_space<semaphore_mem>>) src(%dma_wait3A_114 : memref<632x16xf32, #tpu.memory_space<hbm>>) dst(%dma_wait3A_112 : memref<632x16xf32, #tpu.memory_space<vmem_shared>>)
          tpu.yield
        }) : () -> ()
      } else {
      }
      %eq3A = arith.constant 15 : i32
      %eq3A_102 = arith.cmpi eq, %arg1, %eq3A : i32
      %convert_element_type3A_103 = arith.extui %eq3A_102 : i1 to i32
      %cond3A_104 = arith.constant 0 : i32
      %cond3A_105 = arith.cmpi ne, %convert_element_type3A_103, %cond3A_104 : i32
      scf.if %cond3A_105 {
        "tpu.region"() ({
          %run_scoped3A_106 = tpu.sem_alloc : memref<!tpu.dma_semaphore, #tpu.memory_space<semaphore_mem>>
          %dma_start3A_107 = arith.constant 9480 : i32
          %dma_start3A_108 = arith.constant 0 : i32
          %dma_start3A_109 = tpu.memref_slice %arg6[%dma_start3A_107, %dma_start3A_108] : memref<10000x16xf32, #tpu.memory_space<vmem_shared>> -> memref<520x16xf32, #tpu.memory_space<vmem_shared>>
          %dma_start3A_110 = arith.constant 9480 : i32
          %dma_start3A_111 = arith.constant 0 : i32
          %dma_start3A_112 = tpu.memref_slice %arg2[%dma_start3A_110, %dma_start3A_111] : memref<10000x16xf32, #tpu.memory_space<hbm>> -> memref<520x16xf32, #tpu.memory_space<hbm>>
          tpu.enqueue_dma source(%dma_start3A_112 : memref<520x16xf32, #tpu.memory_space<hbm>>) target(%dma_start3A_109 : memref<520x16xf32, #tpu.memory_space<vmem_shared>>) target_semaphore(%run_scoped3A_106 : memref<!tpu.dma_semaphore, #tpu.memory_space<semaphore_mem>>)
          %dma_wait3A_113 = arith.constant 9480 : i32
          %dma_wait3A_114 = arith.constant 0 : i32
          %dma_wait3A_115 = tpu.memref_slice %arg6[%dma_wait3A_113, %dma_wait3A_114] : memref<10000x16xf32, #tpu.memory_space<vmem_shared>> -> memref<520x16xf32, #tpu.memory_space<vmem_shared>>
          %dma_wait3A_116 = arith.constant 9480 : i32
          %dma_wait3A_117 = arith.constant 0 : i32
          %dma_wait3A_118 = tpu.memref_slice %arg2[%dma_wait3A_116, %dma_wait3A_117] : memref<10000x16xf32, #tpu.memory_space<hbm>> -> memref<520x16xf32, #tpu.memory_space<hbm>>
          tpu.wait_dma2 semaphore(%run_scoped3A_106 : memref<!tpu.dma_semaphore, #tpu.memory_space<semaphore_mem>>) src(%dma_wait3A_118 : memref<520x16xf32, #tpu.memory_space<hbm>>) dst(%dma_wait3A_115 : memref<520x16xf32, #tpu.memory_space<vmem_shared>>)
          tpu.yield
        }) : () -> ()
      } else {
      }
    } else {
    }
    %scan3A = arith.constant 0 : i32
    %scan3A_5 = arith.constant 640 : i32
    %scan3A_6 = arith.addi %scan3A, %scan3A_5 : i32
    %scan3A_7 = arith.constant 1 : i32
    scf.for %scan3A_95 = %scan3A to %scan3A_6 step %scan3A_7  : i32 {
      %broadcast_in_dim3A = arith.constant 0.000000e+00 : f32
      %broadcast_in_dim3A_96 = vector.broadcast %broadcast_in_dim3A : f32 to vector<16xf32>
      %swap3A = arith.index_cast %scan3A_95 : i32 to index
      %swap3A_97 = arith.constant 0 : index
      %swap3A_98 = tpu.vector_load %arg13[%swap3A, %swap3A_97] {strides = array<i32>} : memref<640x16xf32, #tpu.memory_space<vmem>>, vector<1x16xf32>,
      %swap3A_99 = vector.shape_cast %swap3A_98 : vector<1x16xf32> to vector<16xf32>
      %swap3A_100 = vector.shape_cast %broadcast_in_dim3A_96 : vector<16xf32> to vector<1x16xf32>
      tpu.vector_store %arg13[%swap3A, %swap3A_97], %swap3A_100 {strides = array<i32>} : memref<640x16xf32, #tpu.memory_space<vmem>>, vector<1x16xf32>,
    }
    %scan3A_8 = arith.constant 640 : i32
    %mul3A_9 = arith.constant 640 : i32
    %mul3A_10 = arith.muli %arg1, %mul3A_9 : i32
    "tpu.region"() ({
      %run_scoped3A_95 = tpu.sem_alloc : memref<!tpu.dma_semaphore, #tpu.memory_space<semaphore_mem>>
      %dma_start3A_96 = arith.constant 0 : i32
      %dma_start3A_97 = tpu.memref_slice %arg5[%mul3A_10, %dma_start3A_96] : memref<10240x16xf32, #tpu.memory_space<vmem_shared>> -> memref<640x16xf32, #tpu.memory_space<vmem_shared>>
      %dma_start3A_98 = arith.constant 0 : i32
      %dma_start3A_99 = tpu.memref_slice %arg5[%mul3A_10, %dma_start3A_98] : memref<10240x16xf32, #tpu.memory_space<vmem_shared>> -> memref<640x16xf32, #tpu.memory_space<vmem_shared>>
      tpu.enqueue_dma source(%arg13 : memref<640x16xf32, #tpu.memory_space<vmem>>) target(%dma_start3A_99 : memref<640x16xf32, #tpu.memory_space<vmem_shared>>) target_semaphore(%run_scoped3A_95 : memref<!tpu.dma_semaphore, #tpu.memory_space<semaphore_mem>>)
      %dma_wait3A_100 = arith.constant 0 : i32
      %dma_wait3A_101 = tpu.memref_slice %arg5[%mul3A_10, %dma_wait3A_100] : memref<10240x16xf32, #tpu.memory_space<vmem_shared>> -> memref<640x16xf32, #tpu.memory_space<vmem_shared>>
      %dma_wait3A_102 = arith.constant 0 : i32
      %dma_wait3A_103 = tpu.memref_slice %arg5[%mul3A_10, %dma_wait3A_102] : memref<10240x16xf32, #tpu.memory_space<vmem_shared>> -> memref<640x16xf32, #tpu.memory_space<vmem_shared>>
      tpu.wait_dma2 semaphore(%run_scoped3A_95 : memref<!tpu.dma_semaphore, #tpu.memory_space<semaphore_mem>>) src(%arg13 : memref<640x16xf32, #tpu.memory_space<vmem>>) dst(%dma_wait3A_103 : memref<640x16xf32, #tpu.memory_space<vmem_shared>>)
      tpu.yield
    }) : () -> ()
    %run_scoped3A = arith.constant 0 : i32
    "tpu.region"() ({
      %run_scoped3A_95 = tpu.sem_alloc : memref<!tpu.dma_semaphore, #tpu.memory_space<semaphore_mem>>
      %dma_start3A_96 = arith.constant 0 : i32
      %dma_start3A_97 = tpu.memref_slice %arg3[%run_scoped3A, %dma_start3A_96] : memref<2x320000xi32, #tpu.memory_space<hbm>> -> memref<1x320000xi32, #tpu.memory_space<hbm>>
      %dma_start3A_98 = tpu.memref_squeeze %dma_start3A_97 : memref<1x320000xi32, #tpu.memory_space<hbm>> -> memref<320000xi32, #tpu.memory_space<hbm>>
      %dma_start3A_99 = tpu.memref_slice %dma_start3A_98[%mul3A_2] : memref<320000xi32, #tpu.memory_space<hbm>> -> memref<10000xi32, #tpu.memory_space<hbm>>
      %dma_start3A_100 = arith.constant 0 : i32
      %dma_start3A_101 = tpu.memref_slice %arg3[%run_scoped3A, %dma_start3A_100] : memref<2x320000xi32, #tpu.memory_space<hbm>> -> memref<1x320000xi32, #tpu.memory_space<hbm>>
      %dma_start3A_102 = tpu.memref_squeeze %dma_start3A_101 : memref<1x320000xi32, #tpu.memory_space<hbm>> -> memref<320000xi32, #tpu.memory_space<hbm>>
      %dma_start3A_103 = tpu.memref_slice %dma_start3A_102[%mul3A_2] : memref<320000xi32, #tpu.memory_space<hbm>> -> memref<10000xi32, #tpu.memory_space<hbm>>
      tpu.enqueue_dma source(%dma_start3A_103 : memref<10000xi32, #tpu.memory_space<hbm>>) target(%arg7 : memref<10000xi32, #tpu.memory_space<vmem>>) target_semaphore(%run_scoped3A_95 : memref<!tpu.dma_semaphore, #tpu.memory_space<semaphore_mem>>)
      %dma_wait3A_104 = arith.constant 0 : i32
      %dma_wait3A_105 = tpu.memref_slice %arg3[%run_scoped3A, %dma_wait3A_104] : memref<2x320000xi32, #tpu.memory_space<hbm>> -> memref<1x320000xi32, #tpu.memory_space<hbm>>
      %dma_wait3A_106 = tpu.memref_squeeze %dma_wait3A_105 : memref<1x320000xi32, #tpu.memory_space<hbm>> -> memref<320000xi32, #tpu.memory_space<hbm>>
      %dma_wait3A_107 = tpu.memref_slice %dma_wait3A_106[%mul3A_2] : memref<320000xi32, #tpu.memory_space<hbm>> -> memref<10000xi32, #tpu.memory_space<hbm>>
      %dma_wait3A_108 = arith.constant 0 : i32
      %dma_wait3A_109 = tpu.memref_slice %arg3[%run_scoped3A, %dma_wait3A_108] : memref<2x320000xi32, #tpu.memory_space<hbm>> -> memref<1x320000xi32, #tpu.memory_space<hbm>>
      %dma_wait3A_110 = tpu.memref_squeeze %dma_wait3A_109 : memref<1x320000xi32, #tpu.memory_space<hbm>> -> memref<320000xi32, #tpu.memory_space<hbm>>
      %dma_wait3A_111 = tpu.memref_slice %dma_wait3A_110[%mul3A_2] : memref<320000xi32, #tpu.memory_space<hbm>> -> memref<10000xi32, #tpu.memory_space<hbm>>
      tpu.wait_dma2 semaphore(%run_scoped3A_95 : memref<!tpu.dma_semaphore, #tpu.memory_space<semaphore_mem>>) src(%dma_wait3A_111 : memref<10000xi32, #tpu.memory_space<hbm>>) dst(%arg7 : memref<10000xi32, #tpu.memory_space<vmem>>)
      tpu.yield
    }) : () -> ()
    %run_scoped3A_11 = arith.constant 1 : i32
    "tpu.region"() ({
      %run_scoped3A_95 = tpu.sem_alloc : memref<!tpu.dma_semaphore, #tpu.memory_space<semaphore_mem>>
      %dma_start3A_96 = arith.constant 0 : i32
      %dma_start3A_97 = tpu.memref_slice %arg3[%run_scoped3A_11, %dma_start3A_96] : memref<2x320000xi32, #tpu.memory_space<hbm>> -> memref<1x320000xi32, #tpu.memory_space<hbm>>
      %dma_start3A_98 = tpu.memref_squeeze %dma_start3A_97 : memref<1x320000xi32, #tpu.memory_space<hbm>> -> memref<320000xi32, #tpu.memory_space<hbm>>
      %dma_start3A_99 = tpu.memref_slice %dma_start3A_98[%mul3A_2] : memref<320000xi32, #tpu.memory_space<hbm>> -> memref<10000xi32, #tpu.memory_space<hbm>>
      %dma_start3A_100 = arith.constant 0 : i32
      %dma_start3A_101 = tpu.memref_slice %arg3[%run_scoped3A_11, %dma_start3A_100] : memref<2x320000xi32, #tpu.memory_space<hbm>> -> memref<1x320000xi32, #tpu.memory_space<hbm>>
      %dma_start3A_102 = tpu.memref_squeeze %dma_start3A_101 : memref<1x320000xi32, #tpu.memory_space<hbm>> -> memref<320000xi32, #tpu.memory_space<hbm>>
      %dma_start3A_103 = tpu.memref_slice %dma_start3A_102[%mul3A_2] : memref<320000xi32, #tpu.memory_space<hbm>> -> memref<10000xi32, #tpu.memory_space<hbm>>
      tpu.enqueue_dma source(%dma_start3A_103 : memref<10000xi32, #tpu.memory_space<hbm>>) target(%arg8 : memref<10000xi32, #tpu.memory_space<vmem>>) target_semaphore(%run_scoped3A_95 : memref<!tpu.dma_semaphore, #tpu.memory_space<semaphore_mem>>)
      %dma_wait3A_104 = arith.constant 0 : i32
      %dma_wait3A_105 = tpu.memref_slice %arg3[%run_scoped3A_11, %dma_wait3A_104] : memref<2x320000xi32, #tpu.memory_space<hbm>> -> memref<1x320000xi32, #tpu.memory_space<hbm>>
      %dma_wait3A_106 = tpu.memref_squeeze %dma_wait3A_105 : memref<1x320000xi32, #tpu.memory_space<hbm>> -> memref<320000xi32, #tpu.memory_space<hbm>>
      %dma_wait3A_107 = tpu.memref_slice %dma_wait3A_106[%mul3A_2] : memref<320000xi32, #tpu.memory_space<hbm>> -> memref<10000xi32, #tpu.memory_space<hbm>>
      %dma_wait3A_108 = arith.constant 0 : i32
      %dma_wait3A_109 = tpu.memref_slice %arg3[%run_scoped3A_11, %dma_wait3A_108] : memref<2x320000xi32, #tpu.memory_space<hbm>> -> memref<1x320000xi32, #tpu.memory_space<hbm>>
      %dma_wait3A_110 = tpu.memref_squeeze %dma_wait3A_109 : memref<1x320000xi32, #tpu.memory_space<hbm>> -> memref<320000xi32, #tpu.memory_space<hbm>>
      %dma_wait3A_111 = tpu.memref_slice %dma_wait3A_110[%mul3A_2] : memref<320000xi32, #tpu.memory_space<hbm>> -> memref<10000xi32, #tpu.memory_space<hbm>>
      tpu.wait_dma2 semaphore(%run_scoped3A_95 : memref<!tpu.dma_semaphore, #tpu.memory_space<semaphore_mem>>) src(%dma_wait3A_111 : memref<10000xi32, #tpu.memory_space<hbm>>) dst(%arg8 : memref<10000xi32, #tpu.memory_space<vmem>>)
      tpu.yield
    }) : () -> ()
    %barrier3A = arith.constant 0 : index
    tpu.barrier barrier_id(%barrier3A)
    %dma_start3A = arith.constant 0 : i32
    %dma_start3A_12 = tpu.memref_slice %arg7[%dma_start3A] : memref<10000xi32, #tpu.memory_space<vmem>> -> memref<512xi32, #tpu.memory_space<vmem>>
    %dma_start3A_13 = arith.constant 0 : i32
    %dma_start3A_14 = arith.constant 0 : i32
    %dma_start3A_15 = tpu.memref_slice %arg6[%dma_start3A_13, %dma_start3A_14] : memref<10000x16xf32, #tpu.memory_space<vmem_shared>> -> memref<10000x16xf32, #tpu.memory_space<vmem_shared>>
    tpu.enqueue_indirect_dma source(%dma_start3A_15 : memref<10000x16xf32, #tpu.memory_space<vmem_shared>>) target(%arg9 : memref<512x16xf32, #tpu.memory_space<vmem>>) offsets(%dma_start3A_12 : memref<512xi32, #tpu.memory_space<vmem>>) semaphore(%arg16 : memref<!tpu.dma_semaphore, #tpu.memory_space<semaphore_mem>>)
    %dma_start3A_16 = arith.constant 512 : i32
    %dma_start3A_17 = tpu.memref_slice %arg7[%dma_start3A_16] : memref<10000xi32, #tpu.memory_space<vmem>> -> memref<512xi32, #tpu.memory_space<vmem>>
    %dma_start3A_18 = arith.constant 0 : i32
    %dma_start3A_19 = arith.constant 0 : i32
    %dma_start3A_20 = tpu.memref_slice %arg6[%dma_start3A_18, %dma_start3A_19] : memref<10000x16xf32, #tpu.memory_space<vmem_shared>> -> memref<10000x16xf32, #tpu.memory_space<vmem_shared>>
    tpu.enqueue_indirect_dma source(%dma_start3A_20 : memref<10000x16xf32, #tpu.memory_space<vmem_shared>>) target(%arg10 : memref<512x16xf32, #tpu.memory_space<vmem>>) offsets(%dma_start3A_17 : memref<512xi32, #tpu.memory_space<vmem>>) semaphore(%arg16 : memref<!tpu.dma_semaphore, #tpu.memory_space<semaphore_mem>>)
    %dma_start3A_21 = arith.constant 1024 : i32
    %dma_start3A_22 = tpu.memref_slice %arg7[%dma_start3A_21] : memref<10000xi32, #tpu.memory_space<vmem>> -> memref<512xi32, #tpu.memory_space<vmem>>
    %dma_start3A_23 = arith.constant 0 : i32
    %dma_start3A_24 = arith.constant 0 : i32
    %dma_start3A_25 = tpu.memref_slice %arg6[%dma_start3A_23, %dma_start3A_24] : memref<10000x16xf32, #tpu.memory_space<vmem_shared>> -> memref<10000x16xf32, #tpu.memory_space<vmem_shared>>
    tpu.enqueue_indirect_dma source(%dma_start3A_25 : memref<10000x16xf32, #tpu.memory_space<vmem_shared>>) target(%arg11 : memref<512x16xf32, #tpu.memory_space<vmem>>) offsets(%dma_start3A_22 : memref<512xi32, #tpu.memory_space<vmem>>) semaphore(%arg16 : memref<!tpu.dma_semaphore, #tpu.memory_space<semaphore_mem>>)
    %scan3A_26 = arith.constant 0 : i32
    %scan3A_27 = arith.constant 4 : i32
    %scan3A_28 = arith.addi %scan3A_26, %scan3A_27 : i32
    %scan3A_29 = arith.constant 1 : i32
    scf.for %scan3A_95 = %scan3A_26 to %scan3A_28 step %scan3A_29  : i32 {
      %mul3A_96 = arith.constant 4 : i32
      %mul3A_97 = arith.muli %scan3A_95, %mul3A_96 : i32
      %add3A_98 = arith.constant 0 : i32
      %add3A_99 = arith.addi %mul3A_97, %add3A_98 : i32
      %mul3A_100 = arith.constant 512 : i32
      %mul3A_101 = arith.muli %add3A_99, %mul3A_100 : i32
      %dma_wait3A_102 = tpu.memref_slice %arg7[%mul3A_101] : memref<10000xi32, #tpu.memory_space<vmem>> -> memref<512xi32, #tpu.memory_space<vmem>>
      %dma_wait3A_103 = arith.constant 0 : i32
      %dma_wait3A_104 = arith.constant 0 : i32
      %dma_wait3A_105 = tpu.memref_slice %arg6[%dma_wait3A_103, %dma_wait3A_104] : memref<10000x16xf32, #tpu.memory_space<vmem_shared>> -> memref<10000x16xf32, #tpu.memory_space<vmem_shared>>
      tpu.wait_indirect_dma semaphore(%arg16 : memref<!tpu.dma_semaphore, #tpu.memory_space<semaphore_mem>>) src(%dma_wait3A_105 : memref<10000x16xf32, #tpu.memory_space<vmem_shared>>) dst(%arg9 : memref<512x16xf32, #tpu.memory_space<vmem>>)
      %mul3A_106 = arith.constant 512 : i32
      %mul3A_107 = arith.muli %add3A_99, %mul3A_106 : i32
      %dma_start3A_108 = tpu.memref_slice %arg8[%mul3A_107] : memref<10000xi32, #tpu.memory_space<vmem>> -> memref<512xi32, #tpu.memory_space<vmem>>
      %dma_start3A_109 = arith.constant 0 : i32
      %dma_start3A_110 = arith.constant 0 : i32
      %dma_start3A_111 = tpu.memref_slice %arg5[%dma_start3A_109, %dma_start3A_110] : memref<10240x16xf32, #tpu.memory_space<vmem_shared>> -> memref<10240x16xf32, #tpu.memory_space<vmem_shared>>
      tpu.enqueue_indirect_dma source(%arg9 : memref<512x16xf32, #tpu.memory_space<vmem>>) target(%dma_start3A_111 : memref<10240x16xf32, #tpu.memory_space<vmem_shared>>) offsets(%dma_start3A_108 : memref<512xi32, #tpu.memory_space<vmem>>) semaphore(%arg17 : memref<!tpu.dma_semaphore, #tpu.memory_space<semaphore_mem>>) {add = true}
      %ge3A = arith.constant 1 : i32
      %ge3A_112 = arith.cmpi sge, %add3A_99, %ge3A : i32
      %convert_element_type3A_113 = arith.extui %ge3A_112 : i1 to i32
      %cond3A_114 = arith.constant 0 : i32
      %cond3A_115 = arith.cmpi ne, %convert_element_type3A_113, %cond3A_114 : i32
      scf.if %cond3A_115 {
        %sub3A = arith.constant 1 : i32
        %sub3A_207 = arith.subi %add3A_99, %sub3A : i32
        %mul3A_208 = arith.constant 512 : i32
        %mul3A_209 = arith.muli %sub3A_207, %mul3A_208 : i32
        %dma_wait3A_210 = tpu.memref_slice %arg8[%mul3A_209] : memref<10000xi32, #tpu.memory_space<vmem>> -> memref<512xi32, #tpu.memory_space<vmem>>
        %dma_wait3A_211 = arith.constant 0 : i32
        %dma_wait3A_212 = arith.constant 0 : i32
        %dma_wait3A_213 = tpu.memref_slice %arg5[%dma_wait3A_211, %dma_wait3A_212] : memref<10240x16xf32, #tpu.memory_space<vmem_shared>> -> memref<10240x16xf32, #tpu.memory_space<vmem_shared>>
        tpu.wait_indirect_dma semaphore(%arg17 : memref<!tpu.dma_semaphore, #tpu.memory_space<semaphore_mem>>) src(%arg12 : memref<512x16xf32, #tpu.memory_space<vmem>>) dst(%dma_wait3A_213 : memref<10240x16xf32, #tpu.memory_space<vmem_shared>>)
      } else {
      }
      %add3A_116 = arith.constant 3 : i32
      %add3A_117 = arith.addi %add3A_99, %add3A_116 : i32
      %lt3A_118 = arith.constant 19 : i32
      %lt3A_119 = arith.cmpi slt, %add3A_117, %lt3A_118 : i32
      %convert_element_type3A_120 = arith.extui %lt3A_119 : i1 to i32
      %cond3A_121 = arith.constant 0 : i32
      %cond3A_122 = arith.cmpi ne, %convert_element_type3A_120, %cond3A_121 : i32
      scf.if %cond3A_122 {
        %add3A_207 = arith.constant 3 : i32
        %add3A_208 = arith.addi %add3A_99, %add3A_207 : i32
        %mul3A_209 = arith.constant 512 : i32
        %mul3A_210 = arith.muli %add3A_208, %mul3A_209 : i32
        %dma_start3A_211 = tpu.memref_slice %arg7[%mul3A_210] : memref<10000xi32, #tpu.memory_space<vmem>> -> memref<512xi32, #tpu.memory_space<vmem>>
        %dma_start3A_212 = arith.constant 0 : i32
        %dma_start3A_213 = arith.constant 0 : i32
        %dma_start3A_214 = tpu.memref_slice %arg6[%dma_start3A_212, %dma_start3A_213] : memref<10000x16xf32, #tpu.memory_space<vmem_shared>> -> memref<10000x16xf32, #tpu.memory_space<vmem_shared>>
        tpu.enqueue_indirect_dma source(%dma_start3A_214 : memref<10000x16xf32, #tpu.memory_space<vmem_shared>>) target(%arg12 : memref<512x16xf32, #tpu.memory_space<vmem>>) offsets(%dma_start3A_211 : memref<512xi32, #tpu.memory_space<vmem>>) semaphore(%arg16 : memref<!tpu.dma_semaphore, #tpu.memory_space<semaphore_mem>>)
      } else {
      }
      %mul3A_123 = arith.constant 4 : i32
      %mul3A_124 = arith.muli %scan3A_95, %mul3A_123 : i32
      %add3A_125 = arith.constant 1 : i32
      %add3A_126 = arith.addi %mul3A_124, %add3A_125 : i32
      %mul3A_127 = arith.constant 512 : i32
      %mul3A_128 = arith.muli %add3A_126, %mul3A_127 : i32
      %dma_wait3A_129 = tpu.memref_slice %arg7[%mul3A_128] : memref<10000xi32, #tpu.memory_space<vmem>> -> memref<512xi32, #tpu.memory_space<vmem>>
      %dma_wait3A_130 = arith.constant 0 : i32
      %dma_wait3A_131 = arith.constant 0 : i32
      %dma_wait3A_132 = tpu.memref_slice %arg6[%dma_wait3A_130, %dma_wait3A_131] : memref<10000x16xf32, #tpu.memory_space<vmem_shared>> -> memref<10000x16xf32, #tpu.memory_space<vmem_shared>>
      tpu.wait_indirect_dma semaphore(%arg16 : memref<!tpu.dma_semaphore, #tpu.memory_space<semaphore_mem>>) src(%dma_wait3A_132 : memref<10000x16xf32, #tpu.memory_space<vmem_shared>>) dst(%arg10 : memref<512x16xf32, #tpu.memory_space<vmem>>)
      %mul3A_133 = arith.constant 512 : i32
      %mul3A_134 = arith.muli %add3A_126, %mul3A_133 : i32
      %dma_start3A_135 = tpu.memref_slice %arg8[%mul3A_134] : memref<10000xi32, #tpu.memory_space<vmem>> -> memref<512xi32, #tpu.memory_space<vmem>>
      %dma_start3A_136 = arith.constant 0 : i32
      %dma_start3A_137 = arith.constant 0 : i32
      %dma_start3A_138 = tpu.memref_slice %arg5[%dma_start3A_136, %dma_start3A_137] : memref<10240x16xf32, #tpu.memory_space<vmem_shared>> -> memref<10240x16xf32, #tpu.memory_space<vmem_shared>>
      tpu.enqueue_indirect_dma source(%arg10 : memref<512x16xf32, #tpu.memory_space<vmem>>) target(%dma_start3A_138 : memref<10240x16xf32, #tpu.memory_space<vmem_shared>>) offsets(%dma_start3A_135 : memref<512xi32, #tpu.memory_space<vmem>>) semaphore(%arg17 : memref<!tpu.dma_semaphore, #tpu.memory_space<semaphore_mem>>) {add = true}
      %ge3A_139 = arith.constant 1 : i32
      %ge3A_140 = arith.cmpi sge, %add3A_126, %ge3A_139 : i32
      %convert_element_type3A_141 = arith.extui %ge3A_140 : i1 to i32
      %cond3A_142 = arith.constant 0 : i32
      %cond3A_143 = arith.cmpi ne, %convert_element_type3A_141, %cond3A_142 : i32
      scf.if %cond3A_143 {
        %sub3A = arith.constant 1 : i32
        %sub3A_207 = arith.subi %add3A_126, %sub3A : i32
        %mul3A_208 = arith.constant 512 : i32
        %mul3A_209 = arith.muli %sub3A_207, %mul3A_208 : i32
        %dma_wait3A_210 = tpu.memref_slice %arg8[%mul3A_209] : memref<10000xi32, #tpu.memory_space<vmem>> -> memref<512xi32, #tpu.memory_space<vmem>>
        %dma_wait3A_211 = arith.constant 0 : i32
        %dma_wait3A_212 = arith.constant 0 : i32
        %dma_wait3A_213 = tpu.memref_slice %arg5[%dma_wait3A_211, %dma_wait3A_212] : memref<10240x16xf32, #tpu.memory_space<vmem_shared>> -> memref<10240x16xf32, #tpu.memory_space<vmem_shared>>
        tpu.wait_indirect_dma semaphore(%arg17 : memref<!tpu.dma_semaphore, #tpu.memory_space<semaphore_mem>>) src(%arg9 : memref<512x16xf32, #tpu.memory_space<vmem>>) dst(%dma_wait3A_213 : memref<10240x16xf32, #tpu.memory_space<vmem_shared>>)
      } else {
      }
      %add3A_144 = arith.constant 3 : i32
      %add3A_145 = arith.addi %add3A_126, %add3A_144 : i32
      %lt3A_146 = arith.constant 19 : i32
      %lt3A_147 = arith.cmpi slt, %add3A_145, %lt3A_146 : i32
      %convert_element_type3A_148 = arith.extui %lt3A_147 : i1 to i32
      %cond3A_149 = arith.constant 0 : i32
      %cond3A_150 = arith.cmpi ne, %convert_element_type3A_148, %cond3A_149 : i32
      scf.if %cond3A_150 {
        %add3A_207 = arith.constant 3 : i32
        %add3A_208 = arith.addi %add3A_126, %add3A_207 : i32
        %mul3A_209 = arith.constant 512 : i32
        %mul3A_210 = arith.muli %add3A_208, %mul3A_209 : i32
        %dma_start3A_211 = tpu.memref_slice %arg7[%mul3A_210] : memref<10000xi32, #tpu.memory_space<vmem>> -> memref<512xi32, #tpu.memory_space<vmem>>
        %dma_start3A_212 = arith.constant 0 : i32
        %dma_start3A_213 = arith.constant 0 : i32
        %dma_start3A_214 = tpu.memref_slice %arg6[%dma_start3A_212, %dma_start3A_213] : memref<10000x16xf32, #tpu.memory_space<vmem_shared>> -> memref<10000x16xf32, #tpu.memory_space<vmem_shared>>
        tpu.enqueue_indirect_dma source(%dma_start3A_214 : memref<10000x16xf32, #tpu.memory_space<vmem_shared>>) target(%arg9 : memref<512x16xf32, #tpu.memory_space<vmem>>) offsets(%dma_start3A_211 : memref<512xi32, #tpu.memory_space<vmem>>) semaphore(%arg16 : memref<!tpu.dma_semaphore, #tpu.memory_space<semaphore_mem>>)
      } else {
      }
      %mul3A_151 = arith.constant 4 : i32
      %mul3A_152 = arith.muli %scan3A_95, %mul3A_151 : i32
      %add3A_153 = arith.constant 2 : i32
      %add3A_154 = arith.addi %mul3A_152, %add3A_153 : i32
      %mul3A_155 = arith.constant 512 : i32
      %mul3A_156 = arith.muli %add3A_154, %mul3A_155 : i32
      %dma_wait3A_157 = tpu.memref_slice %arg7[%mul3A_156] : memref<10000xi32, #tpu.memory_space<vmem>> -> memref<512xi32, #tpu.memory_space<vmem>>
      %dma_wait3A_158 = arith.constant 0 : i32
      %dma_wait3A_159 = arith.constant 0 : i32
      %dma_wait3A_160 = tpu.memref_slice %arg6[%dma_wait3A_158, %dma_wait3A_159] : memref<10000x16xf32, #tpu.memory_space<vmem_shared>> -> memref<10000x16xf32, #tpu.memory_space<vmem_shared>>
      tpu.wait_indirect_dma semaphore(%arg16 : memref<!tpu.dma_semaphore, #tpu.memory_space<semaphore_mem>>) src(%dma_wait3A_160 : memref<10000x16xf32, #tpu.memory_space<vmem_shared>>) dst(%arg11 : memref<512x16xf32, #tpu.memory_space<vmem>>)
      %mul3A_161 = arith.constant 512 : i32
      %mul3A_162 = arith.muli %add3A_154, %mul3A_161 : i32
      %dma_start3A_163 = tpu.memref_slice %arg8[%mul3A_162] : memref<10000xi32, #tpu.memory_space<vmem>> -> memref<512xi32, #tpu.memory_space<vmem>>
      %dma_start3A_164 = arith.constant 0 : i32
      %dma_start3A_165 = arith.constant 0 : i32
      %dma_start3A_166 = tpu.memref_slice %arg5[%dma_start3A_164, %dma_start3A_165] : memref<10240x16xf32, #tpu.memory_space<vmem_shared>> -> memref<10240x16xf32, #tpu.memory_space<vmem_shared>>
      tpu.enqueue_indirect_dma source(%arg11 : memref<512x16xf32, #tpu.memory_space<vmem>>) target(%dma_start3A_166 : memref<10240x16xf32, #tpu.memory_space<vmem_shared>>) offsets(%dma_start3A_163 : memref<512xi32, #tpu.memory_space<vmem>>) semaphore(%arg17 : memref<!tpu.dma_semaphore, #tpu.memory_space<semaphore_mem>>) {add = true}
      %ge3A_167 = arith.constant 1 : i32
      %ge3A_168 = arith.cmpi sge, %add3A_154, %ge3A_167 : i32
      %convert_element_type3A_169 = arith.extui %ge3A_168 : i1 to i32
      %cond3A_170 = arith.constant 0 : i32
      %cond3A_171 = arith.cmpi ne, %convert_element_type3A_169, %cond3A_170 : i32
      scf.if %cond3A_171 {
        %sub3A = arith.constant 1 : i32
        %sub3A_207 = arith.subi %add3A_154, %sub3A : i32
        %mul3A_208 = arith.constant 512 : i32
        %mul3A_209 = arith.muli %sub3A_207, %mul3A_208 : i32
        %dma_wait3A_210 = tpu.memref_slice %arg8[%mul3A_209] : memref<10000xi32, #tpu.memory_space<vmem>> -> memref<512xi32, #tpu.memory_space<vmem>>
        %dma_wait3A_211 = arith.constant 0 : i32
        %dma_wait3A_212 = arith.constant 0 : i32
        %dma_wait3A_213 = tpu.memref_slice %arg5[%dma_wait3A_211, %dma_wait3A_212] : memref<10240x16xf32, #tpu.memory_space<vmem_shared>> -> memref<10240x16xf32, #tpu.memory_space<vmem_shared>>
        tpu.wait_indirect_dma semaphore(%arg17 : memref<!tpu.dma_semaphore, #tpu.memory_space<semaphore_mem>>) src(%arg10 : memref<512x16xf32, #tpu.memory_space<vmem>>) dst(%dma_wait3A_213 : memref<10240x16xf32, #tpu.memory_space<vmem_shared>>)
      } else {
      }
      %add3A_172 = arith.constant 3 : i32
      %add3A_173 = arith.addi %add3A_154, %add3A_172 : i32
      %lt3A_174 = arith.constant 19 : i32
      %lt3A_175 = arith.cmpi slt, %add3A_173, %lt3A_174 : i32
      %convert_element_type3A_176 = arith.extui %lt3A_175 : i1 to i32
      %cond3A_177 = arith.constant 0 : i32
      %cond3A_178 = arith.cmpi ne, %convert_element_type3A_176, %cond3A_177 : i32
      scf.if %cond3A_178 {
        %add3A_207 = arith.constant 3 : i32
        %add3A_208 = arith.addi %add3A_154, %add3A_207 : i32
        %mul3A_209 = arith.constant 512 : i32
        %mul3A_210 = arith.muli %add3A_208, %mul3A_209 : i32
        %dma_start3A_211 = tpu.memref_slice %arg7[%mul3A_210] : memref<10000xi32, #tpu.memory_space<vmem>> -> memref<512xi32, #tpu.memory_space<vmem>>
        %dma_start3A_212 = arith.constant 0 : i32
        %dma_start3A_213 = arith.constant 0 : i32
        %dma_start3A_214 = tpu.memref_slice %arg6[%dma_start3A_212, %dma_start3A_213] : memref<10000x16xf32, #tpu.memory_space<vmem_shared>> -> memref<10000x16xf32, #tpu.memory_space<vmem_shared>>
        tpu.enqueue_indirect_dma source(%dma_start3A_214 : memref<10000x16xf32, #tpu.memory_space<vmem_shared>>) target(%arg10 : memref<512x16xf32, #tpu.memory_space<vmem>>) offsets(%dma_start3A_211 : memref<512xi32, #tpu.memory_space<vmem>>) semaphore(%arg16 : memref<!tpu.dma_semaphore, #tpu.memory_space<semaphore_mem>>)
      } else {
      }
      %mul3A_179 = arith.constant 4 : i32
      %mul3A_180 = arith.muli %scan3A_95, %mul3A_179 : i32
      %add3A_181 = arith.constant 3 : i32
      %add3A_182 = arith.addi %mul3A_180, %add3A_181 : i32
      %mul3A_183 = arith.constant 512 : i32
      %mul3A_184 = arith.muli %add3A_182, %mul3A_183 : i32
      %dma_wait3A_185 = tpu.memref_slice %arg7[%mul3A_184] : memref<10000xi32, #tpu.memory_space<vmem>> -> memref<512xi32, #tpu.memory_space<vmem>>
      %dma_wait3A_186 = arith.constant 0 : i32
      %dma_wait3A_187 = arith.constant 0 : i32
      %dma_wait3A_188 = tpu.memref_slice %arg6[%dma_wait3A_186, %dma_wait3A_187] : memref<10000x16xf32, #tpu.memory_space<vmem_shared>> -> memref<10000x16xf32, #tpu.memory_space<vmem_shared>>
      tpu.wait_indirect_dma semaphore(%arg16 : memref<!tpu.dma_semaphore, #tpu.memory_space<semaphore_mem>>) src(%dma_wait3A_188 : memref<10000x16xf32, #tpu.memory_space<vmem_shared>>) dst(%arg12 : memref<512x16xf32, #tpu.memory_space<vmem>>)
      %mul3A_189 = arith.constant 512 : i32
      %mul3A_190 = arith.muli %add3A_182, %mul3A_189 : i32
      %dma_start3A_191 = tpu.memref_slice %arg8[%mul3A_190] : memref<10000xi32, #tpu.memory_space<vmem>> -> memref<512xi32, #tpu.memory_space<vmem>>
      %dma_start3A_192 = arith.constant 0 : i32
      %dma_start3A_193 = arith.constant 0 : i32
      %dma_start3A_194 = tpu.memref_slice %arg5[%dma_start3A_192, %dma_start3A_193] : memref<10240x16xf32, #tpu.memory_space<vmem_shared>> -> memref<10240x16xf32, #tpu.memory_space<vmem_shared>>
      tpu.enqueue_indirect_dma source(%arg12 : memref<512x16xf32, #tpu.memory_space<vmem>>) target(%dma_start3A_194 : memref<10240x16xf32, #tpu.memory_space<vmem_shared>>) offsets(%dma_start3A_191 : memref<512xi32, #tpu.memory_space<vmem>>) semaphore(%arg17 : memref<!tpu.dma_semaphore, #tpu.memory_space<semaphore_mem>>) {add = true}
      %ge3A_195 = arith.constant 1 : i32
      %ge3A_196 = arith.cmpi sge, %add3A_182, %ge3A_195 : i32
      %convert_element_type3A_197 = arith.extui %ge3A_196 : i1 to i32
      %cond3A_198 = arith.constant 0 : i32
      %cond3A_199 = arith.cmpi ne, %convert_element_type3A_197, %cond3A_198 : i32
      scf.if %cond3A_199 {
        %sub3A = arith.constant 1 : i32
        %sub3A_207 = arith.subi %add3A_182, %sub3A : i32
        %mul3A_208 = arith.constant 512 : i32
        %mul3A_209 = arith.muli %sub3A_207, %mul3A_208 : i32
        %dma_wait3A_210 = tpu.memref_slice %arg8[%mul3A_209] : memref<10000xi32, #tpu.memory_space<vmem>> -> memref<512xi32, #tpu.memory_space<vmem>>
        %dma_wait3A_211 = arith.constant 0 : i32
        %dma_wait3A_212 = arith.constant 0 : i32
        %dma_wait3A_213 = tpu.memref_slice %arg5[%dma_wait3A_211, %dma_wait3A_212] : memref<10240x16xf32, #tpu.memory_space<vmem_shared>> -> memref<10240x16xf32, #tpu.memory_space<vmem_shared>>
        tpu.wait_indirect_dma semaphore(%arg17 : memref<!tpu.dma_semaphore, #tpu.memory_space<semaphore_mem>>) src(%arg11 : memref<512x16xf32, #tpu.memory_space<vmem>>) dst(%dma_wait3A_213 : memref<10240x16xf32, #tpu.memory_space<vmem_shared>>)
      } else {
      }
      %add3A_200 = arith.constant 3 : i32
      %add3A_201 = arith.addi %add3A_182, %add3A_200 : i32
      %lt3A_202 = arith.constant 19 : i32
      %lt3A_203 = arith.cmpi slt, %add3A_201, %lt3A_202 : i32
      %convert_element_type3A_204 = arith.extui %lt3A_203 : i1 to i32
      %cond3A_205 = arith.constant 0 : i32
      %cond3A_206 = arith.cmpi ne, %convert_element_type3A_204, %cond3A_205 : i32
      scf.if %cond3A_206 {
        %add3A_207 = arith.constant 3 : i32
        %add3A_208 = arith.addi %add3A_182, %add3A_207 : i32
        %mul3A_209 = arith.constant 512 : i32
        %mul3A_210 = arith.muli %add3A_208, %mul3A_209 : i32
        %dma_start3A_211 = tpu.memref_slice %arg7[%mul3A_210] : memref<10000xi32, #tpu.memory_space<vmem>> -> memref<512xi32, #tpu.memory_space<vmem>>
        %dma_start3A_212 = arith.constant 0 : i32
        %dma_start3A_213 = arith.constant 0 : i32
        %dma_start3A_214 = tpu.memref_slice %arg6[%dma_start3A_212, %dma_start3A_213] : memref<10000x16xf32, #tpu.memory_space<vmem_shared>> -> memref<10000x16xf32, #tpu.memory_space<vmem_shared>>
        tpu.enqueue_indirect_dma source(%dma_start3A_214 : memref<10000x16xf32, #tpu.memory_space<vmem_shared>>) target(%arg11 : memref<512x16xf32, #tpu.memory_space<vmem>>) offsets(%dma_start3A_211 : memref<512xi32, #tpu.memory_space<vmem>>) semaphore(%arg16 : memref<!tpu.dma_semaphore, #tpu.memory_space<semaphore_mem>>)
      } else {
      }
    }
    %scan3A_30 = arith.constant 4 : i32
    %dma_wait3A = arith.constant 8192 : i32
    %dma_wait3A_31 = tpu.memref_slice %arg7[%dma_wait3A] : memref<10000xi32, #tpu.memory_space<vmem>> -> memref<512xi32, #tpu.memory_space<vmem>>
    %dma_wait3A_32 = arith.constant 0 : i32
    %dma_wait3A_33 = arith.constant 0 : i32
    %dma_wait3A_34 = tpu.memref_slice %arg6[%dma_wait3A_32, %dma_wait3A_33] : memref<10000x16xf32, #tpu.memory_space<vmem_shared>> -> memref<10000x16xf32, #tpu.memory_space<vmem_shared>>
    tpu.wait_indirect_dma semaphore(%arg16 : memref<!tpu.dma_semaphore, #tpu.memory_space<semaphore_mem>>) src(%dma_wait3A_34 : memref<10000x16xf32, #tpu.memory_space<vmem_shared>>) dst(%arg9 : memref<512x16xf32, #tpu.memory_space<vmem>>)
    %dma_start3A_35 = arith.constant 8192 : i32
    %dma_start3A_36 = tpu.memref_slice %arg8[%dma_start3A_35] : memref<10000xi32, #tpu.memory_space<vmem>> -> memref<512xi32, #tpu.memory_space<vmem>>
    %dma_start3A_37 = arith.constant 0 : i32
    %dma_start3A_38 = arith.constant 0 : i32
    %dma_start3A_39 = tpu.memref_slice %arg5[%dma_start3A_37, %dma_start3A_38] : memref<10240x16xf32, #tpu.memory_space<vmem_shared>> -> memref<10240x16xf32, #tpu.memory_space<vmem_shared>>
    tpu.enqueue_indirect_dma source(%arg9 : memref<512x16xf32, #tpu.memory_space<vmem>>) target(%dma_start3A_39 : memref<10240x16xf32, #tpu.memory_space<vmem_shared>>) offsets(%dma_start3A_36 : memref<512xi32, #tpu.memory_space<vmem>>) semaphore(%arg17 : memref<!tpu.dma_semaphore, #tpu.memory_space<semaphore_mem>>) {add = true}
    %dma_wait3A_40 = arith.constant 7680 : i32
    %dma_wait3A_41 = tpu.memref_slice %arg8[%dma_wait3A_40] : memref<10000xi32, #tpu.memory_space<vmem>> -> memref<512xi32, #tpu.memory_space<vmem>>
    %dma_wait3A_42 = arith.constant 0 : i32
    %dma_wait3A_43 = arith.constant 0 : i32
    %dma_wait3A_44 = tpu.memref_slice %arg5[%dma_wait3A_42, %dma_wait3A_43] : memref<10240x16xf32, #tpu.memory_space<vmem_shared>> -> memref<10240x16xf32, #tpu.memory_space<vmem_shared>>
    tpu.wait_indirect_dma semaphore(%arg17 : memref<!tpu.dma_semaphore, #tpu.memory_space<semaphore_mem>>) src(%arg12 : memref<512x16xf32, #tpu.memory_space<vmem>>) dst(%dma_wait3A_44 : memref<10240x16xf32, #tpu.memory_space<vmem_shared>>)
    %dma_wait3A_45 = arith.constant 8704 : i32
    %dma_wait3A_46 = tpu.memref_slice %arg7[%dma_wait3A_45] : memref<10000xi32, #tpu.memory_space<vmem>> -> memref<512xi32, #tpu.memory_space<vmem>>
    %dma_wait3A_47 = arith.constant 0 : i32
    %dma_wait3A_48 = arith.constant 0 : i32
    %dma_wait3A_49 = tpu.memref_slice %arg6[%dma_wait3A_47, %dma_wait3A_48] : memref<10000x16xf32, #tpu.memory_space<vmem_shared>> -> memref<10000x16xf32, #tpu.memory_space<vmem_shared>>
    tpu.wait_indirect_dma semaphore(%arg16 : memref<!tpu.dma_semaphore, #tpu.memory_space<semaphore_mem>>) src(%dma_wait3A_49 : memref<10000x16xf32, #tpu.memory_space<vmem_shared>>) dst(%arg10 : memref<512x16xf32, #tpu.memory_space<vmem>>)
    %dma_start3A_50 = arith.constant 8704 : i32
    %dma_start3A_51 = tpu.memref_slice %arg8[%dma_start3A_50] : memref<10000xi32, #tpu.memory_space<vmem>> -> memref<512xi32, #tpu.memory_space<vmem>>
    %dma_start3A_52 = arith.constant 0 : i32
    %dma_start3A_53 = arith.constant 0 : i32
    %dma_start3A_54 = tpu.memref_slice %arg5[%dma_start3A_52, %dma_start3A_53] : memref<10240x16xf32, #tpu.memory_space<vmem_shared>> -> memref<10240x16xf32, #tpu.memory_space<vmem_shared>>
    tpu.enqueue_indirect_dma source(%arg10 : memref<512x16xf32, #tpu.memory_space<vmem>>) target(%dma_start3A_54 : memref<10240x16xf32, #tpu.memory_space<vmem_shared>>) offsets(%dma_start3A_51 : memref<512xi32, #tpu.memory_space<vmem>>) semaphore(%arg17 : memref<!tpu.dma_semaphore, #tpu.memory_space<semaphore_mem>>) {add = true}
    %dma_wait3A_55 = arith.constant 8192 : i32
    %dma_wait3A_56 = tpu.memref_slice %arg8[%dma_wait3A_55] : memref<10000xi32, #tpu.memory_space<vmem>> -> memref<512xi32, #tpu.memory_space<vmem>>
    %dma_wait3A_57 = arith.constant 0 : i32
    %dma_wait3A_58 = arith.constant 0 : i32
    %dma_wait3A_59 = tpu.memref_slice %arg5[%dma_wait3A_57, %dma_wait3A_58] : memref<10240x16xf32, #tpu.memory_space<vmem_shared>> -> memref<10240x16xf32, #tpu.memory_space<vmem_shared>>
    tpu.wait_indirect_dma semaphore(%arg17 : memref<!tpu.dma_semaphore, #tpu.memory_space<semaphore_mem>>) src(%arg9 : memref<512x16xf32, #tpu.memory_space<vmem>>) dst(%dma_wait3A_59 : memref<10240x16xf32, #tpu.memory_space<vmem_shared>>)
    %dma_wait3A_60 = arith.constant 9216 : i32
    %dma_wait3A_61 = tpu.memref_slice %arg7[%dma_wait3A_60] : memref<10000xi32, #tpu.memory_space<vmem>> -> memref<512xi32, #tpu.memory_space<vmem>>
    %dma_wait3A_62 = arith.constant 0 : i32
    %dma_wait3A_63 = arith.constant 0 : i32
    %dma_wait3A_64 = tpu.memref_slice %arg6[%dma_wait3A_62, %dma_wait3A_63] : memref<10000x16xf32, #tpu.memory_space<vmem_shared>> -> memref<10000x16xf32, #tpu.memory_space<vmem_shared>>
    tpu.wait_indirect_dma semaphore(%arg16 : memref<!tpu.dma_semaphore, #tpu.memory_space<semaphore_mem>>) src(%dma_wait3A_64 : memref<10000x16xf32, #tpu.memory_space<vmem_shared>>) dst(%arg11 : memref<512x16xf32, #tpu.memory_space<vmem>>)
    %dma_start3A_65 = arith.constant 9216 : i32
    %dma_start3A_66 = tpu.memref_slice %arg8[%dma_start3A_65] : memref<10000xi32, #tpu.memory_space<vmem>> -> memref<512xi32, #tpu.memory_space<vmem>>
    %dma_start3A_67 = arith.constant 0 : i32
    %dma_start3A_68 = arith.constant 0 : i32
    %dma_start3A_69 = tpu.memref_slice %arg5[%dma_start3A_67, %dma_start3A_68] : memref<10240x16xf32, #tpu.memory_space<vmem_shared>> -> memref<10240x16xf32, #tpu.memory_space<vmem_shared>>
    tpu.enqueue_indirect_dma source(%arg11 : memref<512x16xf32, #tpu.memory_space<vmem>>) target(%dma_start3A_69 : memref<10240x16xf32, #tpu.memory_space<vmem_shared>>) offsets(%dma_start3A_66 : memref<512xi32, #tpu.memory_space<vmem>>) semaphore(%arg17 : memref<!tpu.dma_semaphore, #tpu.memory_space<semaphore_mem>>) {add = true}
    %dma_wait3A_70 = arith.constant 8704 : i32
    %dma_wait3A_71 = tpu.memref_slice %arg8[%dma_wait3A_70] : memref<10000xi32, #tpu.memory_space<vmem>> -> memref<512xi32, #tpu.memory_space<vmem>>
    %dma_wait3A_72 = arith.constant 0 : i32
    %dma_wait3A_73 = arith.constant 0 : i32
    %dma_wait3A_74 = tpu.memref_slice %arg5[%dma_wait3A_72, %dma_wait3A_73] : memref<10240x16xf32, #tpu.memory_space<vmem_shared>> -> memref<10240x16xf32, #tpu.memory_space<vmem_shared>>
    tpu.wait_indirect_dma semaphore(%arg17 : memref<!tpu.dma_semaphore, #tpu.memory_space<semaphore_mem>>) src(%arg10 : memref<512x16xf32, #tpu.memory_space<vmem>>) dst(%dma_wait3A_74 : memref<10240x16xf32, #tpu.memory_space<vmem_shared>>)
    %dma_wait3A_75 = arith.constant 9216 : i32
    %dma_wait3A_76 = tpu.memref_slice %arg8[%dma_wait3A_75] : memref<10000xi32, #tpu.memory_space<vmem>> -> memref<512xi32, #tpu.memory_space<vmem>>
    %dma_wait3A_77 = arith.constant 0 : i32
    %dma_wait3A_78 = arith.constant 0 : i32
    %dma_wait3A_79 = tpu.memref_slice %arg5[%dma_wait3A_77, %dma_wait3A_78] : memref<10240x16xf32, #tpu.memory_space<vmem_shared>> -> memref<10240x16xf32, #tpu.memory_space<vmem_shared>>
    tpu.wait_indirect_dma semaphore(%arg17 : memref<!tpu.dma_semaphore, #tpu.memory_space<semaphore_mem>>) src(%arg11 : memref<512x16xf32, #tpu.memory_space<vmem>>) dst(%dma_wait3A_79 : memref<10240x16xf32, #tpu.memory_space<vmem_shared>>)
    %add3A_80 = arith.constant 9728 : i32
    %add3A_81 = arith.addi %mul3A_2, %add3A_80 : i32
    %run_scoped3A_82 = arith.constant 0 : i32
    "tpu.region"() ({
      %run_scoped3A_95 = tpu.sem_alloc : memref<!tpu.dma_semaphore, #tpu.memory_space<semaphore_mem>>
      %dma_start3A_96 = arith.constant 0 : i32
      %dma_start3A_97 = tpu.memref_slice %arg3[%run_scoped3A_82, %dma_start3A_96] : memref<2x320000xi32, #tpu.memory_space<hbm>> -> memref<1x320000xi32, #tpu.memory_space<hbm>>
      %dma_start3A_98 = tpu.memref_squeeze %dma_start3A_97 : memref<1x320000xi32, #tpu.memory_space<hbm>> -> memref<320000xi32, #tpu.memory_space<hbm>>
      %dma_start3A_99 = tpu.memref_slice %dma_start3A_98[%add3A_81] : memref<320000xi32, #tpu.memory_space<hbm>> -> memref<272xi32, #tpu.memory_space<hbm>>
      %dma_start3A_100 = arith.constant 0 : i32
      %dma_start3A_101 = tpu.memref_slice %arg3[%run_scoped3A_82, %dma_start3A_100] : memref<2x320000xi32, #tpu.memory_space<hbm>> -> memref<1x320000xi32, #tpu.memory_space<hbm>>
      %dma_start3A_102 = tpu.memref_squeeze %dma_start3A_101 : memref<1x320000xi32, #tpu.memory_space<hbm>> -> memref<320000xi32, #tpu.memory_space<hbm>>
      %dma_start3A_103 = tpu.memref_slice %dma_start3A_102[%add3A_81] : memref<320000xi32, #tpu.memory_space<hbm>> -> memref<272xi32, #tpu.memory_space<hbm>>
      tpu.enqueue_dma source(%dma_start3A_103 : memref<272xi32, #tpu.memory_space<hbm>>) target(%arg14 : memref<272xi32, #tpu.memory_space<vmem>>) target_semaphore(%run_scoped3A_95 : memref<!tpu.dma_semaphore, #tpu.memory_space<semaphore_mem>>)
      %dma_wait3A_104 = arith.constant 0 : i32
      %dma_wait3A_105 = tpu.memref_slice %arg3[%run_scoped3A_82, %dma_wait3A_104] : memref<2x320000xi32, #tpu.memory_space<hbm>> -> memref<1x320000xi32, #tpu.memory_space<hbm>>
      %dma_wait3A_106 = tpu.memref_squeeze %dma_wait3A_105 : memref<1x320000xi32, #tpu.memory_space<hbm>> -> memref<320000xi32, #tpu.memory_space<hbm>>
      %dma_wait3A_107 = tpu.memref_slice %dma_wait3A_106[%add3A_81] : memref<320000xi32, #tpu.memory_space<hbm>> -> memref<272xi32, #tpu.memory_space<hbm>>
      %dma_wait3A_108 = arith.constant 0 : i32
      %dma_wait3A_109 = tpu.memref_slice %arg3[%run_scoped3A_82, %dma_wait3A_108] : memref<2x320000xi32, #tpu.memory_space<hbm>> -> memref<1x320000xi32, #tpu.memory_space<hbm>>
      %dma_wait3A_110 = tpu.memref_squeeze %dma_wait3A_109 : memref<1x320000xi32, #tpu.memory_space<hbm>> -> memref<320000xi32, #tpu.memory_space<hbm>>
      %dma_wait3A_111 = tpu.memref_slice %dma_wait3A_110[%add3A_81] : memref<320000xi32, #tpu.memory_space<hbm>> -> memref<272xi32, #tpu.memory_space<hbm>>
      tpu.wait_dma2 semaphore(%run_scoped3A_95 : memref<!tpu.dma_semaphore, #tpu.memory_space<semaphore_mem>>) src(%dma_wait3A_111 : memref<272xi32, #tpu.memory_space<hbm>>) dst(%arg14 : memref<272xi32, #tpu.memory_space<vmem>>)
      tpu.yield
    }) : () -> ()
    %dma_start3A_83 = arith.constant 0 : i32
    %dma_start3A_84 = arith.constant 0 : i32
    %dma_start3A_85 = tpu.memref_slice %arg6[%dma_start3A_83, %dma_start3A_84] : memref<10000x16xf32, #tpu.memory_space<vmem_shared>> -> memref<10000x16xf32, #tpu.memory_space<vmem_shared>>
    tpu.enqueue_indirect_dma source(%dma_start3A_85 : memref<10000x16xf32, #tpu.memory_space<vmem_shared>>) target(%arg15 : memref<272x16xf32, #tpu.memory_space<vmem>>) offsets(%arg14 : memref<272xi32, #tpu.memory_space<vmem>>) semaphore(%arg16 : memref<!tpu.dma_semaphore, #tpu.memory_space<semaphore_mem>>)
    %dma_wait3A_86 = arith.constant 0 : i32
    %dma_wait3A_87 = arith.constant 0 : i32
    %dma_wait3A_88 = tpu.memref_slice %arg6[%dma_wait3A_86, %dma_wait3A_87] : memref<10000x16xf32, #tpu.memory_space<vmem_shared>> -> memref<10000x16xf32, #tpu.memory_space<vmem_shared>>
    tpu.wait_indirect_dma semaphore(%arg16 : memref<!tpu.dma_semaphore, #tpu.memory_space<semaphore_mem>>) src(%dma_wait3A_88 : memref<10000x16xf32, #tpu.memory_space<vmem_shared>>) dst(%arg15 : memref<272x16xf32, #tpu.memory_space<vmem>>)
    %add3A_89 = arith.constant 9728 : i32
    %add3A_90 = arith.addi %mul3A_2, %add3A_89 : i32
    %run_scoped3A_91 = arith.constant 1 : i32
    "tpu.region"() ({
      %run_scoped3A_95 = tpu.sem_alloc : memref<!tpu.dma_semaphore, #tpu.memory_space<semaphore_mem>>
      %dma_start3A_96 = arith.constant 0 : i32
      %dma_start3A_97 = tpu.memref_slice %arg3[%run_scoped3A_91, %dma_start3A_96] : memref<2x320000xi32, #tpu.memory_space<hbm>> -> memref<1x320000xi32, #tpu.memory_space<hbm>>
      %dma_start3A_98 = tpu.memref_squeeze %dma_start3A_97 : memref<1x320000xi32, #tpu.memory_space<hbm>> -> memref<320000xi32, #tpu.memory_space<hbm>>
      %dma_start3A_99 = tpu.memref_slice %dma_start3A_98[%add3A_90] : memref<320000xi32, #tpu.memory_space<hbm>> -> memref<272xi32, #tpu.memory_space<hbm>>
      %dma_start3A_100 = arith.constant 0 : i32
      %dma_start3A_101 = tpu.memref_slice %arg3[%run_scoped3A_91, %dma_start3A_100] : memref<2x320000xi32, #tpu.memory_space<hbm>> -> memref<1x320000xi32, #tpu.memory_space<hbm>>
      %dma_start3A_102 = tpu.memref_squeeze %dma_start3A_101 : memref<1x320000xi32, #tpu.memory_space<hbm>> -> memref<320000xi32, #tpu.memory_space<hbm>>
      %dma_start3A_103 = tpu.memref_slice %dma_start3A_102[%add3A_90] : memref<320000xi32, #tpu.memory_space<hbm>> -> memref<272xi32, #tpu.memory_space<hbm>>
      tpu.enqueue_dma source(%dma_start3A_103 : memref<272xi32, #tpu.memory_space<hbm>>) target(%arg14 : memref<272xi32, #tpu.memory_space<vmem>>) target_semaphore(%run_scoped3A_95 : memref<!tpu.dma_semaphore, #tpu.memory_space<semaphore_mem>>)
      %dma_wait3A_104 = arith.constant 0 : i32
      %dma_wait3A_105 = tpu.memref_slice %arg3[%run_scoped3A_91, %dma_wait3A_104] : memref<2x320000xi32, #tpu.memory_space<hbm>> -> memref<1x320000xi32, #tpu.memory_space<hbm>>
      %dma_wait3A_106 = tpu.memref_squeeze %dma_wait3A_105 : memref<1x320000xi32, #tpu.memory_space<hbm>> -> memref<320000xi32, #tpu.memory_space<hbm>>
      %dma_wait3A_107 = tpu.memref_slice %dma_wait3A_106[%add3A_90] : memref<320000xi32, #tpu.memory_space<hbm>> -> memref<272xi32, #tpu.memory_space<hbm>>
      %dma_wait3A_108 = arith.constant 0 : i32
      %dma_wait3A_109 = tpu.memref_slice %arg3[%run_scoped3A_91, %dma_wait3A_108] : memref<2x320000xi32, #tpu.memory_space<hbm>> -> memref<1x320000xi32, #tpu.memory_space<hbm>>
      %dma_wait3A_110 = tpu.memref_squeeze %dma_wait3A_109 : memref<1x320000xi32, #tpu.memory_space<hbm>> -> memref<320000xi32, #tpu.memory_space<hbm>>
      %dma_wait3A_111 = tpu.memref_slice %dma_wait3A_110[%add3A_90] : memref<320000xi32, #tpu.memory_space<hbm>> -> memref<272xi32, #tpu.memory_space<hbm>>
      tpu.wait_dma2 semaphore(%run_scoped3A_95 : memref<!tpu.dma_semaphore, #tpu.memory_space<semaphore_mem>>) src(%dma_wait3A_111 : memref<272xi32, #tpu.memory_space<hbm>>) dst(%arg14 : memref<272xi32, #tpu.memory_space<vmem>>)
      tpu.yield
    }) : () -> ()
    "tpu.region"() ({
      %run_scoped3A_95 = tpu.sem_alloc : memref<!tpu.dma_semaphore, #tpu.memory_space<semaphore_mem>>
      %dma_start3A_96 = arith.constant 0 : i32
      %dma_start3A_97 = arith.constant 0 : i32
      %dma_start3A_98 = tpu.memref_slice %arg5[%dma_start3A_96, %dma_start3A_97] : memref<10240x16xf32, #tpu.memory_space<vmem_shared>> -> memref<10240x16xf32, #tpu.memory_space<vmem_shared>>
      tpu.enqueue_indirect_dma source(%arg15 : memref<272x16xf32, #tpu.memory_space<vmem>>) target(%dma_start3A_98 : memref<10240x16xf32, #tpu.memory_space<vmem_shared>>) offsets(%arg14 : memref<272xi32, #tpu.memory_space<vmem>>) semaphore(%run_scoped3A_95 : memref<!tpu.dma_semaphore, #tpu.memory_space<semaphore_mem>>) {add = true}
      %dma_wait3A_99 = arith.constant 0 : i32
      %dma_wait3A_100 = arith.constant 0 : i32
      %dma_wait3A_101 = tpu.memref_slice %arg5[%dma_wait3A_99, %dma_wait3A_100] : memref<10240x16xf32, #tpu.memory_space<vmem_shared>> -> memref<10240x16xf32, #tpu.memory_space<vmem_shared>>
      tpu.wait_indirect_dma semaphore(%run_scoped3A_95 : memref<!tpu.dma_semaphore, #tpu.memory_space<semaphore_mem>>) src(%arg15 : memref<272x16xf32, #tpu.memory_space<vmem>>) dst(%dma_wait3A_101 : memref<10240x16xf32, #tpu.memory_space<vmem_shared>>)
      tpu.yield
    }) : () -> ()
    %barrier3A_92 = arith.constant 0 : index
    tpu.barrier barrier_id(%barrier3A_92)
    %mul3A_93 = arith.constant 640 : i32
    %mul3A_94 = arith.muli %arg1, %mul3A_93 : i32
    "tpu.region"() ({
      %run_scoped3A_95 = tpu.sem_alloc : memref<!tpu.dma_semaphore, #tpu.memory_space<semaphore_mem>>
      %dma_start3A_96 = arith.constant 0 : i32
      %dma_start3A_97 = arith.constant 0 : i32
      %dma_start3A_98 = tpu.memref_slice %arg4[%arg0, %dma_start3A_96, %dma_start3A_97] : memref<2x10240x16xf32, #tpu.memory_space<hbm>> -> memref<1x10240x16xf32, #tpu.memory_space<hbm>>
      %dma_start3A_99 = tpu.memref_squeeze %dma_start3A_98 : memref<1x10240x16xf32, #tpu.memory_space<hbm>> -> memref<10240x16xf32, #tpu.memory_space<hbm>>
      %dma_start3A_100 = arith.constant 0 : i32
      %dma_start3A_101 = tpu.memref_slice %dma_start3A_99[%mul3A_94, %dma_start3A_100] : memref<10240x16xf32, #tpu.memory_space<hbm>> -> memref<640x16xf32, #tpu.memory_space<hbm>>
      %dma_start3A_102 = arith.constant 0 : i32
      %dma_start3A_103 = tpu.memref_slice %arg5[%mul3A_94, %dma_start3A_102] : memref<10240x16xf32, #tpu.memory_space<vmem_shared>> -> memref<640x16xf32, #tpu.memory_space<vmem_shared>>
      tpu.enqueue_dma source(%dma_start3A_103 : memref<640x16xf32, #tpu.memory_space<vmem_shared>>) target(%dma_start3A_101 : memref<640x16xf32, #tpu.memory_space<hbm>>) target_semaphore(%run_scoped3A_95 : memref<!tpu.dma_semaphore, #tpu.memory_space<semaphore_mem>>)
      %dma_wait3A_104 = arith.constant 0 : i32
      %dma_wait3A_105 = arith.constant 0 : i32
      %dma_wait3A_106 = tpu.memref_slice %arg4[%arg0, %dma_wait3A_104, %dma_wait3A_105] : memref<2x10240x16xf32, #tpu.memory_space<hbm>> -> memref<1x10240x16xf32, #tpu.memory_space<hbm>>
      %dma_wait3A_107 = tpu.memref_squeeze %dma_wait3A_106 : memref<1x10240x16xf32, #tpu.memory_space<hbm>> -> memref<10240x16xf32, #tpu.memory_space<hbm>>
      %dma_wait3A_108 = arith.constant 0 : i32
      %dma_wait3A_109 = tpu.memref_slice %dma_wait3A_107[%mul3A_94, %dma_wait3A_108] : memref<10240x16xf32, #tpu.memory_space<hbm>> -> memref<640x16xf32, #tpu.memory_space<hbm>>
      %dma_wait3A_110 = arith.constant 0 : i32
      %dma_wait3A_111 = tpu.memref_slice %arg5[%mul3A_94, %dma_wait3A_110] : memref<10240x16xf32, #tpu.memory_space<vmem_shared>> -> memref<640x16xf32, #tpu.memory_space<vmem_shared>>
      tpu.wait_dma2 semaphore(%run_scoped3A_95 : memref<!tpu.dma_semaphore, #tpu.memory_space<semaphore_mem>>) src(%dma_wait3A_111 : memref<640x16xf32, #tpu.memory_space<vmem_shared>>) dst(%dma_wait3A_109 : memref<640x16xf32, #tpu.memory_space<hbm>>)
      tpu.yield
    }) : () -> ()
    return
  }
}

module attributes {stable_mosaic.version = 14 : i64} {
  func.func @body(%arg0: memref<1250x1024xf32, #tpu.memory_space<vmem>>, %arg1: memref<1024x128xf32, #tpu.memory_space<vmem>>, %arg2: memref<2x1280x128xf32, #tpu.memory_space<vmem>>, %arg3: memref<1250x128xf32, #tpu.memory_space<vmem>>, %arg4: memref<1250x128xf32, #tpu.memory_space<vmem>>) attributes {dimension_semantics = [], scalar_prefetch = 0 : i64, scratch_operands = 0 : i64, tpu.core_type = #tpu.core_type<tc>} {
    %get3A = arith.constant 0 : index
    %get3A_0 = arith.constant 0 : index
    %get3A_1 = arith.constant 0 : index
    %get3A_2 = vector.load %arg2[%get3A, %get3A_0, %get3A_1] : memref<2x1280x128xf32, #tpu.memory_space<vmem>>, vector<1x1250x128xf32>
    %get3A_3 = vector.shape_cast %get3A_2 : vector<1x1250x128xf32> to vector<1250x128xf32>
    %get3A_4 = arith.constant 1 : index
    %get3A_5 = arith.constant 0 : index
    %get3A_6 = arith.constant 0 : index
    %get3A_7 = vector.load %arg2[%get3A_4, %get3A_5, %get3A_6] : memref<2x1280x128xf32, #tpu.memory_space<vmem>>, vector<1x1250x128xf32>
    %get3A_8 = vector.shape_cast %get3A_7 : vector<1x1250x128xf32> to vector<1250x128xf32>
    %add3A = arith.addf %get3A_3, %get3A_8 : vector<1250x128xf32>
    %add3A_9 = arith.constant 1.000000e+00 : f32
    %add3A_10 = vector.broadcast %add3A_9 : f32 to vector<1250x128xf32>
    %add3A_11 = arith.addf %add3A, %add3A_10 : vector<1250x128xf32>
    %rsqrt3A = math.rsqrt %add3A_11 : vector<1250x128xf32>
    %swap3A = arith.constant 0 : index
    %swap3A_12 = arith.constant 0 : index
    %swap3A_13 = vector.load %arg4[%swap3A, %swap3A_12] : memref<1250x128xf32, #tpu.memory_space<vmem>>, vector<1250x128xf32>
    tpu.vector_store %arg4[%swap3A, %swap3A_12], %rsqrt3A {strides = array<i32>} : memref<1250x128xf32, #tpu.memory_space<vmem>>, vector<1250x128xf32>,
    %get3A_14 = arith.constant 0 : index
    %get3A_15 = arith.constant 0 : index
    %get3A_16 = vector.load %arg0[%get3A_14, %get3A_15] : memref<1250x1024xf32, #tpu.memory_space<vmem>>, vector<1250x1024xf32>
    %get3A_17 = arith.constant 0 : index
    %get3A_18 = arith.constant 0 : index
    %get3A_19 = vector.load %arg1[%get3A_17, %get3A_18] : memref<1024x128xf32, #tpu.memory_space<vmem>>, vector<1024x128xf32>
    %dot_general3A = arith.constant dense<0.000000e+00> : vector<1250x128xf32>
    %dot_general3A_20 = tpu.matmul %get3A_16, %get3A_19, %dot_general3A {dimension_numbers = #tpu.dot_dimension_numbers<[1], [0], [0], [1], [0, 0, 1, 1], [], []>, transpose_lhs_hint = false} : vector<1250x1024xf32>, vector<1024x128xf32>, vector<1250x128xf32> -> vector<1250x128xf32>
    %mul3A = arith.mulf %rsqrt3A, %dot_general3A_20 : vector<1250x128xf32>
    %swap3A_21 = arith.constant 0 : index
    %swap3A_22 = arith.constant 0 : index
    %swap3A_23 = vector.load %arg3[%swap3A_21, %swap3A_22] : memref<1250x128xf32, #tpu.memory_space<vmem>>, vector<1250x128xf32>
    tpu.vector_store %arg3[%swap3A_21, %swap3A_22], %mul3A {strides = array<i32>} : memref<1250x128xf32, #tpu.memory_space<vmem>>, vector<1250x128xf32>,
    return
  }
}

module attributes {stable_mosaic.version = 14 : i64} {
  func.func @body(%arg0: memref<2x1280x128xf32, #tpu.memory_space<vmem>>, %arg1: memref<1250x128xf32, #tpu.memory_space<vmem>>, %arg2: memref<1250x128xf32, #tpu.memory_space<vmem>>, %arg3: memref<1x128xf32, #tpu.memory_space<vmem>>, %arg4: memref<128x128xf32, #tpu.memory_space<vmem>>, %arg5: memref<1250x128xf32, #tpu.memory_space<vmem>>) attributes {dimension_semantics = [], scalar_prefetch = 0 : i64, scratch_operands = 0 : i64, tpu.core_type = #tpu.core_type<tc>} {
    %get3A = arith.constant 0 : index
    %get3A_0 = arith.constant 0 : index
    %get3A_1 = arith.constant 0 : index
    %get3A_2 = vector.load %arg0[%get3A, %get3A_0, %get3A_1] : memref<2x1280x128xf32, #tpu.memory_space<vmem>>, vector<1x1250x128xf32>
    %get3A_3 = vector.shape_cast %get3A_2 : vector<1x1250x128xf32> to vector<1250x128xf32>
    %get3A_4 = arith.constant 1 : index
    %get3A_5 = arith.constant 0 : index
    %get3A_6 = arith.constant 0 : index
    %get3A_7 = vector.load %arg0[%get3A_4, %get3A_5, %get3A_6] : memref<2x1280x128xf32, #tpu.memory_space<vmem>>, vector<1x1250x128xf32>
    %get3A_8 = vector.shape_cast %get3A_7 : vector<1x1250x128xf32> to vector<1250x128xf32>
    %add3A = arith.addf %get3A_3, %get3A_8 : vector<1250x128xf32>
    %get3A_9 = arith.constant 0 : index
    %get3A_10 = arith.constant 0 : index
    %get3A_11 = vector.load %arg1[%get3A_9, %get3A_10] : memref<1250x128xf32, #tpu.memory_space<vmem>>, vector<1250x128xf32>
    %add3A_12 = arith.addf %add3A, %get3A_11 : vector<1250x128xf32>
    %get3A_13 = arith.constant 0 : index
    %get3A_14 = arith.constant 0 : index
    %get3A_15 = vector.load %arg2[%get3A_13, %get3A_14] : memref<1250x128xf32, #tpu.memory_space<vmem>>, vector<1250x128xf32>
    %mul3A = arith.mulf %get3A_15, %add3A_12 : vector<1250x128xf32>
    %get3A_16 = arith.constant 0 : index
    %get3A_17 = arith.constant 0 : index
    %get3A_18 = vector.load %arg3[%get3A_16, %get3A_17] : memref<1x128xf32, #tpu.memory_space<vmem>>, vector<1x128xf32>
    %add3A_19 = vector.broadcast %get3A_18 : vector<1x128xf32> to vector<1250x128xf32>
    %add3A_20 = arith.addf %mul3A, %add3A_19 : vector<1250x128xf32>
    %max3A = arith.constant 0.000000e+00 : f32
    %max3A_21 = vector.broadcast %max3A : f32 to vector<1250x128xf32>
    %max3A_22 = arith.maximumf %add3A_20, %max3A_21 : vector<1250x128xf32>
    %get3A_23 = arith.constant 0 : index
    %get3A_24 = arith.constant 0 : index
    %get3A_25 = vector.load %arg2[%get3A_23, %get3A_24] : memref<1250x128xf32, #tpu.memory_space<vmem>>, vector<1250x128xf32>
    %get3A_26 = arith.constant 0 : index
    %get3A_27 = arith.constant 0 : index
    %get3A_28 = vector.load %arg4[%get3A_26, %get3A_27] : memref<128x128xf32, #tpu.memory_space<vmem>>, vector<128x128xf32>
    %dot_general3A = arith.constant dense<0.000000e+00> : vector<1250x128xf32>
    %dot_general3A_29 = tpu.matmul %max3A_22, %get3A_28, %dot_general3A {dimension_numbers = #tpu.dot_dimension_numbers<[1], [0], [0], [1], [0, 0, 1, 1], [], []>, transpose_lhs_hint = false} : vector<1250x128xf32>, vector<128x128xf32>, vector<1250x128xf32> -> vector<1250x128xf32>
    %mul3A_30 = arith.mulf %get3A_25, %dot_general3A_29 : vector<1250x128xf32>
    %swap3A = arith.constant 0 : index
    %swap3A_31 = arith.constant 0 : index
    %swap3A_32 = vector.load %arg5[%swap3A, %swap3A_31] : memref<1250x128xf32, #tpu.memory_space<vmem>>, vector<1250x128xf32>
    tpu.vector_store %arg5[%swap3A, %swap3A_31], %mul3A_30 {strides = array<i32>} : memref<1250x128xf32, #tpu.memory_space<vmem>>, vector<1250x128xf32>,
    return
  }
}

module attributes {stable_mosaic.version = 14 : i64} {
  func.func @body(%arg0: memref<2x1280x128xf32, #tpu.memory_space<vmem>>, %arg1: memref<1250x128xf32, #tpu.memory_space<vmem>>, %arg2: memref<1250x128xf32, #tpu.memory_space<vmem>>, %arg3: memref<1x128xf32, #tpu.memory_space<vmem>>, %arg4: memref<1250x128xf32, #tpu.memory_space<vmem>>) attributes {dimension_semantics = [], scalar_prefetch = 0 : i64, scratch_operands = 0 : i64, tpu.core_type = #tpu.core_type<tc>} {
    %get3A = arith.constant 0 : index
    %get3A_0 = arith.constant 0 : index
    %get3A_1 = arith.constant 0 : index
    %get3A_2 = vector.load %arg0[%get3A, %get3A_0, %get3A_1] : memref<2x1280x128xf32, #tpu.memory_space<vmem>>, vector<1x1250x128xf32>
    %get3A_3 = vector.shape_cast %get3A_2 : vector<1x1250x128xf32> to vector<1250x128xf32>
    %get3A_4 = arith.constant 1 : index
    %get3A_5 = arith.constant 0 : index
    %get3A_6 = arith.constant 0 : index
    %get3A_7 = vector.load %arg0[%get3A_4, %get3A_5, %get3A_6] : memref<2x1280x128xf32, #tpu.memory_space<vmem>>, vector<1x1250x128xf32>
    %get3A_8 = vector.shape_cast %get3A_7 : vector<1x1250x128xf32> to vector<1250x128xf32>
    %add3A = arith.addf %get3A_3, %get3A_8 : vector<1250x128xf32>
    %get3A_9 = arith.constant 0 : index
    %get3A_10 = arith.constant 0 : index
    %get3A_11 = vector.load %arg1[%get3A_9, %get3A_10] : memref<1250x128xf32, #tpu.memory_space<vmem>>, vector<1250x128xf32>
    %add3A_12 = arith.addf %add3A, %get3A_11 : vector<1250x128xf32>
    %get3A_13 = arith.constant 0 : index
    %get3A_14 = arith.constant 0 : index
    %get3A_15 = vector.load %arg2[%get3A_13, %get3A_14] : memref<1250x128xf32, #tpu.memory_space<vmem>>, vector<1250x128xf32>
    %mul3A = arith.mulf %get3A_15, %add3A_12 : vector<1250x128xf32>
    %get3A_16 = arith.constant 0 : index
    %get3A_17 = arith.constant 0 : index
    %get3A_18 = vector.load %arg3[%get3A_16, %get3A_17] : memref<1x128xf32, #tpu.memory_space<vmem>>, vector<1x128xf32>
    %add3A_19 = vector.broadcast %get3A_18 : vector<1x128xf32> to vector<1250x128xf32>
    %add3A_20 = arith.addf %mul3A, %add3A_19 : vector<1250x128xf32>
    %logistic3A = arith.negf %add3A_20 : vector<1250x128xf32>
    %logistic3A_21 = math.exp %logistic3A : vector<1250x128xf32>
    %logistic3A_22 = arith.constant 1.000000e+00 : f32
    %logistic3A_23 = vector.broadcast %logistic3A_22 : f32 to vector<1250x128xf32>
    %logistic3A_24 = arith.addf %logistic3A_23, %logistic3A_21 : vector<1250x128xf32>
    %logistic3A_25 = arith.divf %logistic3A_23, %logistic3A_24 : vector<1250x128xf32>
    %swap3A = arith.constant 0 : index
    %swap3A_26 = arith.constant 0 : index
    %swap3A_27 = vector.load %arg4[%swap3A, %swap3A_26] : memref<1250x128xf32, #tpu.memory_space<vmem>>, vector<1250x128xf32>
    tpu.vector_store %arg4[%swap3A, %swap3A_26], %logistic3A_25 {strides = array<i32>} : memref<1250x128xf32, #tpu.memory_space<vmem>>, vector<1250x128xf32>,
    return
  }
}

</mosaic_0001>

<sc_bundles>
// kernel: kernel.11.cloned.1.call-start
scs
__scs_entry_jumppad:
0x0: {  	(pc) =	sbr.rel $0x88, $3  }
0x1: {  	(tag) =	ssettag $0x0;
	lr =	simm.s32 $0x1  }
0x2: {  	[smem:$0x3F9B] =	sst lr;
	_ =	strace $0xD0000000  }
0x3: {  	_ = 	snop  }
0x4: {  	_ = 	snop  }
0x5: {  	_ = 	snop  }
0x6: {  	_ = 	snop  }
0x7: {  	_ = 	snop  }
__scs_overlays_trampoline_lowered:
0x8: {  	[smem:$0x3FAA] =	sst s0  }
0x9: {  	[smem:$0x3FAB] =	sst s1  }
0xa: {  	[smem:$0x3FAC] =	sst s2  }
0xb: {  	[smem:$0x3FAD] =	sst s3  }
0xc: {  	[smem:$0x3FAE] =	sst s4  }
0xd: {  	[smem:$0x3FAF] =	sst s5  }
0xe: {  	[smem:$0x3FB0] =	sst s6  }
0xf: {  	[smem:$0x3FB1] =	sst s7  }
0x10: {  	[smem:$0x3FB2] =	sst s8  }
0x11: {  	[smem:$0x3FB3] =	sst s9;
	s0 =	simm.s32 @!p0 $0x0  }
0x12: {  	s1 =	sld [smem:$0x3F99];
	s0 =	simm.s32 @p0 $0x1  }
0x13: {  	[smem:$0x3FB4] =	sst s0;
	s0 =	simm.s32 @!p1 $0x0  }
0x14: {  	s2 =	sld [smem:$0x3F98];
	s0 =	simm.s32 @p1 $0x1  }
0x15: {  	[smem:$0x3FB5] =	sst s0;
	s0 =	simm.s32 @!p2 $0x0  }
0x16: {  	s3 =	sld [smem:$0x3FDB];
	s0 =	simm.s32 @p2 $0x1  }
0x17: {  	s4 =	simm.s32 $0x1BF5;
	[smem:$0x3FB7] =	sst s0  }
0x18: {  	s0 =	sld [smem:$0x3F9A];
	_ =	swait.ge [sflag:s4], $0x0  }
0x19: {  	s7 =	sld [smem:$0x3F9B]  }
0x1a: {  	s8 =	sadd.s32 $0xFFFFE003, lr  }
0x1b: {  	s9 =	sadd.s32 $0xFFFFFEF7, lr;
	s5 =	simm.s32 $0xFFFFFFFF;
	p2 =	slt.u32 s8, $0xFFFFF086  }
0x1c: {  	p1 =	slt.u32 s9, $0xF7A;
	s5 =	simm.s32 @!p2 $0x0  }
0x1d: {  	s5 =	simm.s32 @p1 $0x1;
	p0 =	seq.s32 s7, s2  }
0x1e: {  	s7 =	smul.u32 @!p0 $0xF7A, s2;
	p2 =	seq.s32 @!p0 s5, $0x0  }
0x1f: {  	s9 =	smul.u32 $0xF7A, s1;
	s8 =	simm.s32 @!p0 $0x1BF5;
	p2 =	por !p2, p0  }
0x20: {  	[sflag:s8] =	ssyncset.s32 @!p0 $0xFFFFF086;
	s6 =	sadd.s32 @!p0 s3, s7;
	s7 =	simm.s32 @!p0 $0x108  }
0x21: {  	s3 =	sadd.s32 s3, s9;
	s6 =	sadd.s32 @!p0 $0x88, s6;
	s7 =	simm.s32 @p2 $0x1082  }
0x22: {  	[simem:s7], [sflag:s8] =	dma.local @!p0 [hbm:s6], $0xF7A  }
0x23: {  	s9 =	sor.u32 $0xD0000000, s2;
	s6 =	simm.s32 $0x108;
	_ =	swait.ge @!p0 [sflag:s8], $0x0  }
0x24: {  	s3 =	sadd.s32 $0x88, s3;
	s6 =	simm.s32 @!p1 $0x1082;
	[sflag:s4] =	ssyncset.s32 $0xFFFFF086  }
0x25: {  	[simem:s6], [sflag:s4] =	dma.local [hbm:s3], $0xF7A  }
0x26: {  	[smem:$0x3F9B] =	sst s1;
	(tag) =	ssettag s2;
	_ =	strace s9  }
0x27: {  	s1 =	sld [smem:$0x3FAB]  }
0x28: {  	s2 =	sld [smem:$0x3FAC]  }
0x29: {  	s4 =	sld [smem:$0x3FAE]  }
0x2a: {  	p0 =	seq.s32 s5, $0x0;
	s5 =	sld [smem:$0x3FAF]  }
0x2b: {  	s6 =	sld [smem:$0x3FB0]  }
0x2c: {  	s7 =	sld [smem:$0x3FB1]  }
0x2d: {  	s3 =	simm.s32 $0x108;
	s8 =	sld [smem:$0x3FB2]  }
0x2e: {  	s3 =	simm.s32 @!p0 $0x1082;
	s9 =	sld [smem:$0x3FB3]  }
0x2f: {  	lr =	sadd.s32 s0, s3;
	s0 =	sld [smem:$0x3FAA]  }
0x30: {  	s3 =	sld [smem:$0x3FAD]  }
0x31: {  	[smem:$0x3FB6] =	sst s10  }
0x32: {  	s10 =	sld [smem:$0x3FB4];
	_ =	sdelay $0x3  }
0x33: {  	p0 =	seq.s32 s10, $0x1;
	s10 =	sld [smem:$0x3FB6];
	_ =	sdelay $0x3  }
0x34: {  	[smem:$0x3FB6] =	sst s10  }
0x35: {  	s10 =	sld [smem:$0x3FB5];
	_ =	sdelay $0x3  }
0x36: {  	p1 =	seq.s32 s10, $0x1;
	s10 =	sld [smem:$0x3FB6];
	_ =	sdelay $0x3  }
0x37: {  	[smem:$0x3FB6] =	sst s10  }
0x38: {  	s10 =	sld [smem:$0x3FB7]  }
0x39: {  	_ = 	snop;
	(pc) =	sbr.ind lr, $3  }
0x3a: {  	_ = 	snop  }
0x3b: {  	_ = 	snop  }
0x3c: {  	p2 =	seq.s32 s10, $0x1;
	s10 =	sld [smem:$0x3FB6]  }
0x3d: {  	_ =	shalt  }
0x3e: {  	_ =	shalt  }
0x3f: {  	_ =	shalt  }
0x40: {  	_ =	shalt  }
0x41: {  	_ =	shalt  }
0x42: {  	_ =	shalt  }
0x43: {  	_ =	shalt  }
0x44: {  	_ =	shalt  }
0x45: {  	_ =	shalt  }
0x46: {  	_ =	shalt  }
0x47: {  	_ =	shalt  }
0x48: {  	_ =	shalt  }
0x49: {  	_ =	shalt  }
0x4a: {  	_ =	shalt  }
0x4b: {  	_ =	shalt  }
0x4c: {  	_ =	shalt  }
0x4d: {  	_ =	shalt  }
0x4e: {  	_ =	shalt  }
0x4f: {  	_ =	shalt  }
0x50: {  	_ =	shalt  }
0x51: {  	_ =	shalt  }
0x52: {  	_ =	shalt  }
0x53: {  	_ =	shalt  }
0x54: {  	_ =	shalt  }
0x55: {  	_ =	shalt  }
0x56: {  	_ =	shalt  }
0x57: {  	_ =	shalt  }
0x58: {  	_ =	shalt  }
0x59: {  	_ =	shalt  }
0x5a: {  	_ =	shalt  }
0x5b: {  	_ =	shalt  }
0x5c: {  	_ =	shalt  }
0x5d: {  	_ =	shalt  }
0x5e: {  	_ =	shalt  }
0x5f: {  	_ =	shalt  }
0x60: {  	_ =	shalt  }
0x61: {  	_ =	shalt  }
0x62: {  	_ =	shalt  }
0x63: {  	_ =	shalt  }
0x64: {  	_ =	shalt  }
0x65: {  	_ =	shalt  }
0x66: {  	_ =	shalt  }
0x67: {  	_ =	shalt  }
0x68: {  	_ =	shalt  }
0x69: {  	_ =	shalt  }
0x6a: {  	_ =	shalt  }
0x6b: {  	_ =	shalt  }
0x6c: {  	_ =	shalt  }
0x6d: {  	_ =	shalt  }
0x6e: {  	_ =	shalt  }
0x6f: {  	_ =	shalt  }
0x70: {  	_ =	shalt  }
0x71: {  	_ =	shalt  }
0x72: {  	_ =	shalt  }
0x73: {  	_ =	shalt  }
0x74: {  	_ =	shalt  }
0x75: {  	_ =	shalt  }
0x76: {  	_ =	shalt  }
0x77: {  	_ =	shalt  }
0x78: {  	_ =	shalt  }
0x79: {  	_ =	shalt  }
0x7a: {  	_ =	shalt  }
0x7b: {  	_ =	shalt  }
0x7c: {  	_ =	shalt  }
0x7d: {  	_ =	shalt  }
0x7e: {  	_ =	shalt  }
0x7f: {  	_ =	shalt  }
0x80: {  	_ =	shalt  }
0x81: {  	_ =	shalt  }
0x82: {  	_ =	shalt  }
0x83: {  	_ =	shalt  }
0x84: {  	_ =	shalt  }
0x85: {  	_ =	shalt  }
0x86: {  	_ =	shalt  }
0x87: {  	_ =	shalt  }
.Lfunc_end0:
.L_simem_size_0:
called_computation.1_lowered:
.L_overlay_start_0:
0x88: {  	s2 =	sld [smem:$0x3FD9]  }
0x89: {  	s3 =	sld [smem:$0x3FFE];
	_ =	sdelay $0x1  }
0x8a: {  	s1 =	srdreg.scid  }
0x8b: {  	s0 =	sand.u32 $0x1, s1  }
0x8c: {  	s16 =	sshll.u32 s0, $0xA;
	s2 =	sadd.s32 s3, s2  }
0x8d: {  	s2 =	sadd.s32 s2, s16  }
0x8e: {  	[smem:$0x3FC2] =	sst s2  }
0x8f: {  	_ = 	snop  }
0x90: {  	(tm) =	ssettm $0x1  }
0x91: {  	s17 =	sld [smem:$0x3FFB];
	_ =	sdelay $0x3  }
0x92: {  	_ =	strace s17  }
0x93: {  	s2 =	sld [smem:$0x3FFC];
	_ =	sdelay $0x3  }
0x94: {  	_ =	strace s2  }
0x95: {  	s2 =	sld [smem:$0x3FFD];
	_ =	sdelay $0x3  }
0x96: {  	_ =	strace s2  }
0x97: {  	_ =	strace $0x8FFFFFFF  }
0x98: {  	s18 =	sld [smem:$0x3FDB];
	_ =	sdelay $0x1  }
0x99: {  	s19 =	simm.s32 $_scs_section_size  }
0x9a: {  	s4 =	simm.s32 $_size__tile_overlayer_lowered;
	s5 =	simm.s32 $_tile_overlayer_lowered  }
0x9b: {  	s22 =	simm.s32 $0x1BFF;
	s21 =	sshll.u32 s5, $0x1;
	s2 =	sadd.s32 s19, s18  }
0x9c: {  	s6 =	simm.s32 $0x0;
	s20 =	sshll.u32 s4, $0x1;
	s4 =	sadd.s32 s21, s2  }
0x9d: {  	[timem:s6], [sflag:s22] =	dma.local [hbm:s4], s20  }
0x9e: {  	_ =	swait.ge [sflag:s22], s20  }
0x9f: {  	s3 =	ssub.s32 $0x0, s20;
	[sflag:s22] =	ssyncset.done $0x0  }
0xa0: {  	[sflag:s22] =	ssyncadd.s32 s3;
	_ =	sdelay $0x1  }
0xa1: {  	s23 =	simm.s32 $0x1B8B  }
0xa2: {  	_ =	swait.ge [sflag:s23], $0x1  }
0xa3: {  	[sflag:s23] =	ssyncset.done $0x0  }
0xa4: {  	s25 =	simm.s32 $0x1B8E;
	s24 =	sld [smem:$0x3FFE];
	[sflag:s23] =	ssyncadd.s32 $0xFFFFFFFF  }
0xa5: {  	s26 =	simm.s32 $execute0_lowered;
	[smem:$0x3FD2] =	sst s25  }
0xa6: {  	s4 =	sshll.u32 s26, $0x1;
	_ =	strace $0x80000049;
	[dreg:$0x1] =	wrdreg $0xFFFFFFFF  }
0xa7: {  	s28 =	simm.s32 $_size_execute0_lowered;
	s2 =	sadd.s32 s2, s4;
	[dreg:$0x0] =	wrdreg $0x0  }
0xa8: {  	s4 =	sshll.u32 s28, $0x1;
	[dreg:$0x2] =	wrdreg s2  }
0xa9: {  	[dreg:$0x3] =	wrdreg s4  }
0xaa: {  	[dreg:$0x4] =	wrdreg $0xC0  }
0xab: {  	_ =	task [dreg:s6], $0x5FFFF  }
0xac: {  	[dreg:$0x1] =	wrdreg $0xFFFFFFFF  }
0xad: {  	[dreg:$0x0] =	wrdreg $0x60  }
0xae: {  	[dreg:$0x2] =	wrdreg s24  }
0xaf: {  	[dreg:$0x3] =	wrdreg $0x28000  }
0xb0: {  	[dreg:$0x4] =	wrdreg $0x0  }
0xb1: {  	[dreg:$0x5] =	wrdreg $0x9  }
0xb2: {  	_ =	task.clear_ibuf [dreg:s6], $0x6FFFF;
	_ =	strace $0x90000049  }
0xb3: {  	s29 =	simm.s32 $0x9;
	_ =	strace $0x8000004B  }
0xb4: {  	_ =	swait.ge [sflag:s29], $0x1  }
0xb5: {  	[sflag:s29] =	ssyncadd.s32 $0xFFFFFFFF  }
0xb6: {  	_ =	strace $0x9000004B  }
0xb7: {  	_ =	sfence  }
0xb8: {  	s30 =	sld [smem:$0x0];
	_ =	sdelay $0x2  }
0xb9: {  	s31 =	sshll.u32 s1, $0xD;
	s1 =	sshrl.u32 s1, $0x2  }
0xba: {  	s3 =	sand.u32 $0x4000, s31;
	s1 =	sadd.s32 s1, s30  }
0xbb: {  	s0 =	sor.u32 s3, s0;
	s1 =	sshll.u32 s1, $0x11  }
0xbc: {  	s0 =	sor.u32 s1, s0  }
0xbd: {  	s0 =	sadd.s32 $0x8F2B, s0  }
0xbe: {  	[sflag:s0] =	ssyncadd.remote.s32 $0x1  }
0xbf: {  	_ =	sfence.sel $0xFFFF  }
0xc0: {  	[dreg:$0x0] =	wrdreg $0xFFFFFFFF;
	(pc) =	sbr.abs _section_cstart, $3  }
0xc1: {  	[dreg:$0x1] =	wrdreg $0xFFFFFFFF  }
0xc2: {  	_ =	task.clear_ibuf [dreg:s6], $0x2FFFF;
	_ =	strace $0x9FFFFFFF  }
0xc3: {  	(tm) =	ssettm $0x7FFFFFFF  }
tec
execute0_lowered:
.L_overlay_start_1:
0x0: {  	(tag) =	ssettag $0x1  }
0x1: {  	s0 =	rddreg [dreg:$0x0]  }
0x2: {  	s2 =	rddreg [dreg:$0x1];
	s15 =	stileid.u32  }
0x3: {  	s3 =	rddreg [dreg:$0x2];
	s4 =	simm.s32 $0x0;
	s6 =	srdreg.scid  }
0x4: {  	s17 =	simm.s32 $0x3;
	s18 =	simm.s32 $0x4F10;
	s20 =	simm.s32 $0x7620  }
0x5: {  	s21 =	simm.s32 $0x200;
	s22 =	simm.s32 $0x9D30;
	s28 =	simm.s32 $0xDD30  }
0x6: {  	s29 =	simm.s32 $0x1;
	s31 =	simm.s32 $0xFD30;
	s30 =	simm.s32 $0x110  }
0x7: {  	s23 =	simm.s32 $0x0;
	s1 =	smul.u32 $0x2780, s15;
	[smem:$0x7FF] =	sst s4  }
0x8: {  	s6 =	sand.u32 $0x1, s6;
	s9 =	sshll.u32 s15, $0x1;
	s11 =	sadd.s32 $0x2800, s0  }
0x9: {  	s25 =	smul.u32 $0x2800, s15;
	s14 =	sadd.s32 $0x25080, s2;
	p0 =	seq.s32 s15, $0xF  }
0xa: {  	_ =	strace $0x8000004A;
	s7 =	smul.u32 $0x5000, s6;
	s8 =	ssub.s32 $0x2, s6  }
0xb: {  	s6 =	sor.u32 s6, s9;
	s15 =	sshll.u32 @!p0 s15, $0x6;
	s5 =	sshrl.u32 s1, $0x3  }
0xc: {  	s10 =	sshrl.u32 s8, $0x1;
	s24 =	smul.u32 $0x2710, s6;
	s1 =	sadd.s32 s1, s2  }
0xd: {  	s6 =	sadd.s32 $0x1AC10, s0;
	s5 =	sadd.s32 s5, s0;
	s12 =	sadd.s32 s7, s0  }
0xe: {  	s13 =	ssub.s32 s8, s10;
	s7 =	sadd.s32 s25, s3;
	s10 =	sadd.s32 $0xC440, s0  }
0xf: {  	s0 =	simm.s32 $0x14530;
	s5 =	sadd.s32 $0x16200, s5;
	s16 =	sshrl.u32 s24, $0x3  }
0x10: {  	s26 =	sadd.s32 $0x1B200, s12;
	s12 =	smax.u32 s13, $0x1;
	s13 =	sshrl.u32 @p0 s14, $0x3  }
0x11: {  	s14 =	sor.u32 @!p0 $0x1C03, s15;
	s15 =	sshrl.u32 @!p0 s1, $0x3;
	s1 =	simm.s32 $0x14640  }
0x12: {  	[dreg:$0x4] =	wrdreg s5;
	s8 =	sadd.s32 s11, s16;
	s9 =	sadd.s32 $0x4C0, s16  }
0x13: {  	s5 =	sshrl.u32 s25, $0x3;
	s19 =	sadd.s32 s16, s10;
	s25 =	simm.s32 $0xBD30  }
0x14: {  	v0 =	vimm.f32 $0.0e+00;
	s16 =	simm.s32 $0x2;
	s11 =	sadd.s32 s11, s9;
	s24 =	sadd.s32 s5, s26  }
.LBB2_1:
0x15: {  	s5 =	simm.s32 @p0 $0x1FC3  }
0x16: {  	[spmem:s13], [sflag:s5] =	dma.local @p0 [hbm:s6], $0x410  }
0x17: {  	s5 =	simm.s32 @p0 $0x3  }
0x18: {  	_ =	swait.ge @p0 [sflag:s5], $0x410  }
0x19: {  	[sflag:s5] =	ssyncset.done @p0 $0x0  }
0x1a: {  	[sflag:s5] =	ssyncadd.s32 @p0 $0xFFFFFBF0;
	s5 =	rddreg [dreg:$0x4]  }
0x1b: {  	[spmem:s15], [sflag:s14] =	dma.local @!p0 [hbm:s5], $0x4F0  }
0x1c: {  	s5 =	simm.s32 @!p0 $0x3  }
0x1d: {  	_ =	swait.ge @!p0 [sflag:s5], $0x4F0  }
0x1e: {  	[sflag:s5] =	ssyncset.done @!p0 $0x0  }
0x1f: {  	s26 =	simm.s32 $0x40;
	[sflag:s5] =	ssyncadd.s32 @!p0 $0xFFFFFB10;
	s5 =	simm.s32 $0x0  }
.LBB2_2:
0x20: {  	p1 =	sne.s32 s26, $0x9FC0;
	[tilespmem:s5+$0x11D30] =	vst v0;
	s5 =	smov.u32 s26;
	s26 =	sadd.s32 $0x40, s26  }
.Ltmp0:
0x21: {  	(pc) =	sbr.rel @p1 .LBB2_2-.Ltmp0, $2  }
0x22: {  	_ =	sdelay $0x2  }
0x23: {  	s5 =	sshra.s32 s5, $0x2  }
0x24: {  	[tilespmem:s5+$0x11D30] =	vst v0;
	s26 =	simm.s32 $0x11D30  }
0x25: {  	[spmem:s7] =	stream.linear.scatter [tilespmem:s26], [sflag:$0x3], $0x2800, $0x38;
	[tilespmem:$0x15740] =	vst v63  }
0x26: {  	_ =	swait.ge [sflag:s17], $0x2800  }
0x27: {  	[sflag:s17] =	ssyncset.done $0x0  }
0x28: {  	[sflag:s17] =	ssyncadd.s32 $0xFFFFD800  }
0x29: {  	[tilespmem:s18], [sflag:$0x3] =	stream.linear.gather [hbm4b:s8+s4], $0x2710, $0x38;
	[tilespmem:$0x15740] =	vst v63  }
0x2a: {  	_ =	swait.ge [sflag:s17], $0x2710  }
0x2b: {  	[sflag:s17] =	ssyncset.done $0x0  }
0x2c: {  	[sflag:s17] =	ssyncadd.s32 $0xFFFFD8F0  }
0x2d: {  	[tilespmem:s20], [sflag:$0x3] =	stream.linear.gather [hbm4b:s19+s4], $0x2710, $0x38;
	[tilespmem:$0x15740] =	vst v63  }
0x2e: {  	_ =	swait.ge [sflag:s17], $0x2710  }
0x2f: {  	[sflag:s17] =	ssyncset.done $0x0  }
0x30: {  	[sflag:s17] =	ssyncadd.s32 $0xFFFFD8F0  }
0x31: {  	[bflag:$0x0] =	sbarrier.arrive $0xFFFF  }
0x32: {  	[tilespmem:s22], [sflag:$0x1] =	stream.indirect.gather [spmem:s2], $0x10, s18, s21, $0xb8;
	[tilespmem:$0x15740] =	vst v63  }
0x33: {  	s26 =	simm.s32 $0x5110  }
0x34: {  	[tilespmem:s25], [sflag:$0x1] =	stream.indirect.gather [spmem:s2], $0x10, s26, s21, $0xb8;
	[tilespmem:$0x15740] =	vst v63  }
0x35: {  	s26 =	simm.s32 $0x5310  }
0x36: {  	[tilespmem:s28], [sflag:$0x1] =	stream.indirect.gather [spmem:s2], $0x10, s26, s21, $0xb8;
	[tilespmem:$0x15740] =	vst v63  }
0x37: {  	_ =	swait.ge [sflag:s29], $0x2000  }
0x38: {  	[sflag:s29] =	ssyncset.done $0x0  }
0x39: {  	[sflag:s29] =	ssyncadd.s32 $0xFFFFE000  }
0x3a: {  	[spmem:s3] =	stream.indirect.scatter.add.f32 [tilespmem:s22], [sflag:$0x2], $0x10, s20, s21, $0xb8;
	[tilespmem:$0x15740] =	vst v63  }
0x3b: {  	s26 =	simm.s32 $0x5510  }
0x3c: {  	[tilespmem:s31], [sflag:$0x1] =	stream.indirect.gather [spmem:s2], $0x10, s26, s21, $0xb8;
	[tilespmem:$0x15740] =	vst v63  }
0x3d: {  	_ =	swait.ge [sflag:s29], $0x2000  }
0x3e: {  	[sflag:s29] =	ssyncset.done $0x0  }
0x3f: {  	s26 =	simm.s32 $0x7820;
	[sflag:s29] =	ssyncadd.s32 $0xFFFFE000  }
0x40: {  	[spmem:s3] =	stream.indirect.scatter.add.f32 [tilespmem:s25], [sflag:$0x2], $0x10, s26, s21, $0xb8;
	[tilespmem:$0x15740] =	vst v63  }
0x41: {  	_ =	swait.ge [sflag:s16], $0x2000  }
0x42: {  	[sflag:s16] =	ssyncset.done $0x0  }
0x43: {  	s26 =	simm.s32 $0x5710;
	[sflag:s16] =	ssyncadd.s32 $0xFFFFE000  }
0x44: {  	[tilespmem:s22], [sflag:$0x1] =	stream.indirect.gather [spmem:s2], $0x10, s26, s21, $0xb8;
	[tilespmem:$0x15740] =	vst v63  }
0x45: {  	_ =	swait.ge [sflag:s29], $0x2000  }
0x46: {  	[sflag:s29] =	ssyncset.done $0x0  }
0x47: {  	s26 =	simm.s32 $0x7A20;
	[sflag:s29] =	ssyncadd.s32 $0xFFFFE000  }
0x48: {  	[spmem:s3] =	stream.indirect.scatter.add.f32 [tilespmem:s28], [sflag:$0x2], $0x10, s26, s21, $0xb8;
	[tilespmem:$0x15740] =	vst v63  }
0x49: {  	_ =	swait.ge [sflag:s16], $0x2000  }
0x4a: {  	[sflag:s16] =	ssyncset.done $0x0  }
0x4b: {  	s26 =	simm.s32 $0x5910;
	[sflag:s16] =	ssyncadd.s32 $0xFFFFE000  }
0x4c: {  	[tilespmem:s25], [sflag:$0x1] =	stream.indirect.gather [spmem:s2], $0x10, s26, s21, $0xb8;
	[tilespmem:$0x15740] =	vst v63  }
0x4d: {  	_ =	swait.ge [sflag:s29], $0x2000  }
0x4e: {  	[sflag:s29] =	ssyncset.done $0x0  }
0x4f: {  	s26 =	simm.s32 $0x7C20;
	[sflag:s29] =	ssyncadd.s32 $0xFFFFE000  }
0x50: {  	[spmem:s3] =	stream.indirect.scatter.add.f32 [tilespmem:s31], [sflag:$0x2], $0x10, s26, s21, $0xb8;
	[tilespmem:$0x15740] =	vst v63  }
0x51: {  	_ =	swait.ge [sflag:s16], $0x2000  }
0x52: {  	[sflag:s16] =	ssyncset.done $0x0  }
0x53: {  	s26 =	simm.s32 $0x5B10;
	[sflag:s16] =	ssyncadd.s32 $0xFFFFE000  }
0x54: {  	[tilespmem:s28], [sflag:$0x1] =	stream.indirect.gather [spmem:s2], $0x10, s26, s21, $0xb8;
	[tilespmem:$0x15740] =	vst v63  }
0x55: {  	_ =	swait.ge [sflag:s29], $0x2000  }
0x56: {  	[sflag:s29] =	ssyncset.done $0x0  }
0x57: {  	s26 =	simm.s32 $0x7E20;
	[sflag:s29] =	ssyncadd.s32 $0xFFFFE000  }
0x58: {  	[spmem:s3] =	stream.indirect.scatter.add.f32 [tilespmem:s22], [sflag:$0x2], $0x10, s26, s21, $0xb8;
	[tilespmem:$0x15740] =	vst v63  }
0x59: {  	_ =	swait.ge [sflag:s16], $0x2000  }
0x5a: {  	[sflag:s16] =	ssyncset.done $0x0  }
0x5b: {  	s26 =	simm.s32 $0x5D10;
	[sflag:s16] =	ssyncadd.s32 $0xFFFFE000  }
0x5c: {  	[tilespmem:s31], [sflag:$0x1] =	stream.indirect.gather [spmem:s2], $0x10, s26, s21, $0xb8;
	[tilespmem:$0x15740] =	vst v63  }
0x5d: {  	_ =	swait.ge [sflag:s29], $0x2000  }
0x5e: {  	[sflag:s29] =	ssyncset.done $0x0  }
0x5f: {  	s26 =	simm.s32 $0x8020;
	[sflag:s29] =	ssyncadd.s32 $0xFFFFE000  }
0x60: {  	[spmem:s3] =	stream.indirect.scatter.add.f32 [tilespmem:s25], [sflag:$0x2], $0x10, s26, s21, $0xb8;
	[tilespmem:$0x15740] =	vst v63  }
0x61: {  	_ =	swait.ge [sflag:s16], $0x2000  }
0x62: {  	[sflag:s16] =	ssyncset.done $0x0  }
0x63: {  	s26 =	simm.s32 $0x5F10;
	[sflag:s16] =	ssyncadd.s32 $0xFFFFE000  }
0x64: {  	[tilespmem:s22], [sflag:$0x1] =	stream.indirect.gather [spmem:s2], $0x10, s26, s21, $0xb8;
	[tilespmem:$0x15740] =	vst v63  }
0x65: {  	_ =	swait.ge [sflag:s29], $0x2000  }
0x66: {  	[sflag:s29] =	ssyncset.done $0x0  }
0x67: {  	s26 =	simm.s32 $0x8220;
	[sflag:s29] =	ssyncadd.s32 $0xFFFFE000  }
0x68: {  	[spmem:s3] =	stream.indirect.scatter.add.f32 [tilespmem:s28], [sflag:$0x2], $0x10, s26, s21, $0xb8;
	[tilespmem:$0x15740] =	vst v63  }
0x69: {  	_ =	swait.ge [sflag:s16], $0x2000  }
0x6a: {  	[sflag:s16] =	ssyncset.done $0x0  }
0x6b: {  	s26 =	simm.s32 $0x6110;
	[sflag:s16] =	ssyncadd.s32 $0xFFFFE000  }
0x6c: {  	[tilespmem:s25], [sflag:$0x1] =	stream.indirect.gather [spmem:s2], $0x10, s26, s21, $0xb8;
	[tilespmem:$0x15740] =	vst v63  }
0x6d: {  	_ =	swait.ge [sflag:s29], $0x2000  }
0x6e: {  	[sflag:s29] =	ssyncset.done $0x0  }
0x6f: {  	s26 =	simm.s32 $0x8420;
	[sflag:s29] =	ssyncadd.s32 $0xFFFFE000  }
0x70: {  	[spmem:s3] =	stream.indirect.scatter.add.f32 [tilespmem:s31], [sflag:$0x2], $0x10, s26, s21, $0xb8;
	[tilespmem:$0x15740] =	vst v63  }
0x71: {  	_ =	swait.ge [sflag:s16], $0x2000  }
0x72: {  	[sflag:s16] =	ssyncset.done $0x0  }
0x73: {  	s26 =	simm.s32 $0x6310;
	[sflag:s16] =	ssyncadd.s32 $0xFFFFE000  }
0x74: {  	[tilespmem:s28], [sflag:$0x1] =	stream.indirect.gather [spmem:s2], $0x10, s26, s21, $0xb8;
	[tilespmem:$0x15740] =	vst v63  }
0x75: {  	_ =	swait.ge [sflag:s29], $0x2000  }
0x76: {  	[sflag:s29] =	ssyncset.done $0x0  }
0x77: {  	s26 =	simm.s32 $0x8620;
	[sflag:s29] =	ssyncadd.s32 $0xFFFFE000  }
0x78: {  	[spmem:s3] =	stream.indirect.scatter.add.f32 [tilespmem:s22], [sflag:$0x2], $0x10, s26, s21, $0xb8;
	[tilespmem:$0x15740] =	vst v63  }
0x79: {  	_ =	swait.ge [sflag:s16], $0x2000  }
0x7a: {  	[sflag:s16] =	ssyncset.done $0x0  }
0x7b: {  	s26 =	simm.s32 $0x6510;
	[sflag:s16] =	ssyncadd.s32 $0xFFFFE000  }
0x7c: {  	[tilespmem:s31], [sflag:$0x1] =	stream.indirect.gather [spmem:s2], $0x10, s26, s21, $0xb8;
	[tilespmem:$0x15740] =	vst v63  }
0x7d: {  	_ =	swait.ge [sflag:s29], $0x2000  }
0x7e: {  	[sflag:s29] =	ssyncset.done $0x0  }
0x7f: {  	s26 =	simm.s32 $0x8820;
	[sflag:s29] =	ssyncadd.s32 $0xFFFFE000  }
0x80: {  	[spmem:s3] =	stream.indirect.scatter.add.f32 [tilespmem:s25], [sflag:$0x2], $0x10, s26, s21, $0xb8;
	[tilespmem:$0x15740] =	vst v63  }
0x81: {  	_ =	swait.ge [sflag:s16], $0x2000  }
0x82: {  	[sflag:s16] =	ssyncset.done $0x0  }
0x83: {  	s26 =	simm.s32 $0x6710;
	[sflag:s16] =	ssyncadd.s32 $0xFFFFE000  }
0x84: {  	[tilespmem:s22], [sflag:$0x1] =	stream.indirect.gather [spmem:s2], $0x10, s26, s21, $0xb8;
	[tilespmem:$0x15740] =	vst v63  }
0x85: {  	_ =	swait.ge [sflag:s29], $0x2000  }
0x86: {  	[sflag:s29] =	ssyncset.done $0x0  }
0x87: {  	s26 =	simm.s32 $0x8A20;
	[sflag:s29] =	ssyncadd.s32 $0xFFFFE000  }
0x88: {  	[spmem:s3] =	stream.indirect.scatter.add.f32 [tilespmem:s28], [sflag:$0x2], $0x10, s26, s21, $0xb8;
	[tilespmem:$0x15740] =	vst v63  }
0x89: {  	_ =	swait.ge [sflag:s16], $0x2000  }
0x8a: {  	[sflag:s16] =	ssyncset.done $0x0  }
0x8b: {  	s26 =	simm.s32 $0x6910;
	[sflag:s16] =	ssyncadd.s32 $0xFFFFE000  }
0x8c: {  	[tilespmem:s25], [sflag:$0x1] =	stream.indirect.gather [spmem:s2], $0x10, s26, s21, $0xb8;
	[tilespmem:$0x15740] =	vst v63  }
0x8d: {  	_ =	swait.ge [sflag:s29], $0x2000  }
0x8e: {  	[sflag:s29] =	ssyncset.done $0x0  }
0x8f: {  	s26 =	simm.s32 $0x8C20;
	[sflag:s29] =	ssyncadd.s32 $0xFFFFE000  }
0x90: {  	[spmem:s3] =	stream.indirect.scatter.add.f32 [tilespmem:s31], [sflag:$0x2], $0x10, s26, s21, $0xb8;
	[tilespmem:$0x15740] =	vst v63  }
0x91: {  	_ =	swait.ge [sflag:s16], $0x2000  }
0x92: {  	[sflag:s16] =	ssyncset.done $0x0  }
0x93: {  	s26 =	simm.s32 $0x6B10;
	[sflag:s16] =	ssyncadd.s32 $0xFFFFE000  }
0x94: {  	[tilespmem:s28], [sflag:$0x1] =	stream.indirect.gather [spmem:s2], $0x10, s26, s21, $0xb8;
	[tilespmem:$0x15740] =	vst v63  }
0x95: {  	_ =	swait.ge [sflag:s29], $0x2000  }
0x96: {  	[sflag:s29] =	ssyncset.done $0x0  }
0x97: {  	s26 =	simm.s32 $0x8E20;
	[sflag:s29] =	ssyncadd.s32 $0xFFFFE000  }
0x98: {  	[spmem:s3] =	stream.indirect.scatter.add.f32 [tilespmem:s22], [sflag:$0x2], $0x10, s26, s21, $0xb8;
	[tilespmem:$0x15740] =	vst v63  }
0x99: {  	_ =	swait.ge [sflag:s16], $0x2000  }
0x9a: {  	[sflag:s16] =	ssyncset.done $0x0  }
0x9b: {  	s26 =	simm.s32 $0x6D10;
	[sflag:s16] =	ssyncadd.s32 $0xFFFFE000  }
0x9c: {  	[tilespmem:s31], [sflag:$0x1] =	stream.indirect.gather [spmem:s2], $0x10, s26, s21, $0xb8;
	[tilespmem:$0x15740] =	vst v63  }
0x9d: {  	_ =	swait.ge [sflag:s29], $0x2000  }
0x9e: {  	[sflag:s29] =	ssyncset.done $0x0  }
0x9f: {  	s26 =	simm.s32 $0x9020;
	[sflag:s29] =	ssyncadd.s32 $0xFFFFE000  }
0xa0: {  	[spmem:s3] =	stream.indirect.scatter.add.f32 [tilespmem:s25], [sflag:$0x2], $0x10, s26, s21, $0xb8;
	[tilespmem:$0x15740] =	vst v63  }
0xa1: {  	_ =	swait.ge [sflag:s16], $0x2000  }
0xa2: {  	[sflag:s16] =	ssyncset.done $0x0  }
0xa3: {  	s26 =	simm.s32 $0x6F10;
	[sflag:s16] =	ssyncadd.s32 $0xFFFFE000  }
0xa4: {  	[tilespmem:s22], [sflag:$0x1] =	stream.indirect.gather [spmem:s2], $0x10, s26, s21, $0xb8;
	[tilespmem:$0x15740] =	vst v63  }
0xa5: {  	_ =	swait.ge [sflag:s29], $0x2000  }
0xa6: {  	[sflag:s29] =	ssyncset.done $0x0  }
0xa7: {  	s26 =	simm.s32 $0x9220;
	[sflag:s29] =	ssyncadd.s32 $0xFFFFE000  }
0xa8: {  	[spmem:s3] =	stream.indirect.scatter.add.f32 [tilespmem:s28], [sflag:$0x2], $0x10, s26, s21, $0xb8;
	[tilespmem:$0x15740] =	vst v63  }
0xa9: {  	_ =	swait.ge [sflag:s16], $0x2000  }
0xaa: {  	[sflag:s16] =	ssyncset.done $0x0  }
0xab: {  	s26 =	simm.s32 $0x7110;
	[sflag:s16] =	ssyncadd.s32 $0xFFFFE000  }
0xac: {  	[tilespmem:s25], [sflag:$0x1] =	stream.indirect.gather [spmem:s2], $0x10, s26, s21, $0xb8;
	[tilespmem:$0x15740] =	vst v63  }
0xad: {  	_ =	swait.ge [sflag:s29], $0x2000  }
0xae: {  	[sflag:s29] =	ssyncset.done $0x0  }
0xaf: {  	s26 =	simm.s32 $0x9420;
	[sflag:s29] =	ssyncadd.s32 $0xFFFFE000  }
0xb0: {  	[spmem:s3] =	stream.indirect.scatter.add.f32 [tilespmem:s31], [sflag:$0x2], $0x10, s26, s21, $0xb8;
	[tilespmem:$0x15740] =	vst v63  }
0xb1: {  	_ =	swait.ge [sflag:s16], $0x2000  }
0xb2: {  	[sflag:s16] =	ssyncset.done $0x0  }
0xb3: {  	s26 =	simm.s32 $0x7310;
	[sflag:s16] =	ssyncadd.s32 $0xFFFFE000  }
0xb4: {  	[tilespmem:s28], [sflag:$0x1] =	stream.indirect.gather [spmem:s2], $0x10, s26, s21, $0xb8;
	[tilespmem:$0x15740] =	vst v63  }
0xb5: {  	_ =	swait.ge [sflag:s29], $0x2000  }
0xb6: {  	[sflag:s29] =	ssyncset.done $0x0  }
0xb7: {  	s26 =	simm.s32 $0x9620;
	[sflag:s29] =	ssyncadd.s32 $0xFFFFE000  }
0xb8: {  	[spmem:s3] =	stream.indirect.scatter.add.f32 [tilespmem:s22], [sflag:$0x2], $0x10, s26, s21, $0xb8;
	[tilespmem:$0x15740] =	vst v63  }
0xb9: {  	_ =	swait.ge [sflag:s16], $0x2000  }
0xba: {  	[sflag:s16] =	ssyncset.done $0x0  }
0xbb: {  	[sflag:s16] =	ssyncadd.s32 $0xFFFFE000  }
0xbc: {  	_ =	swait.ge [sflag:s29], $0x2000  }
0xbd: {  	[sflag:s29] =	ssyncset.done $0x0  }
0xbe: {  	s26 =	simm.s32 $0x9820;
	[sflag:s29] =	ssyncadd.s32 $0xFFFFE000  }
0xbf: {  	[spmem:s3] =	stream.indirect.scatter.add.f32 [tilespmem:s25], [sflag:$0x2], $0x10, s26, s21, $0xb8;
	[tilespmem:$0x15740] =	vst v63  }
0xc0: {  	_ =	swait.ge [sflag:s16], $0x2000  }
0xc1: {  	[sflag:s16] =	ssyncset.done $0x0  }
0xc2: {  	[sflag:s16] =	ssyncadd.s32 $0xFFFFE000  }
0xc3: {  	_ =	swait.ge [sflag:s29], $0x2000  }
0xc4: {  	[sflag:s29] =	ssyncset.done $0x0  }
0xc5: {  	s26 =	simm.s32 $0x9A20;
	[sflag:s29] =	ssyncadd.s32 $0xFFFFE000  }
0xc6: {  	[spmem:s3] =	stream.indirect.scatter.add.f32 [tilespmem:s28], [sflag:$0x2], $0x10, s26, s21, $0xb8;
	[tilespmem:$0x15740] =	vst v63  }
0xc7: {  	_ =	swait.ge [sflag:s16], $0x2000  }
0xc8: {  	[sflag:s16] =	ssyncset.done $0x0  }
0xc9: {  	[sflag:s16] =	ssyncadd.s32 $0xFFFFE000  }
0xca: {  	_ =	swait.ge [sflag:s16], $0x2000  }
0xcb: {  	[sflag:s16] =	ssyncset.done $0x0  }
0xcc: {  	[sflag:s16] =	ssyncadd.s32 $0xFFFFE000  }
0xcd: {  	[tilespmem:s0], [sflag:$0x3] =	stream.linear.gather [hbm4b:s11+s4], $0x110, $0x38;
	[tilespmem:$0x15740] =	vst v63  }
0xce: {  	_ =	swait.ge [sflag:s17], $0x110  }
0xcf: {  	[sflag:s17] =	ssyncset.done $0x0  }
0xd0: {  	[sflag:s17] =	ssyncadd.s32 $0xFFFFFEF0  }
0xd1: {  	[tilespmem:s1], [sflag:$0x1] =	stream.indirect.gather [spmem:s2], $0x10, s0, s30, $0xb8;
	[tilespmem:$0x15740] =	vst v63  }
0xd2: {  	_ =	swait.ge [sflag:s29], $0x1100  }
0xd3: {  	[sflag:s29] =	ssyncset.done $0x0  }
0xd4: {  	s26 =	sadd.s32 s9, s10;
	[sflag:s29] =	ssyncadd.s32 $0xFFFFEF00  }
0xd5: {  	[tilespmem:s0], [sflag:$0x3] =	stream.linear.gather [hbm4b:s26+s4], $0x110, $0x38;
	[tilespmem:$0x15740] =	vst v63  }
0xd6: {  	_ =	swait.ge [sflag:s17], $0x110  }
0xd7: {  	[sflag:s17] =	ssyncset.done $0x0  }
0xd8: {  	[sflag:s17] =	ssyncadd.s32 $0xFFFFFEF0  }
0xd9: {  	[spmem:s3] =	stream.indirect.scatter.add.f32 [tilespmem:s1], [sflag:$0x3], $0x10, s0, s30, $0xb8;
	[tilespmem:$0x15740] =	vst v63  }
0xda: {  	s23 =	sadd.s32 $0x1, s23;
	_ =	swait.ge [sflag:s17], $0x1100  }
0xdb: {  	p1 =	sne.s32 s23, s12;
	s26 =	stileid.u32;
	[sflag:s17] =	ssyncset.done $0x0  }
0xdc: {  	s5 =	sshll.u32 s26, $0x6;
	s26 =	sshrl.u32 s7, $0x3;
	[sflag:s17] =	ssyncadd.s32 $0xFFFFEF00  }
.Ltmp1:
0xdd: {  	s5 =	sor.u32 $0x1C03, s5;
	[bflag:$0x0] =	sbarrier.arrive $0xFFFF;
	(pc) =	sbr.rel @p1 .LBB2_1-.Ltmp1, $4  }
0xde: {  	[hbm:s24], [sflag:s5] =	dma.local [spmem:s26], $0x500  }
0xdf: {  	_ =	swait.ge [sflag:s17], $0x500  }
0xe0: {  	[sflag:s17] =	ssyncset.done $0x0  }
0xe1: {  	[sflag:s17] =	ssyncadd.s32 $0xFFFFFB00  }
0xe2: {  	_ =	sfence.sel $0x180000  }
0xe3: {  	[bflag:$0x0] =	sbarrier.arrive $0xFFFF  }
0xe4: {  	_ =	strace $0x9000004A  }
0xe5: {  	s0 =	stileid.u32;
	[bflag:$0x2] =	sbarrier.arrive $0xFFFF  }
0xe6: {  	p0 =	sne.s32 s0, $0x0;
	s0 =	rddreg [dreg:$0x3]  }
0xe7: {  	s0 =	sadd.s32 @!p0 $0x100000, s0  }
0xe8: {  	[sflag:s0] =	ssyncadd.tile.s32 @!p0 $0x1;
	_ =	shalt  }
.Lfunc_end2:
_tile_overlayer_lowered:
.L_overlay_start_2:
0xe9: {  	(tag) =	ssettag $0x2  }
0xea: {  	s0 =	rddreg [dreg:$0x0];
	s2 =	stileid.u32  }
0xeb: {  	s1 =	rddreg [dreg:$0x1];
	p0 =	sne.s32 s2, $0x0  }
0xec: {  	s3 =	rddreg [dreg:$0x2];
	[bflag:$0x3] =	sbarrier.arrive $0xFFFF;
	s2 =	simm.s32 @!p0 $0x1C03  }
0xed: {  	[timem:s3], [sflag:s2] =	dma.local @!p0 [hbm:s0], s1  }
0xee: {  	s0 =	simm.s32 @!p0 $0x3  }
0xef: {  	_ =	swait.ge @!p0 [sflag:s0], s1  }
0xf0: {  	s1 =	ssub.s32 @!p0 $0x0, s1;
	[sflag:s0] =	ssyncset.done @!p0 $0x0  }
0xf1: {  	[sflag:s0] =	ssyncadd.s32 @!p0 s1  }
0xf2: {  	[bflag:$0x3] =	sbarrier.arrive $0xFFFF  }
0xf3: {  	_ =	shalt  }

// kernel: kernel.14.cloned.1.call-start
scs
__scs_entry_jumppad:
0x0: {  	(pc) =	sbr.rel $0x88, $3  }
0x1: {  	(tag) =	ssettag $0x0;
	lr =	simm.s32 $0x1  }
0x2: {  	[smem:$0x3F9B] =	sst lr;
	_ =	strace $0xD0000000  }
0x3: {  	_ = 	snop  }
0x4: {  	_ = 	snop  }
0x5: {  	_ = 	snop  }
0x6: {  	_ = 	snop  }
0x7: {  	_ = 	snop  }
__scs_overlays_trampoline_lowered:
0x8: {  	[smem:$0x3FAA] =	sst s0  }
0x9: {  	[smem:$0x3FAB] =	sst s1  }
0xa: {  	[smem:$0x3FAC] =	sst s2  }
0xb: {  	[smem:$0x3FAD] =	sst s3  }
0xc: {  	[smem:$0x3FAE] =	sst s4  }
0xd: {  	[smem:$0x3FAF] =	sst s5  }
0xe: {  	[smem:$0x3FB0] =	sst s6  }
0xf: {  	[smem:$0x3FB1] =	sst s7  }
0x10: {  	[smem:$0x3FB2] =	sst s8  }
0x11: {  	[smem:$0x3FB3] =	sst s9;
	s0 =	simm.s32 @!p0 $0x0  }
0x12: {  	s1 =	sld [smem:$0x3F99];
	s0 =	simm.s32 @p0 $0x1  }
0x13: {  	[smem:$0x3FB4] =	sst s0;
	s0 =	simm.s32 @!p1 $0x0  }
0x14: {  	s2 =	sld [smem:$0x3F98];
	s0 =	simm.s32 @p1 $0x1  }
0x15: {  	[smem:$0x3FB5] =	sst s0;
	s0 =	simm.s32 @!p2 $0x0  }
0x16: {  	s3 =	sld [smem:$0x3FDB];
	s0 =	simm.s32 @p2 $0x1  }
0x17: {  	s4 =	simm.s32 $0x1BF5;
	[smem:$0x3FB7] =	sst s0  }
0x18: {  	s0 =	sld [smem:$0x3F9A];
	_ =	swait.ge [sflag:s4], $0x0  }
0x19: {  	s7 =	sld [smem:$0x3F9B]  }
0x1a: {  	s8 =	sadd.s32 $0xFFFFE003, lr  }
0x1b: {  	s9 =	sadd.s32 $0xFFFFFEF7, lr;
	s5 =	simm.s32 $0xFFFFFFFF;
	p2 =	slt.u32 s8, $0xFFFFF086  }
0x1c: {  	p1 =	slt.u32 s9, $0xF7A;
	s5 =	simm.s32 @!p2 $0x0  }
0x1d: {  	s5 =	simm.s32 @p1 $0x1;
	p0 =	seq.s32 s7, s2  }
0x1e: {  	s7 =	smul.u32 @!p0 $0xF7A, s2;
	p2 =	seq.s32 @!p0 s5, $0x0  }
0x1f: {  	s9 =	smul.u32 $0xF7A, s1;
	s8 =	simm.s32 @!p0 $0x1BF5;
	p2 =	por !p2, p0  }
0x20: {  	[sflag:s8] =	ssyncset.s32 @!p0 $0xFFFFF086;
	s6 =	sadd.s32 @!p0 s3, s7;
	s7 =	simm.s32 @!p0 $0x108  }
0x21: {  	s3 =	sadd.s32 s3, s9;
	s6 =	sadd.s32 @!p0 $0x88, s6;
	s7 =	simm.s32 @p2 $0x1082  }
0x22: {  	[simem:s7], [sflag:s8] =	dma.local @!p0 [hbm:s6], $0xF7A  }
0x23: {  	s9 =	sor.u32 $0xD0000000, s2;
	s6 =	simm.s32 $0x108;
	_ =	swait.ge @!p0 [sflag:s8], $0x0  }
0x24: {  	s3 =	sadd.s32 $0x88, s3;
	s6 =	simm.s32 @!p1 $0x1082;
	[sflag:s4] =	ssyncset.s32 $0xFFFFF086  }
0x25: {  	[simem:s6], [sflag:s4] =	dma.local [hbm:s3], $0xF7A  }
0x26: {  	[smem:$0x3F9B] =	sst s1;
	(tag) =	ssettag s2;
	_ =	strace s9  }
0x27: {  	s1 =	sld [smem:$0x3FAB]  }
0x28: {  	s2 =	sld [smem:$0x3FAC]  }
0x29: {  	s4 =	sld [smem:$0x3FAE]  }
0x2a: {  	p0 =	seq.s32 s5, $0x0;
	s5 =	sld [smem:$0x3FAF]  }
0x2b: {  	s6 =	sld [smem:$0x3FB0]  }
0x2c: {  	s7 =	sld [smem:$0x3FB1]  }
0x2d: {  	s3 =	simm.s32 $0x108;
	s8 =	sld [smem:$0x3FB2]  }
0x2e: {  	s3 =	simm.s32 @!p0 $0x1082;
	s9 =	sld [smem:$0x3FB3]  }
0x2f: {  	lr =	sadd.s32 s0, s3;
	s0 =	sld [smem:$0x3FAA]  }
0x30: {  	s3 =	sld [smem:$0x3FAD]  }
0x31: {  	[smem:$0x3FB6] =	sst s10  }
0x32: {  	s10 =	sld [smem:$0x3FB4];
	_ =	sdelay $0x3  }
0x33: {  	p0 =	seq.s32 s10, $0x1;
	s10 =	sld [smem:$0x3FB6];
	_ =	sdelay $0x3  }
0x34: {  	[smem:$0x3FB6] =	sst s10  }
0x35: {  	s10 =	sld [smem:$0x3FB5];
	_ =	sdelay $0x3  }
0x36: {  	p1 =	seq.s32 s10, $0x1;
	s10 =	sld [smem:$0x3FB6];
	_ =	sdelay $0x3  }
0x37: {  	[smem:$0x3FB6] =	sst s10  }
0x38: {  	s10 =	sld [smem:$0x3FB7]  }
0x39: {  	_ = 	snop;
	(pc) =	sbr.ind lr, $3  }
0x3a: {  	_ = 	snop  }
0x3b: {  	_ = 	snop  }
0x3c: {  	p2 =	seq.s32 s10, $0x1;
	s10 =	sld [smem:$0x3FB6]  }
0x3d: {  	_ =	shalt  }
0x3e: {  	_ =	shalt  }
0x3f: {  	_ =	shalt  }
0x40: {  	_ =	shalt  }
0x41: {  	_ =	shalt  }
0x42: {  	_ =	shalt  }
0x43: {  	_ =	shalt  }
0x44: {  	_ =	shalt  }
0x45: {  	_ =	shalt  }
0x46: {  	_ =	shalt  }
0x47: {  	_ =	shalt  }
0x48: {  	_ =	shalt  }
0x49: {  	_ =	shalt  }
0x4a: {  	_ =	shalt  }
0x4b: {  	_ =	shalt  }
0x4c: {  	_ =	shalt  }
0x4d: {  	_ =	shalt  }
0x4e: {  	_ =	shalt  }
0x4f: {  	_ =	shalt  }
0x50: {  	_ =	shalt  }
0x51: {  	_ =	shalt  }
0x52: {  	_ =	shalt  }
0x53: {  	_ =	shalt  }
0x54: {  	_ =	shalt  }
0x55: {  	_ =	shalt  }
0x56: {  	_ =	shalt  }
0x57: {  	_ =	shalt  }
0x58: {  	_ =	shalt  }
0x59: {  	_ =	shalt  }
0x5a: {  	_ =	shalt  }
0x5b: {  	_ =	shalt  }
0x5c: {  	_ =	shalt  }
0x5d: {  	_ =	shalt  }
0x5e: {  	_ =	shalt  }
0x5f: {  	_ =	shalt  }
0x60: {  	_ =	shalt  }
0x61: {  	_ =	shalt  }
0x62: {  	_ =	shalt  }
0x63: {  	_ =	shalt  }
0x64: {  	_ =	shalt  }
0x65: {  	_ =	shalt  }
0x66: {  	_ =	shalt  }
0x67: {  	_ =	shalt  }
0x68: {  	_ =	shalt  }
0x69: {  	_ =	shalt  }
0x6a: {  	_ =	shalt  }
0x6b: {  	_ =	shalt  }
0x6c: {  	_ =	shalt  }
0x6d: {  	_ =	shalt  }
0x6e: {  	_ =	shalt  }
0x6f: {  	_ =	shalt  }
0x70: {  	_ =	shalt  }
0x71: {  	_ =	shalt  }
0x72: {  	_ =	shalt  }
0x73: {  	_ =	shalt  }
0x74: {  	_ =	shalt  }
0x75: {  	_ =	shalt  }
0x76: {  	_ =	shalt  }
0x77: {  	_ =	shalt  }
0x78: {  	_ =	shalt  }
0x79: {  	_ =	shalt  }
0x7a: {  	_ =	shalt  }
0x7b: {  	_ =	shalt  }
0x7c: {  	_ =	shalt  }
0x7d: {  	_ =	shalt  }
0x7e: {  	_ =	shalt  }
0x7f: {  	_ =	shalt  }
0x80: {  	_ =	shalt  }
0x81: {  	_ =	shalt  }
0x82: {  	_ =	shalt  }
0x83: {  	_ =	shalt  }
0x84: {  	_ =	shalt  }
0x85: {  	_ =	shalt  }
0x86: {  	_ =	shalt  }
0x87: {  	_ =	shalt  }
.Lfunc_end0:
.L_simem_size_0:
called_computation.2_lowered:
.L_overlay_start_0:
0x88: {  	s2 =	sld [smem:$0x3FD9]  }
0x89: {  	s3 =	sld [smem:$0x3FFE];
	_ =	sdelay $0x1  }
0x8a: {  	s1 =	srdreg.scid  }
0x8b: {  	s0 =	sand.u32 $0x1, s1  }
0x8c: {  	s16 =	sshll.u32 s0, $0xA;
	s2 =	sadd.s32 s3, s2  }
0x8d: {  	s2 =	sadd.s32 s2, s16  }
0x8e: {  	[smem:$0x3FC2] =	sst s2  }
0x8f: {  	_ = 	snop  }
0x90: {  	(tm) =	ssettm $0x1  }
0x91: {  	s17 =	sld [smem:$0x3FFB];
	_ =	sdelay $0x3  }
0x92: {  	_ =	strace s17  }
0x93: {  	s2 =	sld [smem:$0x3FFC];
	_ =	sdelay $0x3  }
0x94: {  	_ =	strace s2  }
0x95: {  	s2 =	sld [smem:$0x3FFD];
	_ =	sdelay $0x3  }
0x96: {  	_ =	strace s2  }
0x97: {  	_ =	strace $0x8FFFFFFF  }
0x98: {  	s18 =	sld [smem:$0x3FDB];
	_ =	sdelay $0x1  }
0x99: {  	s19 =	simm.s32 $_scs_section_size  }
0x9a: {  	s4 =	simm.s32 $_size__tile_overlayer_lowered;
	s5 =	simm.s32 $_tile_overlayer_lowered  }
0x9b: {  	s22 =	simm.s32 $0x1BFF;
	s21 =	sshll.u32 s5, $0x1;
	s2 =	sadd.s32 s19, s18  }
0x9c: {  	s6 =	simm.s32 $0x0;
	s20 =	sshll.u32 s4, $0x1;
	s4 =	sadd.s32 s21, s2  }
0x9d: {  	[timem:s6], [sflag:s22] =	dma.local [hbm:s4], s20  }
0x9e: {  	_ =	swait.ge [sflag:s22], s20  }
0x9f: {  	s3 =	ssub.s32 $0x0, s20;
	[sflag:s22] =	ssyncset.done $0x0  }
0xa0: {  	[sflag:s22] =	ssyncadd.s32 s3;
	_ =	sdelay $0x1  }
0xa1: {  	s23 =	simm.s32 $0x1B8B  }
0xa2: {  	_ =	swait.ge [sflag:s23], $0x1  }
0xa3: {  	[sflag:s23] =	ssyncset.done $0x0  }
0xa4: {  	s25 =	simm.s32 $0x1B8E;
	s24 =	sld [smem:$0x3FFE];
	[sflag:s23] =	ssyncadd.s32 $0xFFFFFFFF  }
0xa5: {  	s26 =	simm.s32 $execute0_lowered;
	[smem:$0x3FD2] =	sst s25  }
0xa6: {  	s4 =	sshll.u32 s26, $0x1;
	_ =	strace $0x8000004C;
	[dreg:$0x1] =	wrdreg $0xFFFFFFFF  }
0xa7: {  	s28 =	simm.s32 $_size_execute0_lowered;
	s2 =	sadd.s32 s2, s4;
	[dreg:$0x0] =	wrdreg $0x0  }
0xa8: {  	s4 =	sshll.u32 s28, $0x1;
	[dreg:$0x2] =	wrdreg s2  }
0xa9: {  	[dreg:$0x3] =	wrdreg s4  }
0xaa: {  	[dreg:$0x4] =	wrdreg $0xC0  }
0xab: {  	_ =	task [dreg:s6], $0x5FFFF  }
0xac: {  	[dreg:$0x1] =	wrdreg $0xFFFFFFFF  }
0xad: {  	[dreg:$0x0] =	wrdreg $0x60  }
0xae: {  	[dreg:$0x2] =	wrdreg s24  }
0xaf: {  	[dreg:$0x3] =	wrdreg $0x28000  }
0xb0: {  	[dreg:$0x4] =	wrdreg $0x0  }
0xb1: {  	[dreg:$0x5] =	wrdreg $0x9  }
0xb2: {  	_ =	task.clear_ibuf [dreg:s6], $0x6FFFF;
	_ =	strace $0x9000004C  }
0xb3: {  	s29 =	simm.s32 $0x9;
	_ =	strace $0x8000004E  }
0xb4: {  	_ =	swait.ge [sflag:s29], $0x1  }
0xb5: {  	[sflag:s29] =	ssyncadd.s32 $0xFFFFFFFF  }
0xb6: {  	_ =	strace $0x9000004E  }
0xb7: {  	_ =	sfence  }
0xb8: {  	s30 =	sld [smem:$0x0];
	_ =	sdelay $0x2  }
0xb9: {  	s31 =	sshll.u32 s1, $0xD;
	s1 =	sshrl.u32 s1, $0x2  }
0xba: {  	s3 =	sand.u32 $0x4000, s31;
	s1 =	sadd.s32 s1, s30  }
0xbb: {  	s0 =	sor.u32 s3, s0;
	s1 =	sshll.u32 s1, $0x11  }
0xbc: {  	s0 =	sor.u32 s1, s0  }
0xbd: {  	s0 =	sadd.s32 $0x8F2B, s0  }
0xbe: {  	[sflag:s0] =	ssyncadd.remote.s32 $0x1  }
0xbf: {  	_ =	sfence.sel $0xFFFF  }
0xc0: {  	[dreg:$0x0] =	wrdreg $0xFFFFFFFF;
	(pc) =	sbr.abs _section_cstart, $3  }
0xc1: {  	[dreg:$0x1] =	wrdreg $0xFFFFFFFF  }
0xc2: {  	_ =	task.clear_ibuf [dreg:s6], $0x2FFFF;
	_ =	strace $0x9FFFFFFF  }
0xc3: {  	(tm) =	ssettm $0x7FFFFFFF  }
tec
execute0_lowered:
.L_overlay_start_1:
0x0: {  	(tag) =	ssettag $0x1  }
0x1: {  	s0 =	rddreg [dreg:$0x0]  }
0x2: {  	s2 =	rddreg [dreg:$0x1];
	s15 =	stileid.u32  }
0x3: {  	s3 =	rddreg [dreg:$0x2];
	s4 =	simm.s32 $0x0;
	s6 =	srdreg.scid  }
0x4: {  	s17 =	simm.s32 $0x3;
	s18 =	simm.s32 $0x4F10;
	s20 =	simm.s32 $0x7620  }
0x5: {  	s21 =	simm.s32 $0x200;
	s22 =	simm.s32 $0x9D30;
	s28 =	simm.s32 $0xDD30  }
0x6: {  	s29 =	simm.s32 $0x1;
	s31 =	simm.s32 $0xFD30;
	s30 =	simm.s32 $0x110  }
0x7: {  	s23 =	simm.s32 $0x0;
	s1 =	smul.u32 $0x2780, s15;
	[smem:$0x7FF] =	sst s4  }
0x8: {  	s6 =	sand.u32 $0x1, s6;
	s9 =	sshll.u32 s15, $0x1;
	s11 =	sadd.s32 $0x2800, s0  }
0x9: {  	s25 =	smul.u32 $0x2800, s15;
	s14 =	sadd.s32 $0x25080, s2;
	p0 =	seq.s32 s15, $0xF  }
0xa: {  	_ =	strace $0x8000004D;
	s7 =	smul.u32 $0x5000, s6;
	s8 =	ssub.s32 $0x2, s6  }
0xb: {  	s6 =	sor.u32 s6, s9;
	s15 =	sshll.u32 @!p0 s15, $0x6;
	s5 =	sshrl.u32 s1, $0x3  }
0xc: {  	s10 =	sshrl.u32 s8, $0x1;
	s24 =	smul.u32 $0x2710, s6;
	s1 =	sadd.s32 s1, s2  }
0xd: {  	s6 =	sadd.s32 $0x1AC10, s0;
	s5 =	sadd.s32 s5, s0;
	s12 =	sadd.s32 s7, s0  }
0xe: {  	s13 =	ssub.s32 s8, s10;
	s7 =	sadd.s32 s25, s3;
	s10 =	sadd.s32 $0xC440, s0  }
0xf: {  	s0 =	simm.s32 $0x14530;
	s5 =	sadd.s32 $0x16200, s5;
	s16 =	sshrl.u32 s24, $0x3  }
0x10: {  	s26 =	sadd.s32 $0x1B200, s12;
	s12 =	smax.u32 s13, $0x1;
	s13 =	sshrl.u32 @p0 s14, $0x3  }
0x11: {  	s14 =	sor.u32 @!p0 $0x1C03, s15;
	s15 =	sshrl.u32 @!p0 s1, $0x3;
	s1 =	simm.s32 $0x14640  }
0x12: {  	[dreg:$0x4] =	wrdreg s5;
	s8 =	sadd.s32 s11, s16;
	s9 =	sadd.s32 $0x4C0, s16  }
0x13: {  	s5 =	sshrl.u32 s25, $0x3;
	s19 =	sadd.s32 s16, s10;
	s25 =	simm.s32 $0xBD30  }
0x14: {  	v0 =	vimm.f32 $0.0e+00;
	s16 =	simm.s32 $0x2;
	s11 =	sadd.s32 s11, s9;
	s24 =	sadd.s32 s5, s26  }
.LBB2_1:
0x15: {  	s5 =	simm.s32 @p0 $0x1FC3  }
0x16: {  	[spmem:s13], [sflag:s5] =	dma.local @p0 [hbm:s6], $0x410  }
0x17: {  	s5 =	simm.s32 @p0 $0x3  }
0x18: {  	_ =	swait.ge @p0 [sflag:s5], $0x410  }
0x19: {  	[sflag:s5] =	ssyncset.done @p0 $0x0  }
0x1a: {  	[sflag:s5] =	ssyncadd.s32 @p0 $0xFFFFFBF0;
	s5 =	rddreg [dreg:$0x4]  }
0x1b: {  	[spmem:s15], [sflag:s14] =	dma.local @!p0 [hbm:s5], $0x4F0  }
0x1c: {  	s5 =	simm.s32 @!p0 $0x3  }
0x1d: {  	_ =	swait.ge @!p0 [sflag:s5], $0x4F0  }
0x1e: {  	[sflag:s5] =	ssyncset.done @!p0 $0x0  }
0x1f: {  	s26 =	simm.s32 $0x40;
	[sflag:s5] =	ssyncadd.s32 @!p0 $0xFFFFFB10;
	s5 =	simm.s32 $0x0  }
.LBB2_2:
0x20: {  	p1 =	sne.s32 s26, $0x9FC0;
	[tilespmem:s5+$0x11D30] =	vst v0;
	s5 =	smov.u32 s26;
	s26 =	sadd.s32 $0x40, s26  }
.Ltmp0:
0x21: {  	(pc) =	sbr.rel @p1 .LBB2_2-.Ltmp0, $2  }
0x22: {  	_ =	sdelay $0x2  }
0x23: {  	s5 =	sshra.s32 s5, $0x2  }
0x24: {  	[tilespmem:s5+$0x11D30] =	vst v0;
	s26 =	simm.s32 $0x11D30  }
0x25: {  	[spmem:s7] =	stream.linear.scatter [tilespmem:s26], [sflag:$0x3], $0x2800, $0x38;
	[tilespmem:$0x15740] =	vst v63  }
0x26: {  	_ =	swait.ge [sflag:s17], $0x2800  }
0x27: {  	[sflag:s17] =	ssyncset.done $0x0  }
0x28: {  	[sflag:s17] =	ssyncadd.s32 $0xFFFFD800  }
0x29: {  	[tilespmem:s18], [sflag:$0x3] =	stream.linear.gather [hbm4b:s8+s4], $0x2710, $0x38;
	[tilespmem:$0x15740] =	vst v63  }
0x2a: {  	_ =	swait.ge [sflag:s17], $0x2710  }
0x2b: {  	[sflag:s17] =	ssyncset.done $0x0  }
0x2c: {  	[sflag:s17] =	ssyncadd.s32 $0xFFFFD8F0  }
0x2d: {  	[tilespmem:s20], [sflag:$0x3] =	stream.linear.gather [hbm4b:s19+s4], $0x2710, $0x38;
	[tilespmem:$0x15740] =	vst v63  }
0x2e: {  	_ =	swait.ge [sflag:s17], $0x2710  }
0x2f: {  	[sflag:s17] =	ssyncset.done $0x0  }
0x30: {  	[sflag:s17] =	ssyncadd.s32 $0xFFFFD8F0  }
0x31: {  	[bflag:$0x0] =	sbarrier.arrive $0xFFFF  }
0x32: {  	[tilespmem:s22], [sflag:$0x1] =	stream.indirect.gather [spmem:s2], $0x10, s18, s21, $0xb8;
	[tilespmem:$0x15740] =	vst v63  }
0x33: {  	s26 =	simm.s32 $0x5110  }
0x34: {  	[tilespmem:s25], [sflag:$0x1] =	stream.indirect.gather [spmem:s2], $0x10, s26, s21, $0xb8;
	[tilespmem:$0x15740] =	vst v63  }
0x35: {  	s26 =	simm.s32 $0x5310  }
0x36: {  	[tilespmem:s28], [sflag:$0x1] =	stream.indirect.gather [spmem:s2], $0x10, s26, s21, $0xb8;
	[tilespmem:$0x15740] =	vst v63  }
0x37: {  	_ =	swait.ge [sflag:s29], $0x2000  }
0x38: {  	[sflag:s29] =	ssyncset.done $0x0  }
0x39: {  	[sflag:s29] =	ssyncadd.s32 $0xFFFFE000  }
0x3a: {  	[spmem:s3] =	stream.indirect.scatter.add.f32 [tilespmem:s22], [sflag:$0x2], $0x10, s20, s21, $0xb8;
	[tilespmem:$0x15740] =	vst v63  }
0x3b: {  	s26 =	simm.s32 $0x5510  }
0x3c: {  	[tilespmem:s31], [sflag:$0x1] =	stream.indirect.gather [spmem:s2], $0x10, s26, s21, $0xb8;
	[tilespmem:$0x15740] =	vst v63  }
0x3d: {  	_ =	swait.ge [sflag:s29], $0x2000  }
0x3e: {  	[sflag:s29] =	ssyncset.done $0x0  }
0x3f: {  	s26 =	simm.s32 $0x7820;
	[sflag:s29] =	ssyncadd.s32 $0xFFFFE000  }
0x40: {  	[spmem:s3] =	stream.indirect.scatter.add.f32 [tilespmem:s25], [sflag:$0x2], $0x10, s26, s21, $0xb8;
	[tilespmem:$0x15740] =	vst v63  }
0x41: {  	_ =	swait.ge [sflag:s16], $0x2000  }
0x42: {  	[sflag:s16] =	ssyncset.done $0x0  }
0x43: {  	s26 =	simm.s32 $0x5710;
	[sflag:s16] =	ssyncadd.s32 $0xFFFFE000  }
0x44: {  	[tilespmem:s22], [sflag:$0x1] =	stream.indirect.gather [spmem:s2], $0x10, s26, s21, $0xb8;
	[tilespmem:$0x15740] =	vst v63  }
0x45: {  	_ =	swait.ge [sflag:s29], $0x2000  }
0x46: {  	[sflag:s29] =	ssyncset.done $0x0  }
0x47: {  	s26 =	simm.s32 $0x7A20;
	[sflag:s29] =	ssyncadd.s32 $0xFFFFE000  }
0x48: {  	[spmem:s3] =	stream.indirect.scatter.add.f32 [tilespmem:s28], [sflag:$0x2], $0x10, s26, s21, $0xb8;
	[tilespmem:$0x15740] =	vst v63  }
0x49: {  	_ =	swait.ge [sflag:s16], $0x2000  }
0x4a: {  	[sflag:s16] =	ssyncset.done $0x0  }
0x4b: {  	s26 =	simm.s32 $0x5910;
	[sflag:s16] =	ssyncadd.s32 $0xFFFFE000  }
0x4c: {  	[tilespmem:s25], [sflag:$0x1] =	stream.indirect.gather [spmem:s2], $0x10, s26, s21, $0xb8;
	[tilespmem:$0x15740] =	vst v63  }
0x4d: {  	_ =	swait.ge [sflag:s29], $0x2000  }
0x4e: {  	[sflag:s29] =	ssyncset.done $0x0  }
0x4f: {  	s26 =	simm.s32 $0x7C20;
	[sflag:s29] =	ssyncadd.s32 $0xFFFFE000  }
0x50: {  	[spmem:s3] =	stream.indirect.scatter.add.f32 [tilespmem:s31], [sflag:$0x2], $0x10, s26, s21, $0xb8;
	[tilespmem:$0x15740] =	vst v63  }
0x51: {  	_ =	swait.ge [sflag:s16], $0x2000  }
0x52: {  	[sflag:s16] =	ssyncset.done $0x0  }
0x53: {  	s26 =	simm.s32 $0x5B10;
	[sflag:s16] =	ssyncadd.s32 $0xFFFFE000  }
0x54: {  	[tilespmem:s28], [sflag:$0x1] =	stream.indirect.gather [spmem:s2], $0x10, s26, s21, $0xb8;
	[tilespmem:$0x15740] =	vst v63  }
0x55: {  	_ =	swait.ge [sflag:s29], $0x2000  }
0x56: {  	[sflag:s29] =	ssyncset.done $0x0  }
0x57: {  	s26 =	simm.s32 $0x7E20;
	[sflag:s29] =	ssyncadd.s32 $0xFFFFE000  }
0x58: {  	[spmem:s3] =	stream.indirect.scatter.add.f32 [tilespmem:s22], [sflag:$0x2], $0x10, s26, s21, $0xb8;
	[tilespmem:$0x15740] =	vst v63  }
0x59: {  	_ =	swait.ge [sflag:s16], $0x2000  }
0x5a: {  	[sflag:s16] =	ssyncset.done $0x0  }
0x5b: {  	s26 =	simm.s32 $0x5D10;
	[sflag:s16] =	ssyncadd.s32 $0xFFFFE000  }
0x5c: {  	[tilespmem:s31], [sflag:$0x1] =	stream.indirect.gather [spmem:s2], $0x10, s26, s21, $0xb8;
	[tilespmem:$0x15740] =	vst v63  }
0x5d: {  	_ =	swait.ge [sflag:s29], $0x2000  }
0x5e: {  	[sflag:s29] =	ssyncset.done $0x0  }
0x5f: {  	s26 =	simm.s32 $0x8020;
	[sflag:s29] =	ssyncadd.s32 $0xFFFFE000  }
0x60: {  	[spmem:s3] =	stream.indirect.scatter.add.f32 [tilespmem:s25], [sflag:$0x2], $0x10, s26, s21, $0xb8;
	[tilespmem:$0x15740] =	vst v63  }
0x61: {  	_ =	swait.ge [sflag:s16], $0x2000  }
0x62: {  	[sflag:s16] =	ssyncset.done $0x0  }
0x63: {  	s26 =	simm.s32 $0x5F10;
	[sflag:s16] =	ssyncadd.s32 $0xFFFFE000  }
0x64: {  	[tilespmem:s22], [sflag:$0x1] =	stream.indirect.gather [spmem:s2], $0x10, s26, s21, $0xb8;
	[tilespmem:$0x15740] =	vst v63  }
0x65: {  	_ =	swait.ge [sflag:s29], $0x2000  }
0x66: {  	[sflag:s29] =	ssyncset.done $0x0  }
0x67: {  	s26 =	simm.s32 $0x8220;
	[sflag:s29] =	ssyncadd.s32 $0xFFFFE000  }
0x68: {  	[spmem:s3] =	stream.indirect.scatter.add.f32 [tilespmem:s28], [sflag:$0x2], $0x10, s26, s21, $0xb8;
	[tilespmem:$0x15740] =	vst v63  }
0x69: {  	_ =	swait.ge [sflag:s16], $0x2000  }
0x6a: {  	[sflag:s16] =	ssyncset.done $0x0  }
0x6b: {  	s26 =	simm.s32 $0x6110;
	[sflag:s16] =	ssyncadd.s32 $0xFFFFE000  }
0x6c: {  	[tilespmem:s25], [sflag:$0x1] =	stream.indirect.gather [spmem:s2], $0x10, s26, s21, $0xb8;
	[tilespmem:$0x15740] =	vst v63  }
0x6d: {  	_ =	swait.ge [sflag:s29], $0x2000  }
0x6e: {  	[sflag:s29] =	ssyncset.done $0x0  }
0x6f: {  	s26 =	simm.s32 $0x8420;
	[sflag:s29] =	ssyncadd.s32 $0xFFFFE000  }
0x70: {  	[spmem:s3] =	stream.indirect.scatter.add.f32 [tilespmem:s31], [sflag:$0x2], $0x10, s26, s21, $0xb8;
	[tilespmem:$0x15740] =	vst v63  }
0x71: {  	_ =	swait.ge [sflag:s16], $0x2000  }
0x72: {  	[sflag:s16] =	ssyncset.done $0x0  }
0x73: {  	s26 =	simm.s32 $0x6310;
	[sflag:s16] =	ssyncadd.s32 $0xFFFFE000  }
0x74: {  	[tilespmem:s28], [sflag:$0x1] =	stream.indirect.gather [spmem:s2], $0x10, s26, s21, $0xb8;
	[tilespmem:$0x15740] =	vst v63  }
0x75: {  	_ =	swait.ge [sflag:s29], $0x2000  }
0x76: {  	[sflag:s29] =	ssyncset.done $0x0  }
0x77: {  	s26 =	simm.s32 $0x8620;
	[sflag:s29] =	ssyncadd.s32 $0xFFFFE000  }
0x78: {  	[spmem:s3] =	stream.indirect.scatter.add.f32 [tilespmem:s22], [sflag:$0x2], $0x10, s26, s21, $0xb8;
	[tilespmem:$0x15740] =	vst v63  }
0x79: {  	_ =	swait.ge [sflag:s16], $0x2000  }
0x7a: {  	[sflag:s16] =	ssyncset.done $0x0  }
0x7b: {  	s26 =	simm.s32 $0x6510;
	[sflag:s16] =	ssyncadd.s32 $0xFFFFE000  }
0x7c: {  	[tilespmem:s31], [sflag:$0x1] =	stream.indirect.gather [spmem:s2], $0x10, s26, s21, $0xb8;
	[tilespmem:$0x15740] =	vst v63  }
0x7d: {  	_ =	swait.ge [sflag:s29], $0x2000  }
0x7e: {  	[sflag:s29] =	ssyncset.done $0x0  }
0x7f: {  	s26 =	simm.s32 $0x8820;
	[sflag:s29] =	ssyncadd.s32 $0xFFFFE000  }
0x80: {  	[spmem:s3] =	stream.indirect.scatter.add.f32 [tilespmem:s25], [sflag:$0x2], $0x10, s26, s21, $0xb8;
	[tilespmem:$0x15740] =	vst v63  }
0x81: {  	_ =	swait.ge [sflag:s16], $0x2000  }
0x82: {  	[sflag:s16] =	ssyncset.done $0x0  }
0x83: {  	s26 =	simm.s32 $0x6710;
	[sflag:s16] =	ssyncadd.s32 $0xFFFFE000  }
0x84: {  	[tilespmem:s22], [sflag:$0x1] =	stream.indirect.gather [spmem:s2], $0x10, s26, s21, $0xb8;
	[tilespmem:$0x15740] =	vst v63  }
0x85: {  	_ =	swait.ge [sflag:s29], $0x2000  }
0x86: {  	[sflag:s29] =	ssyncset.done $0x0  }
0x87: {  	s26 =	simm.s32 $0x8A20;
	[sflag:s29] =	ssyncadd.s32 $0xFFFFE000  }
0x88: {  	[spmem:s3] =	stream.indirect.scatter.add.f32 [tilespmem:s28], [sflag:$0x2], $0x10, s26, s21, $0xb8;
	[tilespmem:$0x15740] =	vst v63  }
0x89: {  	_ =	swait.ge [sflag:s16], $0x2000  }
0x8a: {  	[sflag:s16] =	ssyncset.done $0x0  }
0x8b: {  	s26 =	simm.s32 $0x6910;
	[sflag:s16] =	ssyncadd.s32 $0xFFFFE000  }
0x8c: {  	[tilespmem:s25], [sflag:$0x1] =	stream.indirect.gather [spmem:s2], $0x10, s26, s21, $0xb8;
	[tilespmem:$0x15740] =	vst v63  }
0x8d: {  	_ =	swait.ge [sflag:s29], $0x2000  }
0x8e: {  	[sflag:s29] =	ssyncset.done $0x0  }
0x8f: {  	s26 =	simm.s32 $0x8C20;
	[sflag:s29] =	ssyncadd.s32 $0xFFFFE000  }
0x90: {  	[spmem:s3] =	stream.indirect.scatter.add.f32 [tilespmem:s31], [sflag:$0x2], $0x10, s26, s21, $0xb8;
	[tilespmem:$0x15740] =	vst v63  }
0x91: {  	_ =	swait.ge [sflag:s16], $0x2000  }
0x92: {  	[sflag:s16] =	ssyncset.done $0x0  }
0x93: {  	s26 =	simm.s32 $0x6B10;
	[sflag:s16] =	ssyncadd.s32 $0xFFFFE000  }
0x94: {  	[tilespmem:s28], [sflag:$0x1] =	stream.indirect.gather [spmem:s2], $0x10, s26, s21, $0xb8;
	[tilespmem:$0x15740] =	vst v63  }
0x95: {  	_ =	swait.ge [sflag:s29], $0x2000  }
0x96: {  	[sflag:s29] =	ssyncset.done $0x0  }
0x97: {  	s26 =	simm.s32 $0x8E20;
	[sflag:s29] =	ssyncadd.s32 $0xFFFFE000  }
0x98: {  	[spmem:s3] =	stream.indirect.scatter.add.f32 [tilespmem:s22], [sflag:$0x2], $0x10, s26, s21, $0xb8;
	[tilespmem:$0x15740] =	vst v63  }
0x99: {  	_ =	swait.ge [sflag:s16], $0x2000  }
0x9a: {  	[sflag:s16] =	ssyncset.done $0x0  }
0x9b: {  	s26 =	simm.s32 $0x6D10;
	[sflag:s16] =	ssyncadd.s32 $0xFFFFE000  }
0x9c: {  	[tilespmem:s31], [sflag:$0x1] =	stream.indirect.gather [spmem:s2], $0x10, s26, s21, $0xb8;
	[tilespmem:$0x15740] =	vst v63  }
0x9d: {  	_ =	swait.ge [sflag:s29], $0x2000  }
0x9e: {  	[sflag:s29] =	ssyncset.done $0x0  }
0x9f: {  	s26 =	simm.s32 $0x9020;
	[sflag:s29] =	ssyncadd.s32 $0xFFFFE000  }
0xa0: {  	[spmem:s3] =	stream.indirect.scatter.add.f32 [tilespmem:s25], [sflag:$0x2], $0x10, s26, s21, $0xb8;
	[tilespmem:$0x15740] =	vst v63  }
0xa1: {  	_ =	swait.ge [sflag:s16], $0x2000  }
0xa2: {  	[sflag:s16] =	ssyncset.done $0x0  }
0xa3: {  	s26 =	simm.s32 $0x6F10;
	[sflag:s16] =	ssyncadd.s32 $0xFFFFE000  }
0xa4: {  	[tilespmem:s22], [sflag:$0x1] =	stream.indirect.gather [spmem:s2], $0x10, s26, s21, $0xb8;
	[tilespmem:$0x15740] =	vst v63  }
0xa5: {  	_ =	swait.ge [sflag:s29], $0x2000  }
0xa6: {  	[sflag:s29] =	ssyncset.done $0x0  }
0xa7: {  	s26 =	simm.s32 $0x9220;
	[sflag:s29] =	ssyncadd.s32 $0xFFFFE000  }
0xa8: {  	[spmem:s3] =	stream.indirect.scatter.add.f32 [tilespmem:s28], [sflag:$0x2], $0x10, s26, s21, $0xb8;
	[tilespmem:$0x15740] =	vst v63  }
0xa9: {  	_ =	swait.ge [sflag:s16], $0x2000  }
0xaa: {  	[sflag:s16] =	ssyncset.done $0x0  }
0xab: {  	s26 =	simm.s32 $0x7110;
	[sflag:s16] =	ssyncadd.s32 $0xFFFFE000  }
0xac: {  	[tilespmem:s25], [sflag:$0x1] =	stream.indirect.gather [spmem:s2], $0x10, s26, s21, $0xb8;
	[tilespmem:$0x15740] =	vst v63  }
0xad: {  	_ =	swait.ge [sflag:s29], $0x2000  }
0xae: {  	[sflag:s29] =	ssyncset.done $0x0  }
0xaf: {  	s26 =	simm.s32 $0x9420;
	[sflag:s29] =	ssyncadd.s32 $0xFFFFE000  }
0xb0: {  	[spmem:s3] =	stream.indirect.scatter.add.f32 [tilespmem:s31], [sflag:$0x2], $0x10, s26, s21, $0xb8;
	[tilespmem:$0x15740] =	vst v63  }
0xb1: {  	_ =	swait.ge [sflag:s16], $0x2000  }
0xb2: {  	[sflag:s16] =	ssyncset.done $0x0  }
0xb3: {  	s26 =	simm.s32 $0x7310;
	[sflag:s16] =	ssyncadd.s32 $0xFFFFE000  }
0xb4: {  	[tilespmem:s28], [sflag:$0x1] =	stream.indirect.gather [spmem:s2], $0x10, s26, s21, $0xb8;
	[tilespmem:$0x15740] =	vst v63  }
0xb5: {  	_ =	swait.ge [sflag:s29], $0x2000  }
0xb6: {  	[sflag:s29] =	ssyncset.done $0x0  }
0xb7: {  	s26 =	simm.s32 $0x9620;
	[sflag:s29] =	ssyncadd.s32 $0xFFFFE000  }
0xb8: {  	[spmem:s3] =	stream.indirect.scatter.add.f32 [tilespmem:s22], [sflag:$0x2], $0x10, s26, s21, $0xb8;
	[tilespmem:$0x15740] =	vst v63  }
0xb9: {  	_ =	swait.ge [sflag:s16], $0x2000  }
0xba: {  	[sflag:s16] =	ssyncset.done $0x0  }
0xbb: {  	[sflag:s16] =	ssyncadd.s32 $0xFFFFE000  }
0xbc: {  	_ =	swait.ge [sflag:s29], $0x2000  }
0xbd: {  	[sflag:s29] =	ssyncset.done $0x0  }
0xbe: {  	s26 =	simm.s32 $0x9820;
	[sflag:s29] =	ssyncadd.s32 $0xFFFFE000  }
0xbf: {  	[spmem:s3] =	stream.indirect.scatter.add.f32 [tilespmem:s25], [sflag:$0x2], $0x10, s26, s21, $0xb8;
	[tilespmem:$0x15740] =	vst v63  }
0xc0: {  	_ =	swait.ge [sflag:s16], $0x2000  }
0xc1: {  	[sflag:s16] =	ssyncset.done $0x0  }
0xc2: {  	[sflag:s16] =	ssyncadd.s32 $0xFFFFE000  }
0xc3: {  	_ =	swait.ge [sflag:s29], $0x2000  }
0xc4: {  	[sflag:s29] =	ssyncset.done $0x0  }
0xc5: {  	s26 =	simm.s32 $0x9A20;
	[sflag:s29] =	ssyncadd.s32 $0xFFFFE000  }
0xc6: {  	[spmem:s3] =	stream.indirect.scatter.add.f32 [tilespmem:s28], [sflag:$0x2], $0x10, s26, s21, $0xb8;
	[tilespmem:$0x15740] =	vst v63  }
0xc7: {  	_ =	swait.ge [sflag:s16], $0x2000  }
0xc8: {  	[sflag:s16] =	ssyncset.done $0x0  }
0xc9: {  	[sflag:s16] =	ssyncadd.s32 $0xFFFFE000  }
0xca: {  	_ =	swait.ge [sflag:s16], $0x2000  }
0xcb: {  	[sflag:s16] =	ssyncset.done $0x0  }
0xcc: {  	[sflag:s16] =	ssyncadd.s32 $0xFFFFE000  }
0xcd: {  	[tilespmem:s0], [sflag:$0x3] =	stream.linear.gather [hbm4b:s11+s4], $0x110, $0x38;
	[tilespmem:$0x15740] =	vst v63  }
0xce: {  	_ =	swait.ge [sflag:s17], $0x110  }
0xcf: {  	[sflag:s17] =	ssyncset.done $0x0  }
0xd0: {  	[sflag:s17] =	ssyncadd.s32 $0xFFFFFEF0  }
0xd1: {  	[tilespmem:s1], [sflag:$0x1] =	stream.indirect.gather [spmem:s2], $0x10, s0, s30, $0xb8;
	[tilespmem:$0x15740] =	vst v63  }
0xd2: {  	_ =	swait.ge [sflag:s29], $0x1100  }
0xd3: {  	[sflag:s29] =	ssyncset.done $0x0  }
0xd4: {  	s26 =	sadd.s32 s9, s10;
	[sflag:s29] =	ssyncadd.s32 $0xFFFFEF00  }
0xd5: {  	[tilespmem:s0], [sflag:$0x3] =	stream.linear.gather [hbm4b:s26+s4], $0x110, $0x38;
	[tilespmem:$0x15740] =	vst v63  }
0xd6: {  	_ =	swait.ge [sflag:s17], $0x110  }
0xd7: {  	[sflag:s17] =	ssyncset.done $0x0  }
0xd8: {  	[sflag:s17] =	ssyncadd.s32 $0xFFFFFEF0  }
0xd9: {  	[spmem:s3] =	stream.indirect.scatter.add.f32 [tilespmem:s1], [sflag:$0x3], $0x10, s0, s30, $0xb8;
	[tilespmem:$0x15740] =	vst v63  }
0xda: {  	s23 =	sadd.s32 $0x1, s23;
	_ =	swait.ge [sflag:s17], $0x1100  }
0xdb: {  	p1 =	sne.s32 s23, s12;
	s26 =	stileid.u32;
	[sflag:s17] =	ssyncset.done $0x0  }
0xdc: {  	s5 =	sshll.u32 s26, $0x6;
	s26 =	sshrl.u32 s7, $0x3;
	[sflag:s17] =	ssyncadd.s32 $0xFFFFEF00  }
.Ltmp1:
0xdd: {  	s5 =	sor.u32 $0x1C03, s5;
	[bflag:$0x0] =	sbarrier.arrive $0xFFFF;
	(pc) =	sbr.rel @p1 .LBB2_1-.Ltmp1, $4  }
0xde: {  	[hbm:s24], [sflag:s5] =	dma.local [spmem:s26], $0x500  }
0xdf: {  	_ =	swait.ge [sflag:s17], $0x500  }
0xe0: {  	[sflag:s17] =	ssyncset.done $0x0  }
0xe1: {  	[sflag:s17] =	ssyncadd.s32 $0xFFFFFB00  }
0xe2: {  	_ =	sfence.sel $0x180000  }
0xe3: {  	[bflag:$0x0] =	sbarrier.arrive $0xFFFF  }
0xe4: {  	_ =	strace $0x9000004D  }
0xe5: {  	s0 =	stileid.u32;
	[bflag:$0x2] =	sbarrier.arrive $0xFFFF  }
0xe6: {  	p0 =	sne.s32 s0, $0x0;
	s0 =	rddreg [dreg:$0x3]  }
0xe7: {  	s0 =	sadd.s32 @!p0 $0x100000, s0  }
0xe8: {  	[sflag:s0] =	ssyncadd.tile.s32 @!p0 $0x1;
	_ =	shalt  }
.Lfunc_end2:
_tile_overlayer_lowered:
.L_overlay_start_2:
0xe9: {  	(tag) =	ssettag $0x2  }
0xea: {  	s0 =	rddreg [dreg:$0x0];
	s2 =	stileid.u32  }
0xeb: {  	s1 =	rddreg [dreg:$0x1];
	p0 =	sne.s32 s2, $0x0  }
0xec: {  	s3 =	rddreg [dreg:$0x2];
	[bflag:$0x3] =	sbarrier.arrive $0xFFFF;
	s2 =	simm.s32 @!p0 $0x1C03  }
0xed: {  	[timem:s3], [sflag:s2] =	dma.local @!p0 [hbm:s0], s1  }
0xee: {  	s0 =	simm.s32 @!p0 $0x3  }
0xef: {  	_ =	swait.ge @!p0 [sflag:s0], s1  }
0xf0: {  	s1 =	ssub.s32 @!p0 $0x0, s1;
	[sflag:s0] =	ssyncset.done @!p0 $0x0  }
0xf1: {  	[sflag:s0] =	ssyncadd.s32 @!p0 s1  }
0xf2: {  	[bflag:$0x3] =	sbarrier.arrive $0xFFFF  }
0xf3: {  	_ =	shalt  }

// kernel: kernel.8.cloned.1.call-start
scs
__scs_entry_jumppad:
0x0: {  	(pc) =	sbr.rel $0x88, $3  }
0x1: {  	(tag) =	ssettag $0x0;
	lr =	simm.s32 $0x1  }
0x2: {  	[smem:$0x3F9B] =	sst lr;
	_ =	strace $0xD0000000  }
0x3: {  	_ = 	snop  }
0x4: {  	_ = 	snop  }
0x5: {  	_ = 	snop  }
0x6: {  	_ = 	snop  }
0x7: {  	_ = 	snop  }
__scs_overlays_trampoline_lowered:
0x8: {  	[smem:$0x3FAA] =	sst s0  }
0x9: {  	[smem:$0x3FAB] =	sst s1  }
0xa: {  	[smem:$0x3FAC] =	sst s2  }
0xb: {  	[smem:$0x3FAD] =	sst s3  }
0xc: {  	[smem:$0x3FAE] =	sst s4  }
0xd: {  	[smem:$0x3FAF] =	sst s5  }
0xe: {  	[smem:$0x3FB0] =	sst s6  }
0xf: {  	[smem:$0x3FB1] =	sst s7  }
0x10: {  	[smem:$0x3FB2] =	sst s8  }
0x11: {  	[smem:$0x3FB3] =	sst s9;
	s0 =	simm.s32 @!p0 $0x0  }
0x12: {  	s1 =	sld [smem:$0x3F99];
	s0 =	simm.s32 @p0 $0x1  }
0x13: {  	[smem:$0x3FB4] =	sst s0;
	s0 =	simm.s32 @!p1 $0x0  }
0x14: {  	s2 =	sld [smem:$0x3F98];
	s0 =	simm.s32 @p1 $0x1  }
0x15: {  	[smem:$0x3FB5] =	sst s0;
	s0 =	simm.s32 @!p2 $0x0  }
0x16: {  	s3 =	sld [smem:$0x3FDB];
	s0 =	simm.s32 @p2 $0x1  }
0x17: {  	s4 =	simm.s32 $0x1BF5;
	[smem:$0x3FB7] =	sst s0  }
0x18: {  	s0 =	sld [smem:$0x3F9A];
	_ =	swait.ge [sflag:s4], $0x0  }
0x19: {  	s7 =	sld [smem:$0x3F9B]  }
0x1a: {  	s8 =	sadd.s32 $0xFFFFE003, lr  }
0x1b: {  	s9 =	sadd.s32 $0xFFFFFEF7, lr;
	s5 =	simm.s32 $0xFFFFFFFF;
	p2 =	slt.u32 s8, $0xFFFFF086  }
0x1c: {  	p1 =	slt.u32 s9, $0xF7A;
	s5 =	simm.s32 @!p2 $0x0  }
0x1d: {  	s5 =	simm.s32 @p1 $0x1;
	p0 =	seq.s32 s7, s2  }
0x1e: {  	s7 =	smul.u32 @!p0 $0xF7A, s2;
	p2 =	seq.s32 @!p0 s5, $0x0  }
0x1f: {  	s9 =	smul.u32 $0xF7A, s1;
	s8 =	simm.s32 @!p0 $0x1BF5;
	p2 =	por !p2, p0  }
0x20: {  	[sflag:s8] =	ssyncset.s32 @!p0 $0xFFFFF086;
	s6 =	sadd.s32 @!p0 s3, s7;
	s7 =	simm.s32 @!p0 $0x108  }
0x21: {  	s3 =	sadd.s32 s3, s9;
	s6 =	sadd.s32 @!p0 $0x88, s6;
	s7 =	simm.s32 @p2 $0x1082  }
0x22: {  	[simem:s7], [sflag:s8] =	dma.local @!p0 [hbm:s6], $0xF7A  }
0x23: {  	s9 =	sor.u32 $0xD0000000, s2;
	s6 =	simm.s32 $0x108;
	_ =	swait.ge @!p0 [sflag:s8], $0x0  }
0x24: {  	s3 =	sadd.s32 $0x88, s3;
	s6 =	simm.s32 @!p1 $0x1082;
	[sflag:s4] =	ssyncset.s32 $0xFFFFF086  }
0x25: {  	[simem:s6], [sflag:s4] =	dma.local [hbm:s3], $0xF7A  }
0x26: {  	[smem:$0x3F9B] =	sst s1;
	(tag) =	ssettag s2;
	_ =	strace s9  }
0x27: {  	s1 =	sld [smem:$0x3FAB]  }
0x28: {  	s2 =	sld [smem:$0x3FAC]  }
0x29: {  	s4 =	sld [smem:$0x3FAE]  }
0x2a: {  	p0 =	seq.s32 s5, $0x0;
	s5 =	sld [smem:$0x3FAF]  }
0x2b: {  	s6 =	sld [smem:$0x3FB0]  }
0x2c: {  	s7 =	sld [smem:$0x3FB1]  }
0x2d: {  	s3 =	simm.s32 $0x108;
	s8 =	sld [smem:$0x3FB2]  }
0x2e: {  	s3 =	simm.s32 @!p0 $0x1082;
	s9 =	sld [smem:$0x3FB3]  }
0x2f: {  	lr =	sadd.s32 s0, s3;
	s0 =	sld [smem:$0x3FAA]  }
0x30: {  	s3 =	sld [smem:$0x3FAD]  }
0x31: {  	[smem:$0x3FB6] =	sst s10  }
0x32: {  	s10 =	sld [smem:$0x3FB4];
	_ =	sdelay $0x3  }
0x33: {  	p0 =	seq.s32 s10, $0x1;
	s10 =	sld [smem:$0x3FB6];
	_ =	sdelay $0x3  }
0x34: {  	[smem:$0x3FB6] =	sst s10  }
0x35: {  	s10 =	sld [smem:$0x3FB5];
	_ =	sdelay $0x3  }
0x36: {  	p1 =	seq.s32 s10, $0x1;
	s10 =	sld [smem:$0x3FB6];
	_ =	sdelay $0x3  }
0x37: {  	[smem:$0x3FB6] =	sst s10  }
0x38: {  	s10 =	sld [smem:$0x3FB7]  }
0x39: {  	_ = 	snop;
	(pc) =	sbr.ind lr, $3  }
0x3a: {  	_ = 	snop  }
0x3b: {  	_ = 	snop  }
0x3c: {  	p2 =	seq.s32 s10, $0x1;
	s10 =	sld [smem:$0x3FB6]  }
0x3d: {  	_ =	shalt  }
0x3e: {  	_ =	shalt  }
0x3f: {  	_ =	shalt  }
0x40: {  	_ =	shalt  }
0x41: {  	_ =	shalt  }
0x42: {  	_ =	shalt  }
0x43: {  	_ =	shalt  }
0x44: {  	_ =	shalt  }
0x45: {  	_ =	shalt  }
0x46: {  	_ =	shalt  }
0x47: {  	_ =	shalt  }
0x48: {  	_ =	shalt  }
0x49: {  	_ =	shalt  }
0x4a: {  	_ =	shalt  }
0x4b: {  	_ =	shalt  }
0x4c: {  	_ =	shalt  }
0x4d: {  	_ =	shalt  }
0x4e: {  	_ =	shalt  }
0x4f: {  	_ =	shalt  }
0x50: {  	_ =	shalt  }
0x51: {  	_ =	shalt  }
0x52: {  	_ =	shalt  }
0x53: {  	_ =	shalt  }
0x54: {  	_ =	shalt  }
0x55: {  	_ =	shalt  }
0x56: {  	_ =	shalt  }
0x57: {  	_ =	shalt  }
0x58: {  	_ =	shalt  }
0x59: {  	_ =	shalt  }
0x5a: {  	_ =	shalt  }
0x5b: {  	_ =	shalt  }
0x5c: {  	_ =	shalt  }
0x5d: {  	_ =	shalt  }
0x5e: {  	_ =	shalt  }
0x5f: {  	_ =	shalt  }
0x60: {  	_ =	shalt  }
0x61: {  	_ =	shalt  }
0x62: {  	_ =	shalt  }
0x63: {  	_ =	shalt  }
0x64: {  	_ =	shalt  }
0x65: {  	_ =	shalt  }
0x66: {  	_ =	shalt  }
0x67: {  	_ =	shalt  }
0x68: {  	_ =	shalt  }
0x69: {  	_ =	shalt  }
0x6a: {  	_ =	shalt  }
0x6b: {  	_ =	shalt  }
0x6c: {  	_ =	shalt  }
0x6d: {  	_ =	shalt  }
0x6e: {  	_ =	shalt  }
0x6f: {  	_ =	shalt  }
0x70: {  	_ =	shalt  }
0x71: {  	_ =	shalt  }
0x72: {  	_ =	shalt  }
0x73: {  	_ =	shalt  }
0x74: {  	_ =	shalt  }
0x75: {  	_ =	shalt  }
0x76: {  	_ =	shalt  }
0x77: {  	_ =	shalt  }
0x78: {  	_ =	shalt  }
0x79: {  	_ =	shalt  }
0x7a: {  	_ =	shalt  }
0x7b: {  	_ =	shalt  }
0x7c: {  	_ =	shalt  }
0x7d: {  	_ =	shalt  }
0x7e: {  	_ =	shalt  }
0x7f: {  	_ =	shalt  }
0x80: {  	_ =	shalt  }
0x81: {  	_ =	shalt  }
0x82: {  	_ =	shalt  }
0x83: {  	_ =	shalt  }
0x84: {  	_ =	shalt  }
0x85: {  	_ =	shalt  }
0x86: {  	_ =	shalt  }
0x87: {  	_ =	shalt  }
.Lfunc_end0:
.L_simem_size_0:
called_computation_lowered:
.L_overlay_start_0:
0x88: {  	s2 =	sld [smem:$0x3FD9]  }
0x89: {  	s3 =	sld [smem:$0x3FFE];
	_ =	sdelay $0x1  }
0x8a: {  	s1 =	srdreg.scid  }
0x8b: {  	s0 =	sand.u32 $0x1, s1  }
0x8c: {  	s16 =	sshll.u32 s0, $0xA;
	s2 =	sadd.s32 s3, s2  }
0x8d: {  	s2 =	sadd.s32 s2, s16  }
0x8e: {  	[smem:$0x3FC2] =	sst s2  }
0x8f: {  	_ = 	snop  }
0x90: {  	(tm) =	ssettm $0x1  }
0x91: {  	s17 =	sld [smem:$0x3FFB];
	_ =	sdelay $0x3  }
0x92: {  	_ =	strace s17  }
0x93: {  	s2 =	sld [smem:$0x3FFC];
	_ =	sdelay $0x3  }
0x94: {  	_ =	strace s2  }
0x95: {  	s2 =	sld [smem:$0x3FFD];
	_ =	sdelay $0x3  }
0x96: {  	_ =	strace s2  }
0x97: {  	_ =	strace $0x8FFFFFFF  }
0x98: {  	s18 =	sld [smem:$0x3FDB];
	_ =	sdelay $0x1  }
0x99: {  	s19 =	simm.s32 $_scs_section_size  }
0x9a: {  	s4 =	simm.s32 $_size__tile_overlayer_lowered;
	s5 =	simm.s32 $_tile_overlayer_lowered  }
0x9b: {  	s22 =	simm.s32 $0x1BFF;
	s21 =	sshll.u32 s5, $0x1;
	s2 =	sadd.s32 s19, s18  }
0x9c: {  	s6 =	simm.s32 $0x0;
	s20 =	sshll.u32 s4, $0x1;
	s4 =	sadd.s32 s21, s2  }
0x9d: {  	[timem:s6], [sflag:s22] =	dma.local [hbm:s4], s20  }
0x9e: {  	_ =	swait.ge [sflag:s22], s20  }
0x9f: {  	s3 =	ssub.s32 $0x0, s20;
	[sflag:s22] =	ssyncset.done $0x0  }
0xa0: {  	[sflag:s22] =	ssyncadd.s32 s3;
	_ =	sdelay $0x1  }
0xa1: {  	s23 =	simm.s32 $0x1B8B  }
0xa2: {  	_ =	swait.ge [sflag:s23], $0x1  }
0xa3: {  	[sflag:s23] =	ssyncset.done $0x0  }
0xa4: {  	s25 =	simm.s32 $0x1B8E;
	s24 =	sld [smem:$0x3FFE];
	[sflag:s23] =	ssyncadd.s32 $0xFFFFFFFF  }
0xa5: {  	s26 =	simm.s32 $execute0_lowered;
	[smem:$0x3FD2] =	sst s25  }
0xa6: {  	s4 =	sshll.u32 s26, $0x1;
	_ =	strace $0x80000046;
	[dreg:$0x1] =	wrdreg $0xFFFFFFFF  }
0xa7: {  	s28 =	simm.s32 $_size_execute0_lowered;
	s2 =	sadd.s32 s2, s4;
	[dreg:$0x0] =	wrdreg $0x0  }
0xa8: {  	s4 =	sshll.u32 s28, $0x1;
	[dreg:$0x2] =	wrdreg s2  }
0xa9: {  	[dreg:$0x3] =	wrdreg s4  }
0xaa: {  	[dreg:$0x4] =	wrdreg $0xC0  }
0xab: {  	_ =	task [dreg:s6], $0x5FFFF  }
0xac: {  	[dreg:$0x1] =	wrdreg $0xFFFFFFFF  }
0xad: {  	[dreg:$0x0] =	wrdreg $0x60  }
0xae: {  	[dreg:$0x2] =	wrdreg s24  }
0xaf: {  	[dreg:$0x3] =	wrdreg $0x0  }
0xb0: {  	[dreg:$0x4] =	wrdreg $0x9  }
0xb1: {  	_ =	task.clear_ibuf [dreg:s6], $0x5FFFF;
	_ =	strace $0x90000046  }
0xb2: {  	s29 =	simm.s32 $0x9;
	_ =	strace $0x80000048  }
0xb3: {  	_ =	swait.ge [sflag:s29], $0x1  }
0xb4: {  	[sflag:s29] =	ssyncadd.s32 $0xFFFFFFFF  }
0xb5: {  	_ =	strace $0x90000048  }
0xb6: {  	_ =	sfence  }
0xb7: {  	s30 =	sld [smem:$0x0];
	_ =	sdelay $0x2  }
0xb8: {  	s31 =	sshll.u32 s1, $0xD;
	s1 =	sshrl.u32 s1, $0x2  }
0xb9: {  	s3 =	sand.u32 $0x4000, s31;
	s1 =	sadd.s32 s1, s30  }
0xba: {  	s0 =	sor.u32 s3, s0;
	s1 =	sshll.u32 s1, $0x11  }
0xbb: {  	s0 =	sor.u32 s1, s0  }
0xbc: {  	s0 =	sadd.s32 $0x8F2B, s0  }
0xbd: {  	[sflag:s0] =	ssyncadd.remote.s32 $0x1  }
0xbe: {  	_ =	sfence.sel $0xFFFF  }
0xbf: {  	[dreg:$0x0] =	wrdreg $0xFFFFFFFF;
	(pc) =	sbr.abs _section_cstart, $3  }
0xc0: {  	[dreg:$0x1] =	wrdreg $0xFFFFFFFF  }
0xc1: {  	_ =	task.clear_ibuf [dreg:s6], $0x2FFFF;
	_ =	strace $0x9FFFFFFF  }
0xc2: {  	(tm) =	ssettm $0x7FFFFFFF  }
0xc3: {  	_ =	shalt  }
tec
execute0_lowered:
.L_overlay_start_1:
0x0: {  	(tag) =	ssettag $0x1  }
0x1: {  	s0 =	rddreg [dreg:$0x0]  }
0x2: {  	s2 =	rddreg [dreg:$0x1]  }
0x3: {  	s1 =	srdreg.scid;
	s9 =	stileid.u32  }
0x4: {  	s3 =	simm.s32 $0x0;
	s10 =	simm.s32 $0x200;
	s11 =	simm.s32 $0x2990  }
0x5: {  	s19 =	simm.s32 $0x1280;
	s20 =	simm.s32 $0x1480;
	s21 =	simm.s32 $0x1680  }
0x6: {  	s23 =	simm.s32 $0x1880;
	s25 =	simm.s32 $0x1A80;
	s28 =	simm.s32 $0x1E80  }
0x7: {  	s29 =	simm.s32 $0x2080;
	s30 =	simm.s32 $0x2280;
	s31 =	simm.s32 $0x2480  }
0x8: {  	s15 =	simm.s32 $0x0;
	s1 =	sand.u32 $0x1, s1;
	s6 =	smul.u32 $0xA00, s9  }
0x9: {  	s5 =	sshll.u32 s9, $0x1;
	[smem:$0x7FF] =	sst s3;
	s14 =	smul.u32 $0x500, s9  }
0xa: {  	s9 =	simm.s32 $0x280;
	s4 =	smul.u32 $0x5000, s1;
	s5 =	sor.u32 s1, s5  }
0xb: {  	_ =	strace $0x80000047;
	s1 =	ssub.s32 $0x2, s1;
	s5 =	smul.u32 $0x2710, s5  }
0xc: {  	s26 =	sshrl.u32 s1, $0x1;
	s6 =	sshrl.u32 s6, $0x2;
	s7 =	sadd.s32 s4, s0  }
0xd: {  	s1 =	ssub.s32 s1, s26;
	s4 =	sadd.s32 s6, s2;
	s0 =	sadd.s32 $0xC440, s0  }
0xe: {  	s6 =	simm.s32 $0x2B90;
	s26 =	simm.s32 $0x1C80;
	s8 =	sshrl.u32 s5, $0x3  }
0xf: {  	s13 =	sadd.s32 $0x16200, s7;
	s5 =	smax.u32 s1, $0x1;
	s7 =	simm.s32 $0x2  }
0x10: {  	s1 =	simm.s32 $0x1;
	s12 =	sadd.s32 $0x4C0, s8;
	s8 =	sadd.s32 s8, s0  }
0x11: {  	s24 =	sadd.s32 s14, s13;
	s13 =	simm.s32 $0x110;
	s14 =	simm.s32 $0x2E10  }
0x12: {  	v0 =	vimm.f32 $0.0e+00;
	v1 =	vimm.f32 $1.000000000e+00;
	s22 =	sadd.s32 s12, s0;
	s0 =	simm.s32 $0x2680;
	s12 =	simm.s32 $0x5610  }
.LBB2_1:
0x13: {  	[tilespmem:$0x2B90] =	vst v0  }
0x14: {  	[tilespmem:$0x2BA0] =	vst v0  }
0x15: {  	[tilespmem:$0x2BB0] =	vst v0  }
0x16: {  	[tilespmem:$0x2BC0] =	vst v0  }
0x17: {  	[tilespmem:$0x2BD0] =	vst v0  }
0x18: {  	[tilespmem:$0x2BE0] =	vst v0  }
0x19: {  	[tilespmem:$0x2BF0] =	vst v0  }
0x1a: {  	[tilespmem:$0x2C00] =	vst v0  }
0x1b: {  	[tilespmem:$0x2C10] =	vst v0  }
0x1c: {  	[tilespmem:$0x2C20] =	vst v0  }
0x1d: {  	[tilespmem:$0x2C30] =	vst v0  }
0x1e: {  	[tilespmem:$0x2C40] =	vst v0  }
0x1f: {  	[tilespmem:$0x2C50] =	vst v0  }
0x20: {  	[tilespmem:$0x2C60] =	vst v0  }
0x21: {  	[tilespmem:$0x2C70] =	vst v0  }
0x22: {  	[tilespmem:$0x2C80] =	vst v0  }
0x23: {  	[tilespmem:$0x2C90] =	vst v0  }
0x24: {  	[tilespmem:$0x2CA0] =	vst v0  }
0x25: {  	[tilespmem:$0x2CB0] =	vst v0  }
0x26: {  	[tilespmem:$0x2CC0] =	vst v0  }
0x27: {  	[tilespmem:$0x2CD0] =	vst v0  }
0x28: {  	[tilespmem:$0x2CE0] =	vst v0  }
0x29: {  	[tilespmem:$0x2CF0] =	vst v0  }
0x2a: {  	[tilespmem:$0x2D00] =	vst v0  }
0x2b: {  	[tilespmem:$0x2D10] =	vst v0  }
0x2c: {  	[tilespmem:$0x2D20] =	vst v0  }
0x2d: {  	[tilespmem:$0x2D30] =	vst v0  }
0x2e: {  	[tilespmem:$0x2D40] =	vst v0  }
0x2f: {  	[tilespmem:$0x2D50] =	vst v0  }
0x30: {  	[tilespmem:$0x2D60] =	vst v0  }
0x31: {  	[tilespmem:$0x2D70] =	vst v0  }
0x32: {  	[tilespmem:$0x2D80] =	vst v0  }
0x33: {  	[tilespmem:$0x2D90] =	vst v0  }
0x34: {  	[tilespmem:$0x2DA0] =	vst v0  }
0x35: {  	[tilespmem:$0x2DB0] =	vst v0  }
0x36: {  	[tilespmem:$0x2DC0] =	vst v0  }
0x37: {  	[tilespmem:$0x2DD0] =	vst v0  }
0x38: {  	[tilespmem:$0x2DE0] =	vst v0  }
0x39: {  	[tilespmem:$0x2DF0] =	vst v0  }
0x3a: {  	[tilespmem:$0x2E00] =	vst v0  }
0x3b: {  	[spmem:s4] =	stream.linear.scatter [tilespmem:s6], [sflag:$0x2], $0x280, $0x38;
	[tilespmem:$0x5720] =	vst v63  }
0x3c: {  	_ =	swait.ge [sflag:s7], $0x280  }
0x3d: {  	[sflag:s7] =	ssyncset.done $0x0  }
0x3e: {  	[sflag:s7] =	ssyncadd.s32 $0xFFFFFD80  }
0x3f: {  	[tilespmem:$0x2990] =	vst v1  }
0x40: {  	[tilespmem:$0x29A0] =	vst v1  }
0x41: {  	[tilespmem:$0x29B0] =	vst v1  }
0x42: {  	[tilespmem:$0x29C0] =	vst v1  }
0x43: {  	[tilespmem:$0x29D0] =	vst v1  }
0x44: {  	[tilespmem:$0x29E0] =	vst v1  }
0x45: {  	[tilespmem:$0x29F0] =	vst v1  }
0x46: {  	[tilespmem:$0x2A00] =	vst v1  }
0x47: {  	[tilespmem:$0x2A10] =	vst v1  }
0x48: {  	[tilespmem:$0x2A20] =	vst v1  }
0x49: {  	[tilespmem:$0x2A30] =	vst v1  }
0x4a: {  	[tilespmem:$0x2A40] =	vst v1  }
0x4b: {  	[tilespmem:$0x2A50] =	vst v1  }
0x4c: {  	[tilespmem:$0x2A60] =	vst v1  }
0x4d: {  	[tilespmem:$0x2A70] =	vst v1  }
0x4e: {  	[tilespmem:$0x2A80] =	vst v1  }
0x4f: {  	[tilespmem:$0x2A90] =	vst v1  }
0x50: {  	[tilespmem:$0x2AA0] =	vst v1  }
0x51: {  	[tilespmem:$0x2AB0] =	vst v1  }
0x52: {  	[tilespmem:$0x2AC0] =	vst v1  }
0x53: {  	[tilespmem:$0x2AD0] =	vst v1  }
0x54: {  	[tilespmem:$0x2AE0] =	vst v1  }
0x55: {  	[tilespmem:$0x2AF0] =	vst v1  }
0x56: {  	[tilespmem:$0x2B00] =	vst v1  }
0x57: {  	[tilespmem:$0x2B10] =	vst v1  }
0x58: {  	[tilespmem:$0x2B20] =	vst v1  }
0x59: {  	[tilespmem:$0x2B30] =	vst v1  }
0x5a: {  	[tilespmem:$0x2B40] =	vst v1  }
0x5b: {  	[tilespmem:$0x2B50] =	vst v1  }
0x5c: {  	[tilespmem:$0x2B60] =	vst v1  }
0x5d: {  	[tilespmem:$0x2B70] =	vst v1  }
0x5e: {  	[tilespmem:$0x2B80] =	vst v1  }
0x5f: {  	[tilespmem:s9], [sflag:$0x2] =	stream.linear.gather [hbm4b:s8+s3], $0x2710, $0x38;
	[tilespmem:$0x5720] =	vst v63  }
0x60: {  	_ =	swait.ge [sflag:s7], $0x2710  }
0x61: {  	[sflag:s7] =	ssyncset.done $0x0  }
0x62: {  	[sflag:s7] =	ssyncadd.s32 $0xFFFFD8F0  }
0x63: {  	[bflag:$0x0] =	sbarrier.arrive $0xFFFF  }
0x64: {  	[spmem:s2] =	stream.indirect.scatter.add.f32 [tilespmem:s11], [sflag:$0x1], $0x1, s9, s10, $0xb8;
	[tilespmem:$0x5720] =	vst v63  }
0x65: {  	s16 =	simm.s32 $0x480  }
0x66: {  	[spmem:s2] =	stream.indirect.scatter.add.f32 [tilespmem:s11], [sflag:$0x1], $0x1, s16, s10, $0xb8;
	[tilespmem:$0x5720] =	vst v63  }
0x67: {  	s18 =	simm.s32 $0x680  }
0x68: {  	[spmem:s2] =	stream.indirect.scatter.add.f32 [tilespmem:s11], [sflag:$0x1], $0x1, s18, s10, $0xb8;
	[tilespmem:$0x5720] =	vst v63  }
0x69: {  	s17 =	simm.s32 $0x880  }
0x6a: {  	[spmem:s2] =	stream.indirect.scatter.add.f32 [tilespmem:s11], [sflag:$0x1], $0x1, s17, s10, $0xb8;
	[tilespmem:$0x5720] =	vst v63  }
0x6b: {  	s18 =	simm.s32 $0xA80  }
0x6c: {  	[spmem:s2] =	stream.indirect.scatter.add.f32 [tilespmem:s11], [sflag:$0x1], $0x1, s18, s10, $0xb8;
	[tilespmem:$0x5720] =	vst v63  }
0x6d: {  	s17 =	simm.s32 $0xC80  }
0x6e: {  	[spmem:s2] =	stream.indirect.scatter.add.f32 [tilespmem:s11], [sflag:$0x1], $0x1, s17, s10, $0xb8;
	[tilespmem:$0x5720] =	vst v63  }
0x6f: {  	s18 =	simm.s32 $0xE80  }
0x70: {  	[spmem:s2] =	stream.indirect.scatter.add.f32 [tilespmem:s11], [sflag:$0x1], $0x1, s18, s10, $0xb8;
	[tilespmem:$0x5720] =	vst v63  }
0x71: {  	s17 =	simm.s32 $0x1080  }
0x72: {  	[spmem:s2] =	stream.indirect.scatter.add.f32 [tilespmem:s11], [sflag:$0x1], $0x1, s17, s10, $0xb8;
	[tilespmem:$0x5720] =	vst v63  }
0x73: {  	_ = 	snop  }
0x74: {  	[spmem:s2] =	stream.indirect.scatter.add.f32 [tilespmem:s11], [sflag:$0x1], $0x1, s19, s10, $0xb8;
	[tilespmem:$0x5720] =	vst v63  }
0x75: {  	_ = 	snop  }
0x76: {  	[spmem:s2] =	stream.indirect.scatter.add.f32 [tilespmem:s11], [sflag:$0x1], $0x1, s20, s10, $0xb8;
	[tilespmem:$0x5720] =	vst v63  }
0x77: {  	_ = 	snop  }
0x78: {  	[spmem:s2] =	stream.indirect.scatter.add.f32 [tilespmem:s11], [sflag:$0x1], $0x1, s21, s10, $0xb8;
	[tilespmem:$0x5720] =	vst v63  }
0x79: {  	_ = 	snop  }
0x7a: {  	[spmem:s2] =	stream.indirect.scatter.add.f32 [tilespmem:s11], [sflag:$0x1], $0x1, s23, s10, $0xb8;
	[tilespmem:$0x5720] =	vst v63  }
0x7b: {  	_ = 	snop  }
0x7c: {  	[spmem:s2] =	stream.indirect.scatter.add.f32 [tilespmem:s11], [sflag:$0x1], $0x1, s25, s10, $0xb8;
	[tilespmem:$0x5720] =	vst v63  }
0x7d: {  	_ = 	snop  }
0x7e: {  	[spmem:s2] =	stream.indirect.scatter.add.f32 [tilespmem:s11], [sflag:$0x1], $0x1, s26, s10, $0xb8;
	[tilespmem:$0x5720] =	vst v63  }
0x7f: {  	_ = 	snop  }
0x80: {  	[spmem:s2] =	stream.indirect.scatter.add.f32 [tilespmem:s11], [sflag:$0x1], $0x1, s28, s10, $0xb8;
	[tilespmem:$0x5720] =	vst v63  }
0x81: {  	_ = 	snop  }
0x82: {  	[spmem:s2] =	stream.indirect.scatter.add.f32 [tilespmem:s11], [sflag:$0x1], $0x1, s29, s10, $0xb8;
	[tilespmem:$0x5720] =	vst v63  }
0x83: {  	_ = 	snop  }
0x84: {  	[spmem:s2] =	stream.indirect.scatter.add.f32 [tilespmem:s11], [sflag:$0x1], $0x1, s30, s10, $0xb8;
	[tilespmem:$0x5720] =	vst v63  }
0x85: {  	_ = 	snop  }
0x86: {  	[spmem:s2] =	stream.indirect.scatter.add.f32 [tilespmem:s11], [sflag:$0x1], $0x1, s31, s10, $0xb8;
	[tilespmem:$0x5720] =	vst v63  }
0x87: {  	_ = 	snop  }
0x88: {  	[spmem:s2] =	stream.indirect.scatter.add.f32 [tilespmem:s11], [sflag:$0x1], $0x1, s0, s10, $0xb8;
	[tilespmem:$0x5720] =	vst v63  }
0x89: {  	_ =	swait.ge [sflag:s1], $0x200  }
0x8a: {  	[sflag:s1] =	ssyncset.done $0x0  }
0x8b: {  	[sflag:s1] =	ssyncadd.s32 $0xFFFFFE00  }
0x8c: {  	_ =	swait.ge [sflag:s1], $0x200  }
0x8d: {  	[sflag:s1] =	ssyncset.done $0x0  }
0x8e: {  	[sflag:s1] =	ssyncadd.s32 $0xFFFFFE00  }
0x8f: {  	_ =	swait.ge [sflag:s1], $0x200  }
0x90: {  	[sflag:s1] =	ssyncset.done $0x0  }
0x91: {  	[sflag:s1] =	ssyncadd.s32 $0xFFFFFE00  }
0x92: {  	_ =	swait.ge [sflag:s1], $0x200  }
0x93: {  	[sflag:s1] =	ssyncset.done $0x0  }
0x94: {  	[sflag:s1] =	ssyncadd.s32 $0xFFFFFE00  }
0x95: {  	_ =	swait.ge [sflag:s1], $0x200  }
0x96: {  	[sflag:s1] =	ssyncset.done $0x0  }
0x97: {  	[sflag:s1] =	ssyncadd.s32 $0xFFFFFE00  }
0x98: {  	_ =	swait.ge [sflag:s1], $0x200  }
0x99: {  	[sflag:s1] =	ssyncset.done $0x0  }
0x9a: {  	[sflag:s1] =	ssyncadd.s32 $0xFFFFFE00  }
0x9b: {  	_ =	swait.ge [sflag:s1], $0x200  }
0x9c: {  	[sflag:s1] =	ssyncset.done $0x0  }
0x9d: {  	[sflag:s1] =	ssyncadd.s32 $0xFFFFFE00  }
0x9e: {  	_ =	swait.ge [sflag:s1], $0x200  }
0x9f: {  	[sflag:s1] =	ssyncset.done $0x0  }
0xa0: {  	[sflag:s1] =	ssyncadd.s32 $0xFFFFFE00  }
0xa1: {  	_ =	swait.ge [sflag:s1], $0x200  }
0xa2: {  	[sflag:s1] =	ssyncset.done $0x0  }
0xa3: {  	[sflag:s1] =	ssyncadd.s32 $0xFFFFFE00  }
0xa4: {  	_ =	swait.ge [sflag:s1], $0x200  }
0xa5: {  	[sflag:s1] =	ssyncset.done $0x0  }
0xa6: {  	[sflag:s1] =	ssyncadd.s32 $0xFFFFFE00  }
0xa7: {  	_ =	swait.ge [sflag:s1], $0x200  }
0xa8: {  	[sflag:s1] =	ssyncset.done $0x0  }
0xa9: {  	[sflag:s1] =	ssyncadd.s32 $0xFFFFFE00  }
0xaa: {  	_ =	swait.ge [sflag:s1], $0x200  }
0xab: {  	[sflag:s1] =	ssyncset.done $0x0  }
0xac: {  	[sflag:s1] =	ssyncadd.s32 $0xFFFFFE00  }
0xad: {  	_ =	swait.ge [sflag:s1], $0x200  }
0xae: {  	[sflag:s1] =	ssyncset.done $0x0  }
0xaf: {  	[sflag:s1] =	ssyncadd.s32 $0xFFFFFE00  }
0xb0: {  	_ =	swait.ge [sflag:s1], $0x200  }
0xb1: {  	[sflag:s1] =	ssyncset.done $0x0  }
0xb2: {  	[sflag:s1] =	ssyncadd.s32 $0xFFFFFE00  }
0xb3: {  	_ =	swait.ge [sflag:s1], $0x200  }
0xb4: {  	[sflag:s1] =	ssyncset.done $0x0  }
0xb5: {  	[sflag:s1] =	ssyncadd.s32 $0xFFFFFE00  }
0xb6: {  	_ =	swait.ge [sflag:s1], $0x200  }
0xb7: {  	[sflag:s1] =	ssyncset.done $0x0  }
0xb8: {  	[sflag:s1] =	ssyncadd.s32 $0xFFFFFE00  }
0xb9: {  	_ =	swait.ge [sflag:s1], $0x200  }
0xba: {  	[sflag:s1] =	ssyncset.done $0x0  }
0xbb: {  	[sflag:s1] =	ssyncadd.s32 $0xFFFFFE00  }
0xbc: {  	_ =	swait.ge [sflag:s1], $0x200  }
0xbd: {  	[sflag:s1] =	ssyncset.done $0x0  }
0xbe: {  	[sflag:s1] =	ssyncadd.s32 $0xFFFFFE00  }
0xbf: {  	_ =	swait.ge [sflag:s1], $0x200  }
0xc0: {  	[sflag:s1] =	ssyncset.done $0x0  }
0xc1: {  	[sflag:s1] =	ssyncadd.s32 $0xFFFFFE00  }
0xc2: {  	[tilespmem:s12], [sflag:$0x2] =	stream.linear.gather [hbm4b:s22+s3], $0x110, $0x38;
	[tilespmem:$0x5720] =	vst v63  }
0xc3: {  	_ =	swait.ge [sflag:s7], $0x110  }
0xc4: {  	[sflag:s7] =	ssyncset.done $0x0  }
0xc5: {  	[sflag:s7] =	ssyncadd.s32 $0xFFFFFEF0  }
0xc6: {  	[spmem:s2] =	stream.indirect.scatter.add.f32 [tilespmem:s11], [sflag:$0x2], $0x1, s12, s13, $0xb8;
	[tilespmem:$0x5720] =	vst v63  }
0xc7: {  	_ =	swait.ge [sflag:s7], $0x110  }
0xc8: {  	[sflag:s7] =	ssyncset.done $0x0  }
0xc9: {  	[sflag:s7] =	ssyncadd.s32 $0xFFFFFEF0  }
0xca: {  	[bflag:$0x0] =	sbarrier.arrive $0xFFFF  }
0xcb: {  	[tilespmem:s6], [sflag:$0x2] =	stream.linear.gather [spmem:s4], $0x280, $0x38;
	[tilespmem:$0x5720] =	vst v63  }
0xcc: {  	_ =	swait.ge [sflag:s7], $0x280  }
0xcd: {  	[sflag:s7] =	ssyncset.done $0x0  }
0xce: {  	s18 =	simm.s32 $0x0;
	[sflag:s7] =	ssyncadd.s32 $0xFFFFFD80  }
0xcf: {  	v2 =	vld [tilespmem:s18+$0x2B90];
	_ =	sdelay $0x4  }
0xd0: {  	v3 =	vbroadcast v2, $0x0  }
0xd1: {  	s16 =	simm.s32 $0x2E90;
	v4 =	vbroadcast v2, $0x1  }
0xd2: {  	v5 =	vbroadcast v2, $0x2;
	[tilespmem:s16+$0xFFFFFF80] =	vst v3  }
0xd3: {  	v56 =	vbroadcast v2, $0x4;
	[tilespmem:s16+$0xFFFFFF90] =	vst v4  }
0xd4: {  	v57 =	vbroadcast v2, $0x5;
	[tilespmem:s16+$0xFFFFFFA0] =	vst v5  }
0xd5: {  	v58 =	vbroadcast v2, $0x7;
	[tilespmem:s16+$0xFFFFFFC0] =	vst v56  }
0xd6: {  	v59 =	vbroadcast v2, $0x8;
	[tilespmem:s16+$0xFFFFFFD0] =	vst v57  }
0xd7: {  	v60 =	vbroadcast v2, $0xA;
	[tilespmem:s16+$0xFFFFFFF0] =	vst v58  }
0xd8: {  	v3 =	vbroadcast v2, $0x3;
	[tilespmem:s16+$0x0] =	vst v59  }
0xd9: {  	v61 =	vbroadcast v2, $0xB;
	[tilespmem:s16+$0x20] =	vst v60  }
0xda: {  	[tilespmem:s16+$0xFFFFFFB0] =	vst v3;
	v3 =	vbroadcast v2, $0x6  }
0xdb: {  	v62 =	vbroadcast v2, $0xD;
	[tilespmem:s16+$0x30] =	vst v61  }
0xdc: {  	[tilespmem:s16+$0xFFFFFFE0] =	vst v3;
	v3 =	vbroadcast v2, $0x9  }
0xdd: {  	v63 =	vbroadcast v2, $0xE;
	[tilespmem:s16+$0x50] =	vst v62  }
0xde: {  	[tilespmem:s16+$0x10] =	vst v3;
	v3 =	vbroadcast v2, $0xC  }
0xdf: {  	[tilespmem:s16+$0x60] =	vst v63;
	v2 =	vbroadcast v2, $0xF  }
0xe0: {  	[tilespmem:s16+$0x40] =	vst v3  }
0xe1: {  	s17 =	simm.s32 $0x80;
	s18 =	simm.s32 $0x10;
	[tilespmem:s16+$0x70] =	vst v2  }
.LBB2_2:
0xe2: {  	p0 =	sne.s32 s17, $0x9C0;
	v2 =	vld [tilespmem:s18+$0x2B90];
	_ =	sdelay $0x4  }
0xe3: {  	v3 =	vbroadcast v2, $0x0;
	v4 =	vbroadcast v2, $0x1  }
0xe4: {  	s16 =	sadd.s32 $0x100, s16;
	v5 =	vbroadcast v2, $0x2;
	v6 =	vbroadcast v2, $0x3  }
0xe5: {  	v7 =	vbroadcast v2, $0x5;
	[tilespmem:s16+$0xFFFFFF80] =	vst v3;
	v3 =	vbroadcast v2, $0x4  }
0xe6: {  	v8 =	vbroadcast v2, $0x7;
	[tilespmem:s16+$0xFFFFFF90] =	vst v4;
	v4 =	vbroadcast v2, $0x6  }
0xe7: {  	v9 =	vbroadcast v2, $0x9;
	[tilespmem:s16+$0xFFFFFFA0] =	vst v5;
	v5 =	vbroadcast v2, $0x8  }
0xe8: {  	v10 =	vbroadcast v2, $0xB;
	[tilespmem:s16+$0xFFFFFFB0] =	vst v6;
	v6 =	vbroadcast v2, $0xA  }
0xe9: {  	v11 =	vbroadcast v2, $0xD;
	[tilespmem:s16+$0xFFFFFFC0] =	vst v3;
	v3 =	vbroadcast v2, $0xC  }
0xea: {  	[tilespmem:s16+$0xFFFFFFD0] =	vst v7;
	v7 =	vbroadcast v2, $0xE;
	v2 =	vbroadcast v2, $0xF  }
0xeb: {  	[tilespmem:s16+$0xFFFFFFE0] =	vst v4  }
0xec: {  	[tilespmem:s16+$0xFFFFFFF0] =	vst v8  }
0xed: {  	[tilespmem:s16+$0x0] =	vst v5  }
0xee: {  	[tilespmem:s16+$0x10] =	vst v9  }
0xef: {  	[tilespmem:s16+$0x20] =	vst v6  }
.Ltmp0:
0xf0: {  	[tilespmem:s16+$0x30] =	vst v10;
	(pc) =	sbr.rel @p0 .LBB2_2-.Ltmp0, $4  }
0xf1: {  	[tilespmem:s16+$0x40] =	vst v3  }
0xf2: {  	[tilespmem:s16+$0x50] =	vst v11  }
0xf3: {  	[tilespmem:s16+$0x60] =	vst v7  }
0xf4: {  	s18 =	sshra.s32 s17, $0x2;
	s17 =	sadd.s32 $0x40, s17;
	[tilespmem:s16+$0x70] =	vst v2  }
0xf5: {  	v2 =	vld [tilespmem:s18+$0x2B90];
	_ =	sdelay $0x4  }
0xf6: {  	v3 =	vbroadcast v2, $0x0  }
0xf7: {  	s16 =	sadd.s32 $0x100, s16;
	v4 =	vbroadcast v2, $0x1  }
0xf8: {  	v5 =	vbroadcast v2, $0x2;
	[tilespmem:s16+$0xFFFFFF80] =	vst v3  }
0xf9: {  	v56 =	vbroadcast v2, $0x4;
	[tilespmem:s16+$0xFFFFFF90] =	vst v4  }
0xfa: {  	v57 =	vbroadcast v2, $0x5;
	[tilespmem:s16+$0xFFFFFFA0] =	vst v5  }
0xfb: {  	v58 =	vbroadcast v2, $0x7;
	[tilespmem:s16+$0xFFFFFFC0] =	vst v56  }
0xfc: {  	v59 =	vbroadcast v2, $0x8;
	[tilespmem:s16+$0xFFFFFFD0] =	vst v57  }
0xfd: {  	v60 =	vbroadcast v2, $0xA;
	[tilespmem:s16+$0xFFFFFFF0] =	vst v58  }
0xfe: {  	v3 =	vbroadcast v2, $0x3;
	[tilespmem:s16+$0x0] =	vst v59  }
0xff: {  	v61 =	vbroadcast v2, $0xB;
	[tilespmem:s16+$0x20] =	vst v60  }
0x100: {  	[tilespmem:s16+$0xFFFFFFB0] =	vst v3;
	v3 =	vbroadcast v2, $0x6  }
0x101: {  	v62 =	vbroadcast v2, $0xD;
	[tilespmem:s16+$0x30] =	vst v61  }
0x102: {  	[tilespmem:s16+$0xFFFFFFE0] =	vst v3;
	v3 =	vbroadcast v2, $0x9  }
0x103: {  	v63 =	vbroadcast v2, $0xE;
	[tilespmem:s16+$0x50] =	vst v62  }
0x104: {  	[tilespmem:s16+$0x10] =	vst v3;
	v3 =	vbroadcast v2, $0xC  }
0x105: {  	s15 =	sadd.s32 $0x1, s15;
	[tilespmem:s16+$0x60] =	vst v63;
	v2 =	vbroadcast v2, $0xF  }
0x106: {  	p0 =	sne.s32 s15, s5;
	[tilespmem:s16+$0x40] =	vst v3  }
.Ltmp1:
0x107: {  	[tilespmem:s16+$0x70] =	vst v2;
	(pc) =	sbr.rel @p0 .LBB2_1-.Ltmp1, $4  }
0x108: {  	[hbm4b:s24+s3] =	stream.linear.scatter [tilespmem:s14], [sflag:$0x2], $0x2800, $0x38;
	[tilespmem:$0x5720] =	vst v63  }
0x109: {  	_ =	swait.ge [sflag:s7], $0x2800  }
0x10a: {  	[sflag:s7] =	ssyncset.done $0x0  }
0x10b: {  	[sflag:s7] =	ssyncadd.s32 $0xFFFFD800  }
0x10c: {  	_ =	sfence.sel $0x180000  }
0x10d: {  	[bflag:$0x0] =	sbarrier.arrive $0xFFFF  }
0x10e: {  	_ =	strace $0x90000047  }
0x10f: {  	s0 =	stileid.u32;
	[bflag:$0x2] =	sbarrier.arrive $0xFFFF  }
0x110: {  	p0 =	sne.s32 s0, $0x0;
	s0 =	rddreg [dreg:$0x2]  }
0x111: {  	s0 =	sadd.s32 @!p0 $0x100000, s0  }
0x112: {  	[sflag:s0] =	ssyncadd.tile.s32 @!p0 $0x1;
	_ =	shalt  }
.Lfunc_end2:
_tile_overlayer_lowered:
.L_overlay_start_2:
0x113: {  	(tag) =	ssettag $0x2  }
0x114: {  	s0 =	rddreg [dreg:$0x0];
	s2 =	stileid.u32  }
0x115: {  	s1 =	rddreg [dreg:$0x1];
	p0 =	sne.s32 s2, $0x0  }
0x116: {  	s3 =	rddreg [dreg:$0x2];
	[bflag:$0x3] =	sbarrier.arrive $0xFFFF;
	s2 =	simm.s32 @!p0 $0x1C02  }
0x117: {  	[timem:s3], [sflag:s2] =	dma.local @!p0 [hbm:s0], s1  }
0x118: {  	s0 =	simm.s32 @!p0 $0x2  }
0x119: {  	_ =	swait.ge @!p0 [sflag:s0], s1  }
0x11a: {  	s1 =	ssub.s32 @!p0 $0x0, s1;
	[sflag:s0] =	ssyncset.done @!p0 $0x0  }
0x11b: {  	[sflag:s0] =	ssyncadd.s32 @!p0 s1  }
0x11c: {  	[bflag:$0x3] =	sbarrier.arrive $0xFFFF  }
0x11d: {  	_ =	shalt  }

</sc_bundles>
